<compile_context>
chip_gen: v7x
topology: tpu7x:2x2x1
jax: 0.10.2.dev20260603
libtpu: 0.0.44.dev20260713+nightly
codegen_flags: <defaults>
</compile_context>

<pallas_src>
import functools

import jax
import jax.numpy as jnp
from jax import lax
from jax.experimental import pallas as pl
from jax.experimental.pallas import tpu as pltpu
from jax.experimental.pallas import tpu_sc as plsc

L = 16
NC = 2
NS = 16
NW = NC * NS
K = 32
SL = 8


def _permute(v, idx):
  return jnp.take_along_axis(v, idx, axis=0, mode="promise_in_bounds")


def _butterfly_levels(lane):
  levels = []
  w = L
  while w > 1:
    h = w // 2
    fold = lane ^ h
    src = ((lane // (2 * h)) * w) + (lane % h)
    pick = (1 - ((lane // h) % 2)).astype(jnp.float32)
    levels.append((fold, src, pick))
    w = h
  return levels


_POS = (0, 8, 4, 12, 2, 10, 6, 14, 1, 9, 5, 13, 3, 11, 7, 15)


@functools.lru_cache(maxsize=None)
def _build(B):
  bpw = B // NW
  chunks = bpw // L
  mesh = plsc.VectorSubcoreMesh(core_axis_name="c", subcore_axis_name="s")

  @functools.partial(
      pl.kernel,
      out_type=jax.ShapeDtypeStruct((NC * L,), jnp.float32),
      mesh=mesh,
      compiler_params=pltpu.CompilerParams(
          use_tc_tiling_on_sc=False, needs_layout_passes=False),
      scratch_types=[
          pltpu.VMEM((bpw,), jnp.int32),
          pltpu.VMEM((bpw,), jnp.int32),
          pltpu.VMEM((bpw,), jnp.float32),
          pltpu.VMEM((L,), jnp.float32),
          pltpu.VMEM((bpw,), jnp.float32),
          pltpu.VMEM((bpw,), jnp.float32),
          pltpu.VMEM((2, L, K), jnp.float32),
          pltpu.VMEM((2, L, K), jnp.float32),
          pltpu.VMEM((L,), jnp.float32),
          pltpu.VMEM((NS * L,), jnp.float32),
          pltpu.VMEM_SHARED((NS * L,), jnp.float32),
          pltpu.SemaphoreType.DMA,
          pltpu.SemaphoreType.DMA,
          pltpu.SemaphoreType.DMA,
      ],
  )
  def sc_loss(u_hbm, i_hbm, r_hbm, a_hbm, bU_hbm, bI_hbm, gU_hbm, gI_hbm,
              out_hbm, idxu_v, idxi_v, r_v, a_v, bu_v, bi_v, gu_b, gi_b,
              accv, red_v, shared, sem, sem_g0, sem_g1):
    cid = lax.axis_index("c")
    sid = lax.axis_index("s")
    base = (cid * NS + sid) * bpw

    cps = [
        pltpu.async_copy(u_hbm.at[pl.ds(base, bpw)], idxu_v, sem),
        pltpu.async_copy(i_hbm.at[pl.ds(base, bpw)], idxi_v, sem),
        pltpu.async_copy(r_hbm.at[pl.ds(base, bpw)], r_v, sem),
        pltpu.async_copy(a_hbm, a_v, sem),
    ]
    for cp in cps:
      cp.wait()

    beta_cps = [
        pltpu.async_copy(bU_hbm.at[idxu_v], bu_v, sem),
        pltpu.async_copy(bI_hbm.at[idxi_v], bi_v, sem),
    ]

    sems = (sem_g0, sem_g1)

    def gather(c, par):
      row0 = c * L
      uvec = idxu_v[pl.ds(row0, L)]
      ivec = idxi_v[pl.ds(row0, L)]
      sg = sems[par]
      pltpu.async_copy(gU_hbm.at[uvec], gu_b.at[par], sg)
      pltpu.async_copy(gI_hbm.at[ivec], gi_b.at[par], sg)

    def drain(par):
      sg = sems[par]
      pltpu.make_async_copy(gU_hbm.at[pl.ds(0, L)], gu_b.at[par], sg).wait()
      pltpu.make_async_copy(gI_hbm.at[pl.ds(0, L)], gi_b.at[par], sg).wait()

    gather(0, 0)
    for cp in beta_cps:
      cp.wait()

    alpha_vec = a_v[...]
    lane = lax.iota(jnp.int32, L)
    levels = _butterfly_levels(lane)

    def compute(c, par, acc):
      row0 = c * L
      uvec = idxu_v[pl.ds(row0, L)]
      ivec = idxi_v[pl.ds(row0, L)]
      ps = []
      for s in range(L):
        j = _POS[s]
        ps.append(
            gu_b[par, j, pl.ds(0, L)] * gi_b[par, j, pl.ds(0, L)]
            + gu_b[par, j, pl.ds(L, L)] * gi_b[par, j, pl.ds(L, L)])
      for fold, src, pick in levels:
        nxt = []
        for m in range(0, len(ps), 2):
          af = ps[m] + _permute(ps[m], fold)
          bf = ps[m + 1] + _permute(ps[m + 1], fold)
          pa = _permute(af, src)
          pb = _permute(bf, src)
          nxt.append(pb + (pa - pb) * pick)
        ps = nxt
      dots = ps[0]
      pred = alpha_vec + bu_v[pl.ds(row0, L)] + bi_v[pl.ds(row0, L)] + dots
      d = pred - r_v[pl.ds(row0, L)]
      return acc + d * d

    def pair(h, acc):
      c0 = 2 * h
      gather(c0 + 1, 1)
      drain(0)
      acc = compute(c0, 0, acc)

      @pl.when(c0 + 2 < chunks)
      def _():
        gather(c0 + 2, 0)

      drain(1)
      return compute(c0 + 1, 1, acc)

    acc = lax.fori_loop(0, chunks // 2, pair, alpha_vec * 0.0)

    accv[...] = acc
    pltpu.sync_copy(accv, shared.at[pl.ds(sid * L, L)])
    plsc.subcore_barrier()

    @pl.when(sid == 0)
    def _():
      pltpu.sync_copy(shared, red_v)
      tot = red_v[pl.ds(0, L)]
      for s in range(1, NS):
        tot = tot + red_v[pl.ds(s * L, L)]
      for fold, _, _ in levels:
        tot = tot + _permute(tot, fold)
      accv[...] = tot * (0.5 / B)
      pltpu.sync_copy(accv, out_hbm.at[pl.ds(cid * L, L)])

  return sc_loss


def kernel(sampleU, sampleI, sampleR, alpha, betaU, betaI, gammaU, gammaI):
  B = sampleU.shape[0]
  alpha_vec = jnp.full((L,), alpha, jnp.float32)
  out = _build(B)(sampleU, sampleI, sampleR, alpha_vec,
                  betaU, betaI, gammaU, gammaI)
  return out[0] + out[L]

# --- scband reference (transcript-rebuilt; emitter-appended) ---
"""Pipeline reference for scband-latent-factor-model-64707977282108 (READ-ONLY COPY).

The authoritative reference and input builder live on the scoring server;
editing this copy changes nothing except your own understanding.
"""

import jax, jax.numpy as jnp
import numpy as np

N_USERS = 1000000
N_ITEMS = 1000000
K = 32
BATCH = 16384
MU = 3.5

def setup_inputs(seed: int = 0) -> dict:
    key = jax.random.key(seed)
    kU, kI, kR, k1, k2, k3, k4 = jax.random.split(key, 7)
    sampleU = jax.random.randint(kU, (BATCH,), 0, N_USERS, dtype=jnp.int32)
    sampleI = jax.random.randint(kI, (BATCH,), 0, N_ITEMS, dtype=jnp.int32)
    sampleR = jax.random.uniform(kR, (BATCH,), dtype=jnp.float32, minval=0.0, maxval=5.0)
    alpha = jnp.asarray(MU, dtype=jnp.float32)
    betaU = (jax.random.normal(k1, (N_USERS,), dtype=jnp.float32) * 0.001)
    betaI = (jax.random.normal(k2, (N_ITEMS,), dtype=jnp.float32) * 0.001)
    gammaU = (jax.random.normal(k3, (N_USERS, K), dtype=jnp.float32) * 0.001)
    gammaI = (jax.random.normal(k4, (N_ITEMS, K), dtype=jnp.float32) * 0.001)
    return {"sampleU": sampleU, "sampleI": sampleI, "sampleR": sampleR,
            "alpha": alpha, "betaU": betaU, "betaI": betaI,
            "gammaU": gammaU, "gammaI": gammaI}

def reference(sampleU, sampleI, sampleR, alpha, betaU, betaI, gammaU, gammaI):
    # predictSample: embedding lookups + dot product
    beta_u = jnp.take(betaU, sampleU, axis=0)
    beta_i = jnp.take(betaI, sampleI, axis=0)
    gamma_u = jnp.take(gammaU, sampleU, axis=0)
    gamma_i = jnp.take(gammaI, sampleI, axis=0)
    pred = alpha + beta_u + beta_i + jnp.sum(gamma_u * gamma_i, axis=1)
    # call: tf.nn.l2_loss(pred - r) / len(sampleR); l2_loss = sum(x**2)/2
    diff = pred - sampleR
    loss = jnp.sum(diff * diff) / 2.0 / sampleR.shape[0]
    return loss

if __name__ == "__main__":
    import jax
    _d = setup_inputs()
    print(jax.jit(kernel)(*tuple(_d.values())))

</pallas_src>

<mosaic_0001>
#map = affine_map<(d0, d1) -> (0)>
#map1 = affine_map<(d0, d1) -> (0, 0)>
module attributes {stable_mosaic.version = 14 : i64} {
  func.func @sc_loss(%arg0: i32, %arg1: i32, %arg2: memref<16384xi32, #tpu.memory_space<hbm>>, %arg3: memref<16384xi32, #tpu.memory_space<hbm>>, %arg4: memref<16384xf32, #tpu.memory_space<hbm>>, %arg5: memref<16xf32, #tpu.memory_space<hbm>>, %arg6: memref<1000000xf32, #tpu.memory_space<hbm>>, %arg7: memref<1000000xf32, #tpu.memory_space<hbm>>, %arg8: memref<1000000x32xf32, #tpu.memory_space<hbm>>, %arg9: memref<1000000x32xf32, #tpu.memory_space<hbm>>, %arg10: memref<32xf32, #tpu.memory_space<hbm>>, %arg11: memref<512xi32, #tpu.memory_space<vmem>>, %arg12: memref<512xi32, #tpu.memory_space<vmem>>, %arg13: memref<512xf32, #tpu.memory_space<vmem>>, %arg14: memref<16xf32, #tpu.memory_space<vmem>>, %arg15: memref<512xf32, #tpu.memory_space<vmem>>, %arg16: memref<512xf32, #tpu.memory_space<vmem>>, %arg17: memref<2x16x32xf32, #tpu.memory_space<vmem>>, %arg18: memref<2x16x32xf32, #tpu.memory_space<vmem>>, %arg19: memref<16xf32, #tpu.memory_space<vmem>>, %arg20: memref<256xf32, #tpu.memory_space<vmem>>, %arg21: memref<256xf32, #tpu.memory_space<vmem_shared>>, %arg22: memref<!tpu.dma_semaphore, #tpu.memory_space<semaphore_mem>>, %arg23: memref<!tpu.dma_semaphore, #tpu.memory_space<semaphore_mem>>, %arg24: memref<!tpu.dma_semaphore, #tpu.memory_space<semaphore_mem>>) attributes {dimension_semantics = [#tpu.dimension_semantics<core_parallel>, #tpu.dimension_semantics<subcore_parallel>], iteration_bounds = array<i64: 2, 16>, scalar_prefetch = 0 : i64, scratch_operands = 14 : i64, tpu.core_type = #tpu.core_type<sc_vector_subcore>, window_params = [{transform_indices = #map}, {transform_indices = #map}, {transform_indices = #map}, {transform_indices = #map}, {transform_indices = #map}, {transform_indices = #map}, {transform_indices = #map1}, {transform_indices = #map1}, {transform_indices = #map}]} {
    %mul3A = arith.constant 16 : i32
    %mul3A_0 = arith.muli %arg0, %mul3A : i32
    %add3A = arith.addi %mul3A_0, %arg1 : i32
    %mul3A_1 = arith.constant 512 : i32
    %mul3A_2 = arith.muli %add3A, %mul3A_1 : i32
    %dma_start3A = tpu.memref_slice %arg2[%mul3A_2] : memref<16384xi32, #tpu.memory_space<hbm>> -> memref<512xi32, #tpu.memory_space<hbm>>
    %dma_start3A_3 = tpu.memref_slice %arg2[%mul3A_2] : memref<16384xi32, #tpu.memory_space<hbm>> -> memref<512xi32, #tpu.memory_space<hbm>>
    tpu.enqueue_dma source(%dma_start3A_3 : memref<512xi32, #tpu.memory_space<hbm>>) target(%arg11 : memref<512xi32, #tpu.memory_space<vmem>>) target_semaphore(%arg22 : memref<!tpu.dma_semaphore, #tpu.memory_space<semaphore_mem>>)
    %dma_start3A_4 = tpu.memref_slice %arg3[%mul3A_2] : memref<16384xi32, #tpu.memory_space<hbm>> -> memref<512xi32, #tpu.memory_space<hbm>>
    %dma_start3A_5 = tpu.memref_slice %arg3[%mul3A_2] : memref<16384xi32, #tpu.memory_space<hbm>> -> memref<512xi32, #tpu.memory_space<hbm>>
    tpu.enqueue_dma source(%dma_start3A_5 : memref<512xi32, #tpu.memory_space<hbm>>) target(%arg12 : memref<512xi32, #tpu.memory_space<vmem>>) target_semaphore(%arg22 : memref<!tpu.dma_semaphore, #tpu.memory_space<semaphore_mem>>)
    %dma_start3A_6 = tpu.memref_slice %arg4[%mul3A_2] : memref<16384xf32, #tpu.memory_space<hbm>> -> memref<512xf32, #tpu.memory_space<hbm>>
    %dma_start3A_7 = tpu.memref_slice %arg4[%mul3A_2] : memref<16384xf32, #tpu.memory_space<hbm>> -> memref<512xf32, #tpu.memory_space<hbm>>
    tpu.enqueue_dma source(%dma_start3A_7 : memref<512xf32, #tpu.memory_space<hbm>>) target(%arg13 : memref<512xf32, #tpu.memory_space<vmem>>) target_semaphore(%arg22 : memref<!tpu.dma_semaphore, #tpu.memory_space<semaphore_mem>>)
    tpu.enqueue_dma source(%arg5 : memref<16xf32, #tpu.memory_space<hbm>>) target(%arg14 : memref<16xf32, #tpu.memory_space<vmem>>) target_semaphore(%arg22 : memref<!tpu.dma_semaphore, #tpu.memory_space<semaphore_mem>>)
    %dma_wait3A = tpu.memref_slice %arg2[%mul3A_2] : memref<16384xi32, #tpu.memory_space<hbm>> -> memref<512xi32, #tpu.memory_space<hbm>>
    %dma_wait3A_8 = tpu.memref_slice %arg2[%mul3A_2] : memref<16384xi32, #tpu.memory_space<hbm>> -> memref<512xi32, #tpu.memory_space<hbm>>
    tpu.wait_dma2 semaphore(%arg22 : memref<!tpu.dma_semaphore, #tpu.memory_space<semaphore_mem>>) src(%dma_wait3A_8 : memref<512xi32, #tpu.memory_space<hbm>>) dst(%arg11 : memref<512xi32, #tpu.memory_space<vmem>>)
    %dma_wait3A_9 = tpu.memref_slice %arg3[%mul3A_2] : memref<16384xi32, #tpu.memory_space<hbm>> -> memref<512xi32, #tpu.memory_space<hbm>>
    %dma_wait3A_10 = tpu.memref_slice %arg3[%mul3A_2] : memref<16384xi32, #tpu.memory_space<hbm>> -> memref<512xi32, #tpu.memory_space<hbm>>
    tpu.wait_dma2 semaphore(%arg22 : memref<!tpu.dma_semaphore, #tpu.memory_space<semaphore_mem>>) src(%dma_wait3A_10 : memref<512xi32, #tpu.memory_space<hbm>>) dst(%arg12 : memref<512xi32, #tpu.memory_space<vmem>>)
    %dma_wait3A_11 = tpu.memref_slice %arg4[%mul3A_2] : memref<16384xf32, #tpu.memory_space<hbm>> -> memref<512xf32, #tpu.memory_space<hbm>>
    %dma_wait3A_12 = tpu.memref_slice %arg4[%mul3A_2] : memref<16384xf32, #tpu.memory_space<hbm>> -> memref<512xf32, #tpu.memory_space<hbm>>
    tpu.wait_dma2 semaphore(%arg22 : memref<!tpu.dma_semaphore, #tpu.memory_space<semaphore_mem>>) src(%dma_wait3A_12 : memref<512xf32, #tpu.memory_space<hbm>>) dst(%arg13 : memref<512xf32, #tpu.memory_space<vmem>>)
    tpu.wait_dma2 semaphore(%arg22 : memref<!tpu.dma_semaphore, #tpu.memory_space<semaphore_mem>>) src(%arg5 : memref<16xf32, #tpu.memory_space<hbm>>) dst(%arg14 : memref<16xf32, #tpu.memory_space<vmem>>)
    %dma_start3A_13 = arith.constant 0 : i32
    %dma_start3A_14 = tpu.memref_slice %arg6[%dma_start3A_13] : memref<1000000xf32, #tpu.memory_space<hbm>> -> memref<1000000xf32, #tpu.memory_space<hbm>>
    tpu.enqueue_indirect_dma source(%dma_start3A_14 : memref<1000000xf32, #tpu.memory_space<hbm>>) target(%arg15 : memref<512xf32, #tpu.memory_space<vmem>>) offsets(%arg11 : memref<512xi32, #tpu.memory_space<vmem>>) semaphore(%arg22 : memref<!tpu.dma_semaphore, #tpu.memory_space<semaphore_mem>>)
    %dma_start3A_15 = arith.constant 0 : i32
    %dma_start3A_16 = tpu.memref_slice %arg7[%dma_start3A_15] : memref<1000000xf32, #tpu.memory_space<hbm>> -> memref<1000000xf32, #tpu.memory_space<hbm>>
    tpu.enqueue_indirect_dma source(%dma_start3A_16 : memref<1000000xf32, #tpu.memory_space<hbm>>) target(%arg16 : memref<512xf32, #tpu.memory_space<vmem>>) offsets(%arg12 : memref<512xi32, #tpu.memory_space<vmem>>) semaphore(%arg22 : memref<!tpu.dma_semaphore, #tpu.memory_space<semaphore_mem>>)
    %get3A = arith.constant 0 : index
    %get3A_17 = tpu.vector_load %arg11[%get3A] {strides = array<i32>} : memref<512xi32, #tpu.memory_space<vmem>>, vector<16xi32>,
    %get3A_18 = arith.constant 0 : index
    %get3A_19 = tpu.vector_load %arg12[%get3A_18] {strides = array<i32>} : memref<512xi32, #tpu.memory_space<vmem>>, vector<16xi32>,
    %dma_start3A_20 = arith.constant 0 : i32
    %dma_start3A_21 = arith.constant 0 : i32
    %dma_start3A_22 = arith.constant 0 : i32
    %dma_start3A_23 = tpu.memref_slice %arg17[%dma_start3A_20, %dma_start3A_21, %dma_start3A_22] : memref<2x16x32xf32, #tpu.memory_space<vmem>> -> memref<1x16x32xf32, #tpu.memory_space<vmem>>
    %dma_start3A_24 = tpu.memref_squeeze %dma_start3A_23 : memref<1x16x32xf32, #tpu.memory_space<vmem>> -> memref<16x32xf32, #tpu.memory_space<vmem>>
    %dma_start3A_25 = arith.constant 0 : i32
    %dma_start3A_26 = arith.constant 0 : i32
    %dma_start3A_27 = tpu.memref_slice %arg8[%dma_start3A_25, %dma_start3A_26] : memref<1000000x32xf32, #tpu.memory_space<hbm>> -> memref<1000000x32xf32, #tpu.memory_space<hbm>>
    tpu.enqueue_indirect_dma source(%dma_start3A_27 : memref<1000000x32xf32, #tpu.memory_space<hbm>>) target(%dma_start3A_24 : memref<16x32xf32, #tpu.memory_space<vmem>>) offsets(%get3A_17 : vector<16xi32>) semaphore(%arg23 : memref<!tpu.dma_semaphore, #tpu.memory_space<semaphore_mem>>)
    %dma_start3A_28 = arith.constant 0 : i32
    %dma_start3A_29 = arith.constant 0 : i32
    %dma_start3A_30 = arith.constant 0 : i32
    %dma_start3A_31 = tpu.memref_slice %arg18[%dma_start3A_28, %dma_start3A_29, %dma_start3A_30] : memref<2x16x32xf32, #tpu.memory_space<vmem>> -> memref<1x16x32xf32, #tpu.memory_space<vmem>>
    %dma_start3A_32 = tpu.memref_squeeze %dma_start3A_31 : memref<1x16x32xf32, #tpu.memory_space<vmem>> -> memref<16x32xf32, #tpu.memory_space<vmem>>
    %dma_start3A_33 = arith.constant 0 : i32
    %dma_start3A_34 = arith.constant 0 : i32
    %dma_start3A_35 = tpu.memref_slice %arg9[%dma_start3A_33, %dma_start3A_34] : memref<1000000x32xf32, #tpu.memory_space<hbm>> -> memref<1000000x32xf32, #tpu.memory_space<hbm>>
    tpu.enqueue_indirect_dma source(%dma_start3A_35 : memref<1000000x32xf32, #tpu.memory_space<hbm>>) target(%dma_start3A_32 : memref<16x32xf32, #tpu.memory_space<vmem>>) offsets(%get3A_19 : vector<16xi32>) semaphore(%arg23 : memref<!tpu.dma_semaphore, #tpu.memory_space<semaphore_mem>>)
    %dma_wait3A_36 = arith.constant 0 : i32
    %dma_wait3A_37 = tpu.memref_slice %arg6[%dma_wait3A_36] : memref<1000000xf32, #tpu.memory_space<hbm>> -> memref<1000000xf32, #tpu.memory_space<hbm>>
    tpu.wait_indirect_dma semaphore(%arg22 : memref<!tpu.dma_semaphore, #tpu.memory_space<semaphore_mem>>) src(%dma_wait3A_37 : memref<1000000xf32, #tpu.memory_space<hbm>>) dst(%arg15 : memref<512xf32, #tpu.memory_space<vmem>>)
    %dma_wait3A_38 = arith.constant 0 : i32
    %dma_wait3A_39 = tpu.memref_slice %arg7[%dma_wait3A_38] : memref<1000000xf32, #tpu.memory_space<hbm>> -> memref<1000000xf32, #tpu.memory_space<hbm>>
    tpu.wait_indirect_dma semaphore(%arg22 : memref<!tpu.dma_semaphore, #tpu.memory_space<semaphore_mem>>) src(%dma_wait3A_39 : memref<1000000xf32, #tpu.memory_space<hbm>>) dst(%arg16 : memref<512xf32, #tpu.memory_space<vmem>>)
    %get3A_40 = arith.constant 0 : index
    %get3A_41 = tpu.vector_load %arg14[%get3A_40] {strides = array<i32>} : memref<16xf32, #tpu.memory_space<vmem>>, vector<16xf32>,
    %iota3A = tpu.iota {dimensions = array<i32: 0>} : vector<16xi32>
    %xor3A = arith.constant 8 : i32
    %xor3A_42 = vector.broadcast %xor3A : i32 to vector<16xi32>
    %xor3A_43 = arith.xori %iota3A, %xor3A_42 : vector<16xi32>
    %jit3A = arith.constant 16 : i32
    %div3A = vector.broadcast %jit3A : i32 to vector<16xi32>
    %div3A_44 = arith.divsi %iota3A, %div3A : vector<16xi32>
    %sign3A = arith.constant 0 : i32
    %sign3A_45 = vector.broadcast %sign3A : i32 to vector<16xi32>
    %sign3A_46 = arith.cmpi sgt, %iota3A, %sign3A_45 : vector<16xi32>
    %sign3A_47 = arith.extui %sign3A_46 : vector<16xi1> to vector<16xi32>
    %sign3A_48 = arith.constant 0 : i32
    %sign3A_49 = vector.broadcast %sign3A_48 : i32 to vector<16xi32>
    %sign3A_50 = arith.cmpi slt, %iota3A, %sign3A_49 : vector<16xi32>
    %sign3A_51 = arith.extui %sign3A_50 : vector<16xi1> to vector<16xi32>
    %sign3A_52 = arith.subi %sign3A_47, %sign3A_51 : vector<16xi32>
    %sign3A_53 = arith.constant 0 : i32
    %sign3A_54 = arith.cmpi sgt, %jit3A, %sign3A_53 : i32
    %sign3A_55 = arith.extui %sign3A_54 : i1 to i32
    %sign3A_56 = arith.constant 0 : i32
    %sign3A_57 = arith.cmpi slt, %jit3A, %sign3A_56 : i32
    %sign3A_58 = arith.extui %sign3A_57 : i1 to i32
    %sign3A_59 = arith.subi %sign3A_55, %sign3A_58 : i32
    %ne3A = vector.broadcast %sign3A_59 : i32 to vector<16xi32>
    %ne3A_60 = arith.cmpi ne, %sign3A_52, %ne3A : vector<16xi32>
    %rem3A = vector.broadcast %jit3A : i32 to vector<16xi32>
    %rem3A_61 = arith.remsi %iota3A, %rem3A : vector<16xi32>
    %ne3A_62 = arith.constant 0 : i32
    %ne3A_63 = vector.broadcast %ne3A_62 : i32 to vector<16xi32>
    %ne3A_64 = arith.cmpi ne, %rem3A_61, %ne3A_63 : vector<16xi32>
    %and3A = arith.andi %ne3A_60, %ne3A_64 : vector<16xi1>
    %sub3A = arith.constant 1 : i32
    %sub3A_65 = vector.broadcast %sub3A : i32 to vector<16xi32>
    %sub3A_66 = arith.subi %div3A_44, %sub3A_65 : vector<16xi32>
    %select_n3A = arith.select %and3A, %sub3A_66, %div3A_44 : vector<16xi1>, vector<16xi32>
    %mul3A_67 = arith.constant 16 : i32
    %mul3A_68 = vector.broadcast %mul3A_67 : i32 to vector<16xi32>
    %mul3A_69 = arith.muli %select_n3A, %mul3A_68 : vector<16xi32>
    %jit3A_70 = arith.constant 8 : i32
    %eq3A = arith.constant 0 : i32
    %eq3A_71 = arith.cmpi eq, %jit3A_70, %eq3A : i32
    %jit3A_72 = arith.constant 1 : i32
    %select_n3A_73 = arith.select %eq3A_71, %jit3A_72, %jit3A_70 : i32
    %rem3A_74 = vector.broadcast %select_n3A_73 : i32 to vector<16xi32>
    %rem3A_75 = arith.remsi %iota3A, %rem3A_74 : vector<16xi32>
    %ne3A_76 = arith.constant 0 : i32
    %ne3A_77 = vector.broadcast %ne3A_76 : i32 to vector<16xi32>
    %ne3A_78 = arith.cmpi ne, %rem3A_75, %ne3A_77 : vector<16xi32>
    %lt3A = arith.constant 0 : i32
    %lt3A_79 = vector.broadcast %lt3A : i32 to vector<16xi32>
    %lt3A_80 = arith.cmpi slt, %rem3A_75, %lt3A_79 : vector<16xi32>
    %lt3A_81 = arith.constant 0 : i32
    %lt3A_82 = arith.cmpi slt, %select_n3A_73, %lt3A_81 : i32
    %ne3A_83 = vector.broadcast %lt3A_82 : i1 to vector<16xi1>
    %ne3A_84 = vector.broadcast %ne3A_83 : vector<16xi1> to vector<16xi1>
    %ne3A_85 = arith.xori %lt3A_80, %ne3A_84 : vector<16xi1>
    %and3A_86 = arith.andi %ne3A_85, %ne3A_78 : vector<16xi1>
    %add3A_87 = vector.broadcast %select_n3A_73 : i32 to vector<16xi32>
    %add3A_88 = arith.addi %rem3A_75, %add3A_87 : vector<16xi32>
    %select_n3A_89 = arith.select %and3A_86, %add3A_88, %rem3A_75 : vector<16xi1>, vector<16xi32>
    %add3A_90 = arith.addi %mul3A_69, %select_n3A_89 : vector<16xi32>
    %jit3A_91 = arith.constant 8 : i32
    %div3A_92 = vector.broadcast %jit3A_91 : i32 to vector<16xi32>
    %div3A_93 = arith.divsi %iota3A, %div3A_92 : vector<16xi32>
    %sign3A_94 = arith.constant 0 : i32
    %sign3A_95 = vector.broadcast %sign3A_94 : i32 to vector<16xi32>
    %sign3A_96 = arith.cmpi sgt, %iota3A, %sign3A_95 : vector<16xi32>
    %sign3A_97 = arith.extui %sign3A_96 : vector<16xi1> to vector<16xi32>
    %sign3A_98 = arith.constant 0 : i32
    %sign3A_99 = vector.broadcast %sign3A_98 : i32 to vector<16xi32>
    %sign3A_100 = arith.cmpi slt, %iota3A, %sign3A_99 : vector<16xi32>
    %sign3A_101 = arith.extui %sign3A_100 : vector<16xi1> to vector<16xi32>
    %sign3A_102 = arith.subi %sign3A_97, %sign3A_101 : vector<16xi32>
    %sign3A_103 = arith.constant 0 : i32
    %sign3A_104 = arith.cmpi sgt, %jit3A_91, %sign3A_103 : i32
    %sign3A_105 = arith.extui %sign3A_104 : i1 to i32
    %sign3A_106 = arith.constant 0 : i32
    %sign3A_107 = arith.cmpi slt, %jit3A_91, %sign3A_106 : i32
    %sign3A_108 = arith.extui %sign3A_107 : i1 to i32
    %sign3A_109 = arith.subi %sign3A_105, %sign3A_108 : i32
    %ne3A_110 = vector.broadcast %sign3A_109 : i32 to vector<16xi32>
    %ne3A_111 = arith.cmpi ne, %sign3A_102, %ne3A_110 : vector<16xi32>
    %rem3A_112 = vector.broadcast %jit3A_91 : i32 to vector<16xi32>
    %rem3A_113 = arith.remsi %iota3A, %rem3A_112 : vector<16xi32>
    %ne3A_114 = arith.constant 0 : i32
    %ne3A_115 = vector.broadcast %ne3A_114 : i32 to vector<16xi32>
    %ne3A_116 = arith.cmpi ne, %rem3A_113, %ne3A_115 : vector<16xi32>
    %and3A_117 = arith.andi %ne3A_111, %ne3A_116 : vector<16xi1>
    %sub3A_118 = arith.constant 1 : i32
    %sub3A_119 = vector.broadcast %sub3A_118 : i32 to vector<16xi32>
    %sub3A_120 = arith.subi %div3A_93, %sub3A_119 : vector<16xi32>
    %select_n3A_121 = arith.select %and3A_117, %sub3A_120, %div3A_93 : vector<16xi1>, vector<16xi32>
    %jit3A_122 = arith.constant 2 : i32
    %eq3A_123 = arith.constant 0 : i32
    %eq3A_124 = arith.cmpi eq, %jit3A_122, %eq3A_123 : i32
    %jit3A_125 = arith.constant 1 : i32
    %select_n3A_126 = arith.select %eq3A_124, %jit3A_125, %jit3A_122 : i32
    %rem3A_127 = vector.broadcast %select_n3A_126 : i32 to vector<16xi32>
    %rem3A_128 = arith.remsi %select_n3A_121, %rem3A_127 : vector<16xi32>
    %ne3A_129 = arith.constant 0 : i32
    %ne3A_130 = vector.broadcast %ne3A_129 : i32 to vector<16xi32>
    %ne3A_131 = arith.cmpi ne, %rem3A_128, %ne3A_130 : vector<16xi32>
    %lt3A_132 = arith.constant 0 : i32
    %lt3A_133 = vector.broadcast %lt3A_132 : i32 to vector<16xi32>
    %lt3A_134 = arith.cmpi slt, %rem3A_128, %lt3A_133 : vector<16xi32>
    %lt3A_135 = arith.constant 0 : i32
    %lt3A_136 = arith.cmpi slt, %select_n3A_126, %lt3A_135 : i32
    %ne3A_137 = vector.broadcast %lt3A_136 : i1 to vector<16xi1>
    %ne3A_138 = vector.broadcast %ne3A_137 : vector<16xi1> to vector<16xi1>
    %ne3A_139 = arith.xori %lt3A_134, %ne3A_138 : vector<16xi1>
    %and3A_140 = arith.andi %ne3A_139, %ne3A_131 : vector<16xi1>
    %add3A_141 = vector.broadcast %select_n3A_126 : i32 to vector<16xi32>
    %add3A_142 = arith.addi %rem3A_128, %add3A_141 : vector<16xi32>
    %select_n3A_143 = arith.select %and3A_140, %add3A_142, %rem3A_128 : vector<16xi1>, vector<16xi32>
    %sub3A_144 = arith.constant 1 : i32
    %sub3A_145 = vector.broadcast %sub3A_144 : i32 to vector<16xi32>
    %sub3A_146 = arith.subi %sub3A_145, %select_n3A_143 : vector<16xi32>
    %convert_element_type3A = arith.sitofp %sub3A_146 : vector<16xi32> to vector<16xf32>
    %xor3A_147 = arith.constant 4 : i32
    %xor3A_148 = vector.broadcast %xor3A_147 : i32 to vector<16xi32>
    %xor3A_149 = arith.xori %iota3A, %xor3A_148 : vector<16xi32>
    %jit3A_150 = arith.constant 8 : i32
    %div3A_151 = vector.broadcast %jit3A_150 : i32 to vector<16xi32>
    %div3A_152 = arith.divsi %iota3A, %div3A_151 : vector<16xi32>
    %sign3A_153 = arith.constant 0 : i32
    %sign3A_154 = vector.broadcast %sign3A_153 : i32 to vector<16xi32>
    %sign3A_155 = arith.cmpi sgt, %iota3A, %sign3A_154 : vector<16xi32>
    %sign3A_156 = arith.extui %sign3A_155 : vector<16xi1> to vector<16xi32>
    %sign3A_157 = arith.constant 0 : i32
    %sign3A_158 = vector.broadcast %sign3A_157 : i32 to vector<16xi32>
    %sign3A_159 = arith.cmpi slt, %iota3A, %sign3A_158 : vector<16xi32>
    %sign3A_160 = arith.extui %sign3A_159 : vector<16xi1> to vector<16xi32>
    %sign3A_161 = arith.subi %sign3A_156, %sign3A_160 : vector<16xi32>
    %sign3A_162 = arith.constant 0 : i32
    %sign3A_163 = arith.cmpi sgt, %jit3A_150, %sign3A_162 : i32
    %sign3A_164 = arith.extui %sign3A_163 : i1 to i32
    %sign3A_165 = arith.constant 0 : i32
    %sign3A_166 = arith.cmpi slt, %jit3A_150, %sign3A_165 : i32
    %sign3A_167 = arith.extui %sign3A_166 : i1 to i32
    %sign3A_168 = arith.subi %sign3A_164, %sign3A_167 : i32
    %ne3A_169 = vector.broadcast %sign3A_168 : i32 to vector<16xi32>
    %ne3A_170 = arith.cmpi ne, %sign3A_161, %ne3A_169 : vector<16xi32>
    %rem3A_171 = vector.broadcast %jit3A_150 : i32 to vector<16xi32>
    %rem3A_172 = arith.remsi %iota3A, %rem3A_171 : vector<16xi32>
    %ne3A_173 = arith.constant 0 : i32
    %ne3A_174 = vector.broadcast %ne3A_173 : i32 to vector<16xi32>
    %ne3A_175 = arith.cmpi ne, %rem3A_172, %ne3A_174 : vector<16xi32>
    %and3A_176 = arith.andi %ne3A_170, %ne3A_175 : vector<16xi1>
    %sub3A_177 = arith.constant 1 : i32
    %sub3A_178 = vector.broadcast %sub3A_177 : i32 to vector<16xi32>
    %sub3A_179 = arith.subi %div3A_152, %sub3A_178 : vector<16xi32>
    %select_n3A_180 = arith.select %and3A_176, %sub3A_179, %div3A_152 : vector<16xi1>, vector<16xi32>
    %mul3A_181 = arith.constant 8 : i32
    %mul3A_182 = vector.broadcast %mul3A_181 : i32 to vector<16xi32>
    %mul3A_183 = arith.muli %select_n3A_180, %mul3A_182 : vector<16xi32>
    %jit3A_184 = arith.constant 4 : i32
    %eq3A_185 = arith.constant 0 : i32
    %eq3A_186 = arith.cmpi eq, %jit3A_184, %eq3A_185 : i32
    %jit3A_187 = arith.constant 1 : i32
    %select_n3A_188 = arith.select %eq3A_186, %jit3A_187, %jit3A_184 : i32
    %rem3A_189 = vector.broadcast %select_n3A_188 : i32 to vector<16xi32>
    %rem3A_190 = arith.remsi %iota3A, %rem3A_189 : vector<16xi32>
    %ne3A_191 = arith.constant 0 : i32
    %ne3A_192 = vector.broadcast %ne3A_191 : i32 to vector<16xi32>
    %ne3A_193 = arith.cmpi ne, %rem3A_190, %ne3A_192 : vector<16xi32>
    %lt3A_194 = arith.constant 0 : i32
    %lt3A_195 = vector.broadcast %lt3A_194 : i32 to vector<16xi32>
    %lt3A_196 = arith.cmpi slt, %rem3A_190, %lt3A_195 : vector<16xi32>
    %lt3A_197 = arith.constant 0 : i32
    %lt3A_198 = arith.cmpi slt, %select_n3A_188, %lt3A_197 : i32
    %ne3A_199 = vector.broadcast %lt3A_198 : i1 to vector<16xi1>
    %ne3A_200 = vector.broadcast %ne3A_199 : vector<16xi1> to vector<16xi1>
    %ne3A_201 = arith.xori %lt3A_196, %ne3A_200 : vector<16xi1>
    %and3A_202 = arith.andi %ne3A_201, %ne3A_193 : vector<16xi1>
    %add3A_203 = vector.broadcast %select_n3A_188 : i32 to vector<16xi32>
    %add3A_204 = arith.addi %rem3A_190, %add3A_203 : vector<16xi32>
    %select_n3A_205 = arith.select %and3A_202, %add3A_204, %rem3A_190 : vector<16xi1>, vector<16xi32>
    %add3A_206 = arith.addi %mul3A_183, %select_n3A_205 : vector<16xi32>
    %jit3A_207 = arith.constant 4 : i32
    %div3A_208 = vector.broadcast %jit3A_207 : i32 to vector<16xi32>
    %div3A_209 = arith.divsi %iota3A, %div3A_208 : vector<16xi32>
    %sign3A_210 = arith.constant 0 : i32
    %sign3A_211 = vector.broadcast %sign3A_210 : i32 to vector<16xi32>
    %sign3A_212 = arith.cmpi sgt, %iota3A, %sign3A_211 : vector<16xi32>
    %sign3A_213 = arith.extui %sign3A_212 : vector<16xi1> to vector<16xi32>
    %sign3A_214 = arith.constant 0 : i32
    %sign3A_215 = vector.broadcast %sign3A_214 : i32 to vector<16xi32>
    %sign3A_216 = arith.cmpi slt, %iota3A, %sign3A_215 : vector<16xi32>
    %sign3A_217 = arith.extui %sign3A_216 : vector<16xi1> to vector<16xi32>
    %sign3A_218 = arith.subi %sign3A_213, %sign3A_217 : vector<16xi32>
    %sign3A_219 = arith.constant 0 : i32
    %sign3A_220 = arith.cmpi sgt, %jit3A_207, %sign3A_219 : i32
    %sign3A_221 = arith.extui %sign3A_220 : i1 to i32
    %sign3A_222 = arith.constant 0 : i32
    %sign3A_223 = arith.cmpi slt, %jit3A_207, %sign3A_222 : i32
    %sign3A_224 = arith.extui %sign3A_223 : i1 to i32
    %sign3A_225 = arith.subi %sign3A_221, %sign3A_224 : i32
    %ne3A_226 = vector.broadcast %sign3A_225 : i32 to vector<16xi32>
    %ne3A_227 = arith.cmpi ne, %sign3A_218, %ne3A_226 : vector<16xi32>
    %rem3A_228 = vector.broadcast %jit3A_207 : i32 to vector<16xi32>
    %rem3A_229 = arith.remsi %iota3A, %rem3A_228 : vector<16xi32>
    %ne3A_230 = arith.constant 0 : i32
    %ne3A_231 = vector.broadcast %ne3A_230 : i32 to vector<16xi32>
    %ne3A_232 = arith.cmpi ne, %rem3A_229, %ne3A_231 : vector<16xi32>
    %and3A_233 = arith.andi %ne3A_227, %ne3A_232 : vector<16xi1>
    %sub3A_234 = arith.constant 1 : i32
    %sub3A_235 = vector.broadcast %sub3A_234 : i32 to vector<16xi32>
    %sub3A_236 = arith.subi %div3A_209, %sub3A_235 : vector<16xi32>
    %select_n3A_237 = arith.select %and3A_233, %sub3A_236, %div3A_209 : vector<16xi1>, vector<16xi32>
    %jit3A_238 = arith.constant 2 : i32
    %eq3A_239 = arith.constant 0 : i32
    %eq3A_240 = arith.cmpi eq, %jit3A_238, %eq3A_239 : i32
    %jit3A_241 = arith.constant 1 : i32
    %select_n3A_242 = arith.select %eq3A_240, %jit3A_241, %jit3A_238 : i32
    %rem3A_243 = vector.broadcast %select_n3A_242 : i32 to vector<16xi32>
    %rem3A_244 = arith.remsi %select_n3A_237, %rem3A_243 : vector<16xi32>
    %ne3A_245 = arith.constant 0 : i32
    %ne3A_246 = vector.broadcast %ne3A_245 : i32 to vector<16xi32>
    %ne3A_247 = arith.cmpi ne, %rem3A_244, %ne3A_246 : vector<16xi32>
    %lt3A_248 = arith.constant 0 : i32
    %lt3A_249 = vector.broadcast %lt3A_248 : i32 to vector<16xi32>
    %lt3A_250 = arith.cmpi slt, %rem3A_244, %lt3A_249 : vector<16xi32>
    %lt3A_251 = arith.constant 0 : i32
    %lt3A_252 = arith.cmpi slt, %select_n3A_242, %lt3A_251 : i32
    %ne3A_253 = vector.broadcast %lt3A_252 : i1 to vector<16xi1>
    %ne3A_254 = vector.broadcast %ne3A_253 : vector<16xi1> to vector<16xi1>
    %ne3A_255 = arith.xori %lt3A_250, %ne3A_254 : vector<16xi1>
    %and3A_256 = arith.andi %ne3A_255, %ne3A_247 : vector<16xi1>
    %add3A_257 = vector.broadcast %select_n3A_242 : i32 to vector<16xi32>
    %add3A_258 = arith.addi %rem3A_244, %add3A_257 : vector<16xi32>
    %select_n3A_259 = arith.select %and3A_256, %add3A_258, %rem3A_244 : vector<16xi1>, vector<16xi32>
    %sub3A_260 = arith.constant 1 : i32
    %sub3A_261 = vector.broadcast %sub3A_260 : i32 to vector<16xi32>
    %sub3A_262 = arith.subi %sub3A_261, %select_n3A_259 : vector<16xi32>
    %convert_element_type3A_263 = arith.sitofp %sub3A_262 : vector<16xi32> to vector<16xf32>
    %xor3A_264 = arith.constant 2 : i32
    %xor3A_265 = vector.broadcast %xor3A_264 : i32 to vector<16xi32>
    %xor3A_266 = arith.xori %iota3A, %xor3A_265 : vector<16xi32>
    %jit3A_267 = arith.constant 4 : i32
    %div3A_268 = vector.broadcast %jit3A_267 : i32 to vector<16xi32>
    %div3A_269 = arith.divsi %iota3A, %div3A_268 : vector<16xi32>
    %sign3A_270 = arith.constant 0 : i32
    %sign3A_271 = vector.broadcast %sign3A_270 : i32 to vector<16xi32>
    %sign3A_272 = arith.cmpi sgt, %iota3A, %sign3A_271 : vector<16xi32>
    %sign3A_273 = arith.extui %sign3A_272 : vector<16xi1> to vector<16xi32>
    %sign3A_274 = arith.constant 0 : i32
    %sign3A_275 = vector.broadcast %sign3A_274 : i32 to vector<16xi32>
    %sign3A_276 = arith.cmpi slt, %iota3A, %sign3A_275 : vector<16xi32>
    %sign3A_277 = arith.extui %sign3A_276 : vector<16xi1> to vector<16xi32>
    %sign3A_278 = arith.subi %sign3A_273, %sign3A_277 : vector<16xi32>
    %sign3A_279 = arith.constant 0 : i32
    %sign3A_280 = arith.cmpi sgt, %jit3A_267, %sign3A_279 : i32
    %sign3A_281 = arith.extui %sign3A_280 : i1 to i32
    %sign3A_282 = arith.constant 0 : i32
    %sign3A_283 = arith.cmpi slt, %jit3A_267, %sign3A_282 : i32
    %sign3A_284 = arith.extui %sign3A_283 : i1 to i32
    %sign3A_285 = arith.subi %sign3A_281, %sign3A_284 : i32
    %ne3A_286 = vector.broadcast %sign3A_285 : i32 to vector<16xi32>
    %ne3A_287 = arith.cmpi ne, %sign3A_278, %ne3A_286 : vector<16xi32>
    %rem3A_288 = vector.broadcast %jit3A_267 : i32 to vector<16xi32>
    %rem3A_289 = arith.remsi %iota3A, %rem3A_288 : vector<16xi32>
    %ne3A_290 = arith.constant 0 : i32
    %ne3A_291 = vector.broadcast %ne3A_290 : i32 to vector<16xi32>
    %ne3A_292 = arith.cmpi ne, %rem3A_289, %ne3A_291 : vector<16xi32>
    %and3A_293 = arith.andi %ne3A_287, %ne3A_292 : vector<16xi1>
    %sub3A_294 = arith.constant 1 : i32
    %sub3A_295 = vector.broadcast %sub3A_294 : i32 to vector<16xi32>
    %sub3A_296 = arith.subi %div3A_269, %sub3A_295 : vector<16xi32>
    %select_n3A_297 = arith.select %and3A_293, %sub3A_296, %div3A_269 : vector<16xi1>, vector<16xi32>
    %mul3A_298 = arith.constant 4 : i32
    %mul3A_299 = vector.broadcast %mul3A_298 : i32 to vector<16xi32>
    %mul3A_300 = arith.muli %select_n3A_297, %mul3A_299 : vector<16xi32>
    %jit3A_301 = arith.constant 2 : i32
    %eq3A_302 = arith.constant 0 : i32
    %eq3A_303 = arith.cmpi eq, %jit3A_301, %eq3A_302 : i32
    %jit3A_304 = arith.constant 1 : i32
    %select_n3A_305 = arith.select %eq3A_303, %jit3A_304, %jit3A_301 : i32
    %rem3A_306 = vector.broadcast %select_n3A_305 : i32 to vector<16xi32>
    %rem3A_307 = arith.remsi %iota3A, %rem3A_306 : vector<16xi32>
    %ne3A_308 = arith.constant 0 : i32
    %ne3A_309 = vector.broadcast %ne3A_308 : i32 to vector<16xi32>
    %ne3A_310 = arith.cmpi ne, %rem3A_307, %ne3A_309 : vector<16xi32>
    %lt3A_311 = arith.constant 0 : i32
    %lt3A_312 = vector.broadcast %lt3A_311 : i32 to vector<16xi32>
    %lt3A_313 = arith.cmpi slt, %rem3A_307, %lt3A_312 : vector<16xi32>
    %lt3A_314 = arith.constant 0 : i32
    %lt3A_315 = arith.cmpi slt, %select_n3A_305, %lt3A_314 : i32
    %ne3A_316 = vector.broadcast %lt3A_315 : i1 to vector<16xi1>
    %ne3A_317 = vector.broadcast %ne3A_316 : vector<16xi1> to vector<16xi1>
    %ne3A_318 = arith.xori %lt3A_313, %ne3A_317 : vector<16xi1>
    %and3A_319 = arith.andi %ne3A_318, %ne3A_310 : vector<16xi1>
    %add3A_320 = vector.broadcast %select_n3A_305 : i32 to vector<16xi32>
    %add3A_321 = arith.addi %rem3A_307, %add3A_320 : vector<16xi32>
    %select_n3A_322 = arith.select %and3A_319, %add3A_321, %rem3A_307 : vector<16xi1>, vector<16xi32>
    %add3A_323 = arith.addi %mul3A_300, %select_n3A_322 : vector<16xi32>
    %jit3A_324 = arith.constant 2 : i32
    %div3A_325 = vector.broadcast %jit3A_324 : i32 to vector<16xi32>
    %div3A_326 = arith.divsi %iota3A, %div3A_325 : vector<16xi32>
    %sign3A_327 = arith.constant 0 : i32
    %sign3A_328 = vector.broadcast %sign3A_327 : i32 to vector<16xi32>
    %sign3A_329 = arith.cmpi sgt, %iota3A, %sign3A_328 : vector<16xi32>
    %sign3A_330 = arith.extui %sign3A_329 : vector<16xi1> to vector<16xi32>
    %sign3A_331 = arith.constant 0 : i32
    %sign3A_332 = vector.broadcast %sign3A_331 : i32 to vector<16xi32>
    %sign3A_333 = arith.cmpi slt, %iota3A, %sign3A_332 : vector<16xi32>
    %sign3A_334 = arith.extui %sign3A_333 : vector<16xi1> to vector<16xi32>
    %sign3A_335 = arith.subi %sign3A_330, %sign3A_334 : vector<16xi32>
    %sign3A_336 = arith.constant 0 : i32
    %sign3A_337 = arith.cmpi sgt, %jit3A_324, %sign3A_336 : i32
    %sign3A_338 = arith.extui %sign3A_337 : i1 to i32
    %sign3A_339 = arith.constant 0 : i32
    %sign3A_340 = arith.cmpi slt, %jit3A_324, %sign3A_339 : i32
    %sign3A_341 = arith.extui %sign3A_340 : i1 to i32
    %sign3A_342 = arith.subi %sign3A_338, %sign3A_341 : i32
    %ne3A_343 = vector.broadcast %sign3A_342 : i32 to vector<16xi32>
    %ne3A_344 = arith.cmpi ne, %sign3A_335, %ne3A_343 : vector<16xi32>
    %rem3A_345 = vector.broadcast %jit3A_324 : i32 to vector<16xi32>
    %rem3A_346 = arith.remsi %iota3A, %rem3A_345 : vector<16xi32>
    %ne3A_347 = arith.constant 0 : i32
    %ne3A_348 = vector.broadcast %ne3A_347 : i32 to vector<16xi32>
    %ne3A_349 = arith.cmpi ne, %rem3A_346, %ne3A_348 : vector<16xi32>
    %and3A_350 = arith.andi %ne3A_344, %ne3A_349 : vector<16xi1>
    %sub3A_351 = arith.constant 1 : i32
    %sub3A_352 = vector.broadcast %sub3A_351 : i32 to vector<16xi32>
    %sub3A_353 = arith.subi %div3A_326, %sub3A_352 : vector<16xi32>
    %select_n3A_354 = arith.select %and3A_350, %sub3A_353, %div3A_326 : vector<16xi1>, vector<16xi32>
    %jit3A_355 = arith.constant 2 : i32
    %eq3A_356 = arith.constant 0 : i32
    %eq3A_357 = arith.cmpi eq, %jit3A_355, %eq3A_356 : i32
    %jit3A_358 = arith.constant 1 : i32
    %select_n3A_359 = arith.select %eq3A_357, %jit3A_358, %jit3A_355 : i32
    %rem3A_360 = vector.broadcast %select_n3A_359 : i32 to vector<16xi32>
    %rem3A_361 = arith.remsi %select_n3A_354, %rem3A_360 : vector<16xi32>
    %ne3A_362 = arith.constant 0 : i32
    %ne3A_363 = vector.broadcast %ne3A_362 : i32 to vector<16xi32>
    %ne3A_364 = arith.cmpi ne, %rem3A_361, %ne3A_363 : vector<16xi32>
    %lt3A_365 = arith.constant 0 : i32
    %lt3A_366 = vector.broadcast %lt3A_365 : i32 to vector<16xi32>
    %lt3A_367 = arith.cmpi slt, %rem3A_361, %lt3A_366 : vector<16xi32>
    %lt3A_368 = arith.constant 0 : i32
    %lt3A_369 = arith.cmpi slt, %select_n3A_359, %lt3A_368 : i32
    %ne3A_370 = vector.broadcast %lt3A_369 : i1 to vector<16xi1>
    %ne3A_371 = vector.broadcast %ne3A_370 : vector<16xi1> to vector<16xi1>
    %ne3A_372 = arith.xori %lt3A_367, %ne3A_371 : vector<16xi1>
    %and3A_373 = arith.andi %ne3A_372, %ne3A_364 : vector<16xi1>
    %add3A_374 = vector.broadcast %select_n3A_359 : i32 to vector<16xi32>
    %add3A_375 = arith.addi %rem3A_361, %add3A_374 : vector<16xi32>
    %select_n3A_376 = arith.select %and3A_373, %add3A_375, %rem3A_361 : vector<16xi1>, vector<16xi32>
    %sub3A_377 = arith.constant 1 : i32
    %sub3A_378 = vector.broadcast %sub3A_377 : i32 to vector<16xi32>
    %sub3A_379 = arith.subi %sub3A_378, %select_n3A_376 : vector<16xi32>
    %convert_element_type3A_380 = arith.sitofp %sub3A_379 : vector<16xi32> to vector<16xf32>
    %xor3A_381 = arith.constant 1 : i32
    %xor3A_382 = vector.broadcast %xor3A_381 : i32 to vector<16xi32>
    %xor3A_383 = arith.xori %iota3A, %xor3A_382 : vector<16xi32>
    %jit3A_384 = arith.constant 2 : i32
    %div3A_385 = vector.broadcast %jit3A_384 : i32 to vector<16xi32>
    %div3A_386 = arith.divsi %iota3A, %div3A_385 : vector<16xi32>
    %sign3A_387 = arith.constant 0 : i32
    %sign3A_388 = vector.broadcast %sign3A_387 : i32 to vector<16xi32>
    %sign3A_389 = arith.cmpi sgt, %iota3A, %sign3A_388 : vector<16xi32>
    %sign3A_390 = arith.extui %sign3A_389 : vector<16xi1> to vector<16xi32>
    %sign3A_391 = arith.constant 0 : i32
    %sign3A_392 = vector.broadcast %sign3A_391 : i32 to vector<16xi32>
    %sign3A_393 = arith.cmpi slt, %iota3A, %sign3A_392 : vector<16xi32>
    %sign3A_394 = arith.extui %sign3A_393 : vector<16xi1> to vector<16xi32>
    %sign3A_395 = arith.subi %sign3A_390, %sign3A_394 : vector<16xi32>
    %sign3A_396 = arith.constant 0 : i32
    %sign3A_397 = arith.cmpi sgt, %jit3A_384, %sign3A_396 : i32
    %sign3A_398 = arith.extui %sign3A_397 : i1 to i32
    %sign3A_399 = arith.constant 0 : i32
    %sign3A_400 = arith.cmpi slt, %jit3A_384, %sign3A_399 : i32
    %sign3A_401 = arith.extui %sign3A_400 : i1 to i32
    %sign3A_402 = arith.subi %sign3A_398, %sign3A_401 : i32
    %ne3A_403 = vector.broadcast %sign3A_402 : i32 to vector<16xi32>
    %ne3A_404 = arith.cmpi ne, %sign3A_395, %ne3A_403 : vector<16xi32>
    %rem3A_405 = vector.broadcast %jit3A_384 : i32 to vector<16xi32>
    %rem3A_406 = arith.remsi %iota3A, %rem3A_405 : vector<16xi32>
    %ne3A_407 = arith.constant 0 : i32
    %ne3A_408 = vector.broadcast %ne3A_407 : i32 to vector<16xi32>
    %ne3A_409 = arith.cmpi ne, %rem3A_406, %ne3A_408 : vector<16xi32>
    %and3A_410 = arith.andi %ne3A_404, %ne3A_409 : vector<16xi1>
    %sub3A_411 = arith.constant 1 : i32
    %sub3A_412 = vector.broadcast %sub3A_411 : i32 to vector<16xi32>
    %sub3A_413 = arith.subi %div3A_386, %sub3A_412 : vector<16xi32>
    %select_n3A_414 = arith.select %and3A_410, %sub3A_413, %div3A_386 : vector<16xi1>, vector<16xi32>
    %mul3A_415 = arith.constant 2 : i32
    %mul3A_416 = vector.broadcast %mul3A_415 : i32 to vector<16xi32>
    %mul3A_417 = arith.muli %select_n3A_414, %mul3A_416 : vector<16xi32>
    %jit3A_418 = arith.constant 1 : i32
    %eq3A_419 = arith.constant 0 : i32
    %eq3A_420 = arith.cmpi eq, %jit3A_418, %eq3A_419 : i32
    %jit3A_421 = arith.constant 1 : i32
    %select_n3A_422 = arith.select %eq3A_420, %jit3A_421, %jit3A_418 : i32
    %rem3A_423 = vector.broadcast %select_n3A_422 : i32 to vector<16xi32>
    %rem3A_424 = arith.remsi %iota3A, %rem3A_423 : vector<16xi32>
    %ne3A_425 = arith.constant 0 : i32
    %ne3A_426 = vector.broadcast %ne3A_425 : i32 to vector<16xi32>
    %ne3A_427 = arith.cmpi ne, %rem3A_424, %ne3A_426 : vector<16xi32>
    %lt3A_428 = arith.constant 0 : i32
    %lt3A_429 = vector.broadcast %lt3A_428 : i32 to vector<16xi32>
    %lt3A_430 = arith.cmpi slt, %rem3A_424, %lt3A_429 : vector<16xi32>
    %lt3A_431 = arith.constant 0 : i32
    %lt3A_432 = arith.cmpi slt, %select_n3A_422, %lt3A_431 : i32
    %ne3A_433 = vector.broadcast %lt3A_432 : i1 to vector<16xi1>
    %ne3A_434 = vector.broadcast %ne3A_433 : vector<16xi1> to vector<16xi1>
    %ne3A_435 = arith.xori %lt3A_430, %ne3A_434 : vector<16xi1>
    %and3A_436 = arith.andi %ne3A_435, %ne3A_427 : vector<16xi1>
    %add3A_437 = vector.broadcast %select_n3A_422 : i32 to vector<16xi32>
    %add3A_438 = arith.addi %rem3A_424, %add3A_437 : vector<16xi32>
    %select_n3A_439 = arith.select %and3A_436, %add3A_438, %rem3A_424 : vector<16xi1>, vector<16xi32>
    %add3A_440 = arith.addi %mul3A_417, %select_n3A_439 : vector<16xi32>
    %jit3A_441 = arith.constant 1 : i32
    %div3A_442 = vector.broadcast %jit3A_441 : i32 to vector<16xi32>
    %div3A_443 = arith.divsi %iota3A, %div3A_442 : vector<16xi32>
    %sign3A_444 = arith.constant 0 : i32
    %sign3A_445 = vector.broadcast %sign3A_444 : i32 to vector<16xi32>
    %sign3A_446 = arith.cmpi sgt, %iota3A, %sign3A_445 : vector<16xi32>
    %sign3A_447 = arith.extui %sign3A_446 : vector<16xi1> to vector<16xi32>
    %sign3A_448 = arith.constant 0 : i32
    %sign3A_449 = vector.broadcast %sign3A_448 : i32 to vector<16xi32>
    %sign3A_450 = arith.cmpi slt, %iota3A, %sign3A_449 : vector<16xi32>
    %sign3A_451 = arith.extui %sign3A_450 : vector<16xi1> to vector<16xi32>
    %sign3A_452 = arith.subi %sign3A_447, %sign3A_451 : vector<16xi32>
    %sign3A_453 = arith.constant 0 : i32
    %sign3A_454 = arith.cmpi sgt, %jit3A_441, %sign3A_453 : i32
    %sign3A_455 = arith.extui %sign3A_454 : i1 to i32
    %sign3A_456 = arith.constant 0 : i32
    %sign3A_457 = arith.cmpi slt, %jit3A_441, %sign3A_456 : i32
    %sign3A_458 = arith.extui %sign3A_457 : i1 to i32
    %sign3A_459 = arith.subi %sign3A_455, %sign3A_458 : i32
    %ne3A_460 = vector.broadcast %sign3A_459 : i32 to vector<16xi32>
    %ne3A_461 = arith.cmpi ne, %sign3A_452, %ne3A_460 : vector<16xi32>
    %rem3A_462 = vector.broadcast %jit3A_441 : i32 to vector<16xi32>
    %rem3A_463 = arith.remsi %iota3A, %rem3A_462 : vector<16xi32>
    %ne3A_464 = arith.constant 0 : i32
    %ne3A_465 = vector.broadcast %ne3A_464 : i32 to vector<16xi32>
    %ne3A_466 = arith.cmpi ne, %rem3A_463, %ne3A_465 : vector<16xi32>
    %and3A_467 = arith.andi %ne3A_461, %ne3A_466 : vector<16xi1>
    %sub3A_468 = arith.constant 1 : i32
    %sub3A_469 = vector.broadcast %sub3A_468 : i32 to vector<16xi32>
    %sub3A_470 = arith.subi %div3A_443, %sub3A_469 : vector<16xi32>
    %select_n3A_471 = arith.select %and3A_467, %sub3A_470, %div3A_443 : vector<16xi1>, vector<16xi32>
    %jit3A_472 = arith.constant 2 : i32
    %eq3A_473 = arith.constant 0 : i32
    %eq3A_474 = arith.cmpi eq, %jit3A_472, %eq3A_473 : i32
    %jit3A_475 = arith.constant 1 : i32
    %select_n3A_476 = arith.select %eq3A_474, %jit3A_475, %jit3A_472 : i32
    %rem3A_477 = vector.broadcast %select_n3A_476 : i32 to vector<16xi32>
    %rem3A_478 = arith.remsi %select_n3A_471, %rem3A_477 : vector<16xi32>
    %ne3A_479 = arith.constant 0 : i32
    %ne3A_480 = vector.broadcast %ne3A_479 : i32 to vector<16xi32>
    %ne3A_481 = arith.cmpi ne, %rem3A_478, %ne3A_480 : vector<16xi32>
    %lt3A_482 = arith.constant 0 : i32
    %lt3A_483 = vector.broadcast %lt3A_482 : i32 to vector<16xi32>
    %lt3A_484 = arith.cmpi slt, %rem3A_478, %lt3A_483 : vector<16xi32>
    %lt3A_485 = arith.constant 0 : i32
    %lt3A_486 = arith.cmpi slt, %select_n3A_476, %lt3A_485 : i32
    %ne3A_487 = vector.broadcast %lt3A_486 : i1 to vector<16xi1>
    %ne3A_488 = vector.broadcast %ne3A_487 : vector<16xi1> to vector<16xi1>
    %ne3A_489 = arith.xori %lt3A_484, %ne3A_488 : vector<16xi1>
    %and3A_490 = arith.andi %ne3A_489, %ne3A_481 : vector<16xi1>
    %add3A_491 = vector.broadcast %select_n3A_476 : i32 to vector<16xi32>
    %add3A_492 = arith.addi %rem3A_478, %add3A_491 : vector<16xi32>
    %select_n3A_493 = arith.select %and3A_490, %add3A_492, %rem3A_478 : vector<16xi1>, vector<16xi32>
    %sub3A_494 = arith.constant 1 : i32
    %sub3A_495 = vector.broadcast %sub3A_494 : i32 to vector<16xi32>
    %sub3A_496 = arith.subi %sub3A_495, %select_n3A_493 : vector<16xi32>
    %convert_element_type3A_497 = arith.sitofp %sub3A_496 : vector<16xi32> to vector<16xf32>
    %mul3A_498 = arith.constant 0.000000e+00 : f32
    %mul3A_499 = vector.broadcast %mul3A_498 : f32 to vector<16xf32>
    %mul3A_500 = arith.mulf %get3A_41, %mul3A_499 : vector<16xf32>
    %scan3A = arith.constant 0 : i32
    %scan3A_501 = arith.constant 16 : i32
    %scan3A_502 = arith.addi %scan3A, %scan3A_501 : i32
    %scan3A_503 = arith.constant 1 : i32
    %scan3A_504 = scf.for %scan3A_513 = %scan3A to %scan3A_502 step %scan3A_503 iter_args(%scan3A_514 = %mul3A_500) -> (vector<16xf32>)  : i32 {
      %mul3A_515 = arith.constant 2 : i32
      %mul3A_516 = arith.muli %mul3A_515, %scan3A_513 : i32
      %add3A_517 = arith.constant 1 : i32
      %add3A_518 = arith.addi %mul3A_516, %add3A_517 : i32
      %mul3A_519 = arith.constant 16 : i32
      %mul3A_520 = arith.muli %add3A_518, %mul3A_519 : i32
      %get3A_521 = arith.index_cast %mul3A_520 : i32 to index
      %get3A_522 = tpu.vector_load %arg11[%get3A_521] {strides = array<i32>} : memref<512xi32, #tpu.memory_space<vmem>>, vector<16xi32>,
      %get3A_523 = arith.index_cast %mul3A_520 : i32 to index
      %get3A_524 = tpu.vector_load %arg12[%get3A_523] {strides = array<i32>} : memref<512xi32, #tpu.memory_space<vmem>>, vector<16xi32>,
      %dma_start3A_525 = arith.constant 1 : i32
      %dma_start3A_526 = arith.constant 0 : i32
      %dma_start3A_527 = arith.constant 0 : i32
      %dma_start3A_528 = tpu.memref_slice %arg17[%dma_start3A_525, %dma_start3A_526, %dma_start3A_527] : memref<2x16x32xf32, #tpu.memory_space<vmem>> -> memref<1x16x32xf32, #tpu.memory_space<vmem>>
      %dma_start3A_529 = tpu.memref_squeeze %dma_start3A_528 : memref<1x16x32xf32, #tpu.memory_space<vmem>> -> memref<16x32xf32, #tpu.memory_space<vmem>>
      %dma_start3A_530 = arith.constant 0 : i32
      %dma_start3A_531 = arith.constant 0 : i32
      %dma_start3A_532 = tpu.memref_slice %arg8[%dma_start3A_530, %dma_start3A_531] : memref<1000000x32xf32, #tpu.memory_space<hbm>> -> memref<1000000x32xf32, #tpu.memory_space<hbm>>
      tpu.enqueue_indirect_dma source(%dma_start3A_532 : memref<1000000x32xf32, #tpu.memory_space<hbm>>) target(%dma_start3A_529 : memref<16x32xf32, #tpu.memory_space<vmem>>) offsets(%get3A_522 : vector<16xi32>) semaphore(%arg24 : memref<!tpu.dma_semaphore, #tpu.memory_space<semaphore_mem>>)
      %dma_start3A_533 = arith.constant 1 : i32
      %dma_start3A_534 = arith.constant 0 : i32
      %dma_start3A_535 = arith.constant 0 : i32
      %dma_start3A_536 = tpu.memref_slice %arg18[%dma_start3A_533, %dma_start3A_534, %dma_start3A_535] : memref<2x16x32xf32, #tpu.memory_space<vmem>> -> memref<1x16x32xf32, #tpu.memory_space<vmem>>
      %dma_start3A_537 = tpu.memref_squeeze %dma_start3A_536 : memref<1x16x32xf32, #tpu.memory_space<vmem>> -> memref<16x32xf32, #tpu.memory_space<vmem>>
      %dma_start3A_538 = arith.constant 0 : i32
      %dma_start3A_539 = arith.constant 0 : i32
      %dma_start3A_540 = tpu.memref_slice %arg9[%dma_start3A_538, %dma_start3A_539] : memref<1000000x32xf32, #tpu.memory_space<hbm>> -> memref<1000000x32xf32, #tpu.memory_space<hbm>>
      tpu.enqueue_indirect_dma source(%dma_start3A_540 : memref<1000000x32xf32, #tpu.memory_space<hbm>>) target(%dma_start3A_537 : memref<16x32xf32, #tpu.memory_space<vmem>>) offsets(%get3A_524 : vector<16xi32>) semaphore(%arg24 : memref<!tpu.dma_semaphore, #tpu.memory_space<semaphore_mem>>)
      %dma_wait3A_541 = arith.constant 0 : i32
      %dma_wait3A_542 = arith.constant 0 : i32
      %dma_wait3A_543 = arith.constant 0 : i32
      %dma_wait3A_544 = tpu.memref_slice %arg17[%dma_wait3A_541, %dma_wait3A_542, %dma_wait3A_543] : memref<2x16x32xf32, #tpu.memory_space<vmem>> -> memref<1x16x32xf32, #tpu.memory_space<vmem>>
      %dma_wait3A_545 = tpu.memref_squeeze %dma_wait3A_544 : memref<1x16x32xf32, #tpu.memory_space<vmem>> -> memref<16x32xf32, #tpu.memory_space<vmem>>
      %dma_wait3A_546 = arith.constant 0 : i32
      %dma_wait3A_547 = arith.constant 0 : i32
      %dma_wait3A_548 = tpu.memref_slice %arg8[%dma_wait3A_546, %dma_wait3A_547] : memref<1000000x32xf32, #tpu.memory_space<hbm>> -> memref<16x32xf32, #tpu.memory_space<hbm>>
      %dma_wait3A_549 = arith.constant 0 : i32
      %dma_wait3A_550 = arith.constant 0 : i32
      %dma_wait3A_551 = tpu.memref_slice %arg17[%dma_wait3A_541, %dma_wait3A_549, %dma_wait3A_550] : memref<2x16x32xf32, #tpu.memory_space<vmem>> -> memref<1x16x32xf32, #tpu.memory_space<vmem>>
      %dma_wait3A_552 = tpu.memref_squeeze %dma_wait3A_551 : memref<1x16x32xf32, #tpu.memory_space<vmem>> -> memref<16x32xf32, #tpu.memory_space<vmem>>
      %dma_wait3A_553 = arith.constant 0 : i32
      %dma_wait3A_554 = arith.constant 0 : i32
      %dma_wait3A_555 = tpu.memref_slice %arg8[%dma_wait3A_553, %dma_wait3A_554] : memref<1000000x32xf32, #tpu.memory_space<hbm>> -> memref<16x32xf32, #tpu.memory_space<hbm>>
      tpu.wait_dma2 semaphore(%arg23 : memref<!tpu.dma_semaphore, #tpu.memory_space<semaphore_mem>>) src(%dma_wait3A_555 : memref<16x32xf32, #tpu.memory_space<hbm>>) dst(%dma_wait3A_552 : memref<16x32xf32, #tpu.memory_space<vmem>>)
      %dma_wait3A_556 = arith.constant 0 : i32
      %dma_wait3A_557 = arith.constant 0 : i32
      %dma_wait3A_558 = arith.constant 0 : i32
      %dma_wait3A_559 = tpu.memref_slice %arg18[%dma_wait3A_556, %dma_wait3A_557, %dma_wait3A_558] : memref<2x16x32xf32, #tpu.memory_space<vmem>> -> memref<1x16x32xf32, #tpu.memory_space<vmem>>
      %dma_wait3A_560 = tpu.memref_squeeze %dma_wait3A_559 : memref<1x16x32xf32, #tpu.memory_space<vmem>> -> memref<16x32xf32, #tpu.memory_space<vmem>>
      %dma_wait3A_561 = arith.constant 0 : i32
      %dma_wait3A_562 = arith.constant 0 : i32
      %dma_wait3A_563 = tpu.memref_slice %arg9[%dma_wait3A_561, %dma_wait3A_562] : memref<1000000x32xf32, #tpu.memory_space<hbm>> -> memref<16x32xf32, #tpu.memory_space<hbm>>
      %dma_wait3A_564 = arith.constant 0 : i32
      %dma_wait3A_565 = arith.constant 0 : i32
      %dma_wait3A_566 = tpu.memref_slice %arg18[%dma_wait3A_556, %dma_wait3A_564, %dma_wait3A_565] : memref<2x16x32xf32, #tpu.memory_space<vmem>> -> memref<1x16x32xf32, #tpu.memory_space<vmem>>
      %dma_wait3A_567 = tpu.memref_squeeze %dma_wait3A_566 : memref<1x16x32xf32, #tpu.memory_space<vmem>> -> memref<16x32xf32, #tpu.memory_space<vmem>>
      %dma_wait3A_568 = arith.constant 0 : i32
      %dma_wait3A_569 = arith.constant 0 : i32
      %dma_wait3A_570 = tpu.memref_slice %arg9[%dma_wait3A_568, %dma_wait3A_569] : memref<1000000x32xf32, #tpu.memory_space<hbm>> -> memref<16x32xf32, #tpu.memory_space<hbm>>
      tpu.wait_dma2 semaphore(%arg23 : memref<!tpu.dma_semaphore, #tpu.memory_space<semaphore_mem>>) src(%dma_wait3A_570 : memref<16x32xf32, #tpu.memory_space<hbm>>) dst(%dma_wait3A_567 : memref<16x32xf32, #tpu.memory_space<vmem>>)
      %mul3A_571 = arith.constant 16 : i32
      %mul3A_572 = arith.muli %mul3A_516, %mul3A_571 : i32
      %get3A_573 = arith.index_cast %mul3A_572 : i32 to index
      %get3A_574 = tpu.vector_load %arg11[%get3A_573] {strides = array<i32>} : memref<512xi32, #tpu.memory_space<vmem>>, vector<16xi32>,
      %get3A_575 = arith.index_cast %mul3A_572 : i32 to index
      %get3A_576 = tpu.vector_load %arg12[%get3A_575] {strides = array<i32>} : memref<512xi32, #tpu.memory_space<vmem>>, vector<16xi32>,
      %get3A_577 = arith.constant 0 : i32
      %get3A_578 = arith.constant 0 : i32
      %get3A_579 = arith.index_cast %get3A_577 : i32 to index
      %get3A_580 = arith.index_cast %get3A_578 : i32 to index
      %get3A_581 = arith.constant 0 : index
      %get3A_582 = tpu.vector_load %arg17[%get3A_579, %get3A_580, %get3A_581] {strides = array<i32>} : memref<2x16x32xf32, #tpu.memory_space<vmem>>, vector<16xf32>,
      %get3A_583 = arith.constant 0 : i32
      %get3A_584 = arith.constant 0 : i32
      %get3A_585 = arith.index_cast %get3A_583 : i32 to index
      %get3A_586 = arith.index_cast %get3A_584 : i32 to index
      %get3A_587 = arith.constant 0 : index
      %get3A_588 = tpu.vector_load %arg18[%get3A_585, %get3A_586, %get3A_587] {strides = array<i32>} : memref<2x16x32xf32, #tpu.memory_space<vmem>>, vector<16xf32>,
      %mul3A_589 = arith.mulf %get3A_582, %get3A_588 : vector<16xf32>
      %get3A_590 = arith.constant 0 : i32
      %get3A_591 = arith.constant 0 : i32
      %get3A_592 = arith.index_cast %get3A_590 : i32 to index
      %get3A_593 = arith.index_cast %get3A_591 : i32 to index
      %get3A_594 = arith.constant 16 : index
      %get3A_595 = tpu.vector_load %arg17[%get3A_592, %get3A_593, %get3A_594] {strides = array<i32>} : memref<2x16x32xf32, #tpu.memory_space<vmem>>, vector<16xf32>,
      %get3A_596 = arith.constant 0 : i32
      %get3A_597 = arith.constant 0 : i32
      %get3A_598 = arith.index_cast %get3A_596 : i32 to index
      %get3A_599 = arith.index_cast %get3A_597 : i32 to index
      %get3A_600 = arith.constant 16 : index
      %get3A_601 = tpu.vector_load %arg18[%get3A_598, %get3A_599, %get3A_600] {strides = array<i32>} : memref<2x16x32xf32, #tpu.memory_space<vmem>>, vector<16xf32>,
      %mul3A_602 = arith.mulf %get3A_595, %get3A_601 : vector<16xf32>
      %add3A_603 = arith.addf %mul3A_589, %mul3A_602 : vector<16xf32>
      %get3A_604 = arith.constant 0 : i32
      %get3A_605 = arith.constant 8 : i32
      %get3A_606 = arith.index_cast %get3A_604 : i32 to index
      %get3A_607 = arith.index_cast %get3A_605 : i32 to index
      %get3A_608 = arith.constant 0 : index
      %get3A_609 = tpu.vector_load %arg17[%get3A_606, %get3A_607, %get3A_608] {strides = array<i32>} : memref<2x16x32xf32, #tpu.memory_space<vmem>>, vector<16xf32>,
      %get3A_610 = arith.constant 0 : i32
      %get3A_611 = arith.constant 8 : i32
      %get3A_612 = arith.index_cast %get3A_610 : i32 to index
      %get3A_613 = arith.index_cast %get3A_611 : i32 to index
      %get3A_614 = arith.constant 0 : index
      %get3A_615 = tpu.vector_load %arg18[%get3A_612, %get3A_613, %get3A_614] {strides = array<i32>} : memref<2x16x32xf32, #tpu.memory_space<vmem>>, vector<16xf32>,
      %mul3A_616 = arith.mulf %get3A_609, %get3A_615 : vector<16xf32>
      %get3A_617 = arith.constant 0 : i32
      %get3A_618 = arith.constant 8 : i32
      %get3A_619 = arith.index_cast %get3A_617 : i32 to index
      %get3A_620 = arith.index_cast %get3A_618 : i32 to index
      %get3A_621 = arith.constant 16 : index
      %get3A_622 = tpu.vector_load %arg17[%get3A_619, %get3A_620, %get3A_621] {strides = array<i32>} : memref<2x16x32xf32, #tpu.memory_space<vmem>>, vector<16xf32>,
      %get3A_623 = arith.constant 0 : i32
      %get3A_624 = arith.constant 8 : i32
      %get3A_625 = arith.index_cast %get3A_623 : i32 to index
      %get3A_626 = arith.index_cast %get3A_624 : i32 to index
      %get3A_627 = arith.constant 16 : index
      %get3A_628 = tpu.vector_load %arg18[%get3A_625, %get3A_626, %get3A_627] {strides = array<i32>} : memref<2x16x32xf32, #tpu.memory_space<vmem>>, vector<16xf32>,
      %mul3A_629 = arith.mulf %get3A_622, %get3A_628 : vector<16xf32>
      %add3A_630 = arith.addf %mul3A_616, %mul3A_629 : vector<16xf32>
      %get3A_631 = arith.constant 0 : i32
      %get3A_632 = arith.constant 4 : i32
      %get3A_633 = arith.index_cast %get3A_631 : i32 to index
      %get3A_634 = arith.index_cast %get3A_632 : i32 to index
      %get3A_635 = arith.constant 0 : index
      %get3A_636 = tpu.vector_load %arg17[%get3A_633, %get3A_634, %get3A_635] {strides = array<i32>} : memref<2x16x32xf32, #tpu.memory_space<vmem>>, vector<16xf32>,
      %get3A_637 = arith.constant 0 : i32
      %get3A_638 = arith.constant 4 : i32
      %get3A_639 = arith.index_cast %get3A_637 : i32 to index
      %get3A_640 = arith.index_cast %get3A_638 : i32 to index
      %get3A_641 = arith.constant 0 : index
      %get3A_642 = tpu.vector_load %arg18[%get3A_639, %get3A_640, %get3A_641] {strides = array<i32>} : memref<2x16x32xf32, #tpu.memory_space<vmem>>, vector<16xf32>,
      %mul3A_643 = arith.mulf %get3A_636, %get3A_642 : vector<16xf32>
      %get3A_644 = arith.constant 0 : i32
      %get3A_645 = arith.constant 4 : i32
      %get3A_646 = arith.index_cast %get3A_644 : i32 to index
      %get3A_647 = arith.index_cast %get3A_645 : i32 to index
      %get3A_648 = arith.constant 16 : index
      %get3A_649 = tpu.vector_load %arg17[%get3A_646, %get3A_647, %get3A_648] {strides = array<i32>} : memref<2x16x32xf32, #tpu.memory_space<vmem>>, vector<16xf32>,
      %get3A_650 = arith.constant 0 : i32
      %get3A_651 = arith.constant 4 : i32
      %get3A_652 = arith.index_cast %get3A_650 : i32 to index
      %get3A_653 = arith.index_cast %get3A_651 : i32 to index
      %get3A_654 = arith.constant 16 : index
      %get3A_655 = tpu.vector_load %arg18[%get3A_652, %get3A_653, %get3A_654] {strides = array<i32>} : memref<2x16x32xf32, #tpu.memory_space<vmem>>, vector<16xf32>,
      %mul3A_656 = arith.mulf %get3A_649, %get3A_655 : vector<16xf32>
      %add3A_657 = arith.addf %mul3A_643, %mul3A_656 : vector<16xf32>
      %get3A_658 = arith.constant 0 : i32
      %get3A_659 = arith.constant 12 : i32
      %get3A_660 = arith.index_cast %get3A_658 : i32 to index
      %get3A_661 = arith.index_cast %get3A_659 : i32 to index
      %get3A_662 = arith.constant 0 : index
      %get3A_663 = tpu.vector_load %arg17[%get3A_660, %get3A_661, %get3A_662] {strides = array<i32>} : memref<2x16x32xf32, #tpu.memory_space<vmem>>, vector<16xf32>,
      %get3A_664 = arith.constant 0 : i32
      %get3A_665 = arith.constant 12 : i32
      %get3A_666 = arith.index_cast %get3A_664 : i32 to index
      %get3A_667 = arith.index_cast %get3A_665 : i32 to index
      %get3A_668 = arith.constant 0 : index
      %get3A_669 = tpu.vector_load %arg18[%get3A_666, %get3A_667, %get3A_668] {strides = array<i32>} : memref<2x16x32xf32, #tpu.memory_space<vmem>>, vector<16xf32>,
      %mul3A_670 = arith.mulf %get3A_663, %get3A_669 : vector<16xf32>
      %get3A_671 = arith.constant 0 : i32
      %get3A_672 = arith.constant 12 : i32
      %get3A_673 = arith.index_cast %get3A_671 : i32 to index
      %get3A_674 = arith.index_cast %get3A_672 : i32 to index
      %get3A_675 = arith.constant 16 : index
      %get3A_676 = tpu.vector_load %arg17[%get3A_673, %get3A_674, %get3A_675] {strides = array<i32>} : memref<2x16x32xf32, #tpu.memory_space<vmem>>, vector<16xf32>,
      %get3A_677 = arith.constant 0 : i32
      %get3A_678 = arith.constant 12 : i32
      %get3A_679 = arith.index_cast %get3A_677 : i32 to index
      %get3A_680 = arith.index_cast %get3A_678 : i32 to index
      %get3A_681 = arith.constant 16 : index
      %get3A_682 = tpu.vector_load %arg18[%get3A_679, %get3A_680, %get3A_681] {strides = array<i32>} : memref<2x16x32xf32, #tpu.memory_space<vmem>>, vector<16xf32>,
      %mul3A_683 = arith.mulf %get3A_676, %get3A_682 : vector<16xf32>
      %add3A_684 = arith.addf %mul3A_670, %mul3A_683 : vector<16xf32>
      %get3A_685 = arith.constant 0 : i32
      %get3A_686 = arith.constant 2 : i32
      %get3A_687 = arith.index_cast %get3A_685 : i32 to index
      %get3A_688 = arith.index_cast %get3A_686 : i32 to index
      %get3A_689 = arith.constant 0 : index
      %get3A_690 = tpu.vector_load %arg17[%get3A_687, %get3A_688, %get3A_689] {strides = array<i32>} : memref<2x16x32xf32, #tpu.memory_space<vmem>>, vector<16xf32>,
      %get3A_691 = arith.constant 0 : i32
      %get3A_692 = arith.constant 2 : i32
      %get3A_693 = arith.index_cast %get3A_691 : i32 to index
      %get3A_694 = arith.index_cast %get3A_692 : i32 to index
      %get3A_695 = arith.constant 0 : index
      %get3A_696 = tpu.vector_load %arg18[%get3A_693, %get3A_694, %get3A_695] {strides = array<i32>} : memref<2x16x32xf32, #tpu.memory_space<vmem>>, vector<16xf32>,
      %mul3A_697 = arith.mulf %get3A_690, %get3A_696 : vector<16xf32>
      %get3A_698 = arith.constant 0 : i32
      %get3A_699 = arith.constant 2 : i32
      %get3A_700 = arith.index_cast %get3A_698 : i32 to index
      %get3A_701 = arith.index_cast %get3A_699 : i32 to index
      %get3A_702 = arith.constant 16 : index
      %get3A_703 = tpu.vector_load %arg17[%get3A_700, %get3A_701, %get3A_702] {strides = array<i32>} : memref<2x16x32xf32, #tpu.memory_space<vmem>>, vector<16xf32>,
      %get3A_704 = arith.constant 0 : i32
      %get3A_705 = arith.constant 2 : i32
      %get3A_706 = arith.index_cast %get3A_704 : i32 to index
      %get3A_707 = arith.index_cast %get3A_705 : i32 to index
      %get3A_708 = arith.constant 16 : index
      %get3A_709 = tpu.vector_load %arg18[%get3A_706, %get3A_707, %get3A_708] {strides = array<i32>} : memref<2x16x32xf32, #tpu.memory_space<vmem>>, vector<16xf32>,
      %mul3A_710 = arith.mulf %get3A_703, %get3A_709 : vector<16xf32>
      %add3A_711 = arith.addf %mul3A_697, %mul3A_710 : vector<16xf32>
      %get3A_712 = arith.constant 0 : i32
      %get3A_713 = arith.constant 10 : i32
      %get3A_714 = arith.index_cast %get3A_712 : i32 to index
      %get3A_715 = arith.index_cast %get3A_713 : i32 to index
      %get3A_716 = arith.constant 0 : index
      %get3A_717 = tpu.vector_load %arg17[%get3A_714, %get3A_715, %get3A_716] {strides = array<i32>} : memref<2x16x32xf32, #tpu.memory_space<vmem>>, vector<16xf32>,
      %get3A_718 = arith.constant 0 : i32
      %get3A_719 = arith.constant 10 : i32
      %get3A_720 = arith.index_cast %get3A_718 : i32 to index
      %get3A_721 = arith.index_cast %get3A_719 : i32 to index
      %get3A_722 = arith.constant 0 : index
      %get3A_723 = tpu.vector_load %arg18[%get3A_720, %get3A_721, %get3A_722] {strides = array<i32>} : memref<2x16x32xf32, #tpu.memory_space<vmem>>, vector<16xf32>,
      %mul3A_724 = arith.mulf %get3A_717, %get3A_723 : vector<16xf32>
      %get3A_725 = arith.constant 0 : i32
      %get3A_726 = arith.constant 10 : i32
      %get3A_727 = arith.index_cast %get3A_725 : i32 to index
      %get3A_728 = arith.index_cast %get3A_726 : i32 to index
      %get3A_729 = arith.constant 16 : index
      %get3A_730 = tpu.vector_load %arg17[%get3A_727, %get3A_728, %get3A_729] {strides = array<i32>} : memref<2x16x32xf32, #tpu.memory_space<vmem>>, vector<16xf32>,
      %get3A_731 = arith.constant 0 : i32
      %get3A_732 = arith.constant 10 : i32
      %get3A_733 = arith.index_cast %get3A_731 : i32 to index
      %get3A_734 = arith.index_cast %get3A_732 : i32 to index
      %get3A_735 = arith.constant 16 : index
      %get3A_736 = tpu.vector_load %arg18[%get3A_733, %get3A_734, %get3A_735] {strides = array<i32>} : memref<2x16x32xf32, #tpu.memory_space<vmem>>, vector<16xf32>,
      %mul3A_737 = arith.mulf %get3A_730, %get3A_736 : vector<16xf32>
      %add3A_738 = arith.addf %mul3A_724, %mul3A_737 : vector<16xf32>
      %get3A_739 = arith.constant 0 : i32
      %get3A_740 = arith.constant 6 : i32
      %get3A_741 = arith.index_cast %get3A_739 : i32 to index
      %get3A_742 = arith.index_cast %get3A_740 : i32 to index
      %get3A_743 = arith.constant 0 : index
      %get3A_744 = tpu.vector_load %arg17[%get3A_741, %get3A_742, %get3A_743] {strides = array<i32>} : memref<2x16x32xf32, #tpu.memory_space<vmem>>, vector<16xf32>,
      %get3A_745 = arith.constant 0 : i32
      %get3A_746 = arith.constant 6 : i32
      %get3A_747 = arith.index_cast %get3A_745 : i32 to index
      %get3A_748 = arith.index_cast %get3A_746 : i32 to index
      %get3A_749 = arith.constant 0 : index
      %get3A_750 = tpu.vector_load %arg18[%get3A_747, %get3A_748, %get3A_749] {strides = array<i32>} : memref<2x16x32xf32, #tpu.memory_space<vmem>>, vector<16xf32>,
      %mul3A_751 = arith.mulf %get3A_744, %get3A_750 : vector<16xf32>
      %get3A_752 = arith.constant 0 : i32
      %get3A_753 = arith.constant 6 : i32
      %get3A_754 = arith.index_cast %get3A_752 : i32 to index
      %get3A_755 = arith.index_cast %get3A_753 : i32 to index
      %get3A_756 = arith.constant 16 : index
      %get3A_757 = tpu.vector_load %arg17[%get3A_754, %get3A_755, %get3A_756] {strides = array<i32>} : memref<2x16x32xf32, #tpu.memory_space<vmem>>, vector<16xf32>,
      %get3A_758 = arith.constant 0 : i32
      %get3A_759 = arith.constant 6 : i32
      %get3A_760 = arith.index_cast %get3A_758 : i32 to index
      %get3A_761 = arith.index_cast %get3A_759 : i32 to index
      %get3A_762 = arith.constant 16 : index
      %get3A_763 = tpu.vector_load %arg18[%get3A_760, %get3A_761, %get3A_762] {strides = array<i32>} : memref<2x16x32xf32, #tpu.memory_space<vmem>>, vector<16xf32>,
      %mul3A_764 = arith.mulf %get3A_757, %get3A_763 : vector<16xf32>
      %add3A_765 = arith.addf %mul3A_751, %mul3A_764 : vector<16xf32>
      %get3A_766 = arith.constant 0 : i32
      %get3A_767 = arith.constant 14 : i32
      %get3A_768 = arith.index_cast %get3A_766 : i32 to index
      %get3A_769 = arith.index_cast %get3A_767 : i32 to index
      %get3A_770 = arith.constant 0 : index
      %get3A_771 = tpu.vector_load %arg17[%get3A_768, %get3A_769, %get3A_770] {strides = array<i32>} : memref<2x16x32xf32, #tpu.memory_space<vmem>>, vector<16xf32>,
      %get3A_772 = arith.constant 0 : i32
      %get3A_773 = arith.constant 14 : i32
      %get3A_774 = arith.index_cast %get3A_772 : i32 to index
      %get3A_775 = arith.index_cast %get3A_773 : i32 to index
      %get3A_776 = arith.constant 0 : index
      %get3A_777 = tpu.vector_load %arg18[%get3A_774, %get3A_775, %get3A_776] {strides = array<i32>} : memref<2x16x32xf32, #tpu.memory_space<vmem>>, vector<16xf32>,
      %mul3A_778 = arith.mulf %get3A_771, %get3A_777 : vector<16xf32>
      %get3A_779 = arith.constant 0 : i32
      %get3A_780 = arith.constant 14 : i32
      %get3A_781 = arith.index_cast %get3A_779 : i32 to index
      %get3A_782 = arith.index_cast %get3A_780 : i32 to index
      %get3A_783 = arith.constant 16 : index
      %get3A_784 = tpu.vector_load %arg17[%get3A_781, %get3A_782, %get3A_783] {strides = array<i32>} : memref<2x16x32xf32, #tpu.memory_space<vmem>>, vector<16xf32>,
      %get3A_785 = arith.constant 0 : i32
      %get3A_786 = arith.constant 14 : i32
      %get3A_787 = arith.index_cast %get3A_785 : i32 to index
      %get3A_788 = arith.index_cast %get3A_786 : i32 to index
      %get3A_789 = arith.constant 16 : index
      %get3A_790 = tpu.vector_load %arg18[%get3A_787, %get3A_788, %get3A_789] {strides = array<i32>} : memref<2x16x32xf32, #tpu.memory_space<vmem>>, vector<16xf32>,
      %mul3A_791 = arith.mulf %get3A_784, %get3A_790 : vector<16xf32>
      %add3A_792 = arith.addf %mul3A_778, %mul3A_791 : vector<16xf32>
      %get3A_793 = arith.constant 0 : i32
      %get3A_794 = arith.constant 1 : i32
      %get3A_795 = arith.index_cast %get3A_793 : i32 to index
      %get3A_796 = arith.index_cast %get3A_794 : i32 to index
      %get3A_797 = arith.constant 0 : index
      %get3A_798 = tpu.vector_load %arg17[%get3A_795, %get3A_796, %get3A_797] {strides = array<i32>} : memref<2x16x32xf32, #tpu.memory_space<vmem>>, vector<16xf32>,
      %get3A_799 = arith.constant 0 : i32
      %get3A_800 = arith.constant 1 : i32
      %get3A_801 = arith.index_cast %get3A_799 : i32 to index
      %get3A_802 = arith.index_cast %get3A_800 : i32 to index
      %get3A_803 = arith.constant 0 : index
      %get3A_804 = tpu.vector_load %arg18[%get3A_801, %get3A_802, %get3A_803] {strides = array<i32>} : memref<2x16x32xf32, #tpu.memory_space<vmem>>, vector<16xf32>,
      %mul3A_805 = arith.mulf %get3A_798, %get3A_804 : vector<16xf32>
      %get3A_806 = arith.constant 0 : i32
      %get3A_807 = arith.constant 1 : i32
      %get3A_808 = arith.index_cast %get3A_806 : i32 to index
      %get3A_809 = arith.index_cast %get3A_807 : i32 to index
      %get3A_810 = arith.constant 16 : index
      %get3A_811 = tpu.vector_load %arg17[%get3A_808, %get3A_809, %get3A_810] {strides = array<i32>} : memref<2x16x32xf32, #tpu.memory_space<vmem>>, vector<16xf32>,
      %get3A_812 = arith.constant 0 : i32
      %get3A_813 = arith.constant 1 : i32
      %get3A_814 = arith.index_cast %get3A_812 : i32 to index
      %get3A_815 = arith.index_cast %get3A_813 : i32 to index
      %get3A_816 = arith.constant 16 : index
      %get3A_817 = tpu.vector_load %arg18[%get3A_814, %get3A_815, %get3A_816] {strides = array<i32>} : memref<2x16x32xf32, #tpu.memory_space<vmem>>, vector<16xf32>,
      %mul3A_818 = arith.mulf %get3A_811, %get3A_817 : vector<16xf32>
      %add3A_819 = arith.addf %mul3A_805, %mul3A_818 : vector<16xf32>
      %get3A_820 = arith.constant 0 : i32
      %get3A_821 = arith.constant 9 : i32
      %get3A_822 = arith.index_cast %get3A_820 : i32 to index
      %get3A_823 = arith.index_cast %get3A_821 : i32 to index
      %get3A_824 = arith.constant 0 : index
      %get3A_825 = tpu.vector_load %arg17[%get3A_822, %get3A_823, %get3A_824] {strides = array<i32>} : memref<2x16x32xf32, #tpu.memory_space<vmem>>, vector<16xf32>,
      %get3A_826 = arith.constant 0 : i32
      %get3A_827 = arith.constant 9 : i32
      %get3A_828 = arith.index_cast %get3A_826 : i32 to index
      %get3A_829 = arith.index_cast %get3A_827 : i32 to index
      %get3A_830 = arith.constant 0 : index
      %get3A_831 = tpu.vector_load %arg18[%get3A_828, %get3A_829, %get3A_830] {strides = array<i32>} : memref<2x16x32xf32, #tpu.memory_space<vmem>>, vector<16xf32>,
      %mul3A_832 = arith.mulf %get3A_825, %get3A_831 : vector<16xf32>
      %get3A_833 = arith.constant 0 : i32
      %get3A_834 = arith.constant 9 : i32
      %get3A_835 = arith.index_cast %get3A_833 : i32 to index
      %get3A_836 = arith.index_cast %get3A_834 : i32 to index
      %get3A_837 = arith.constant 16 : index
      %get3A_838 = tpu.vector_load %arg17[%get3A_835, %get3A_836, %get3A_837] {strides = array<i32>} : memref<2x16x32xf32, #tpu.memory_space<vmem>>, vector<16xf32>,
      %get3A_839 = arith.constant 0 : i32
      %get3A_840 = arith.constant 9 : i32
      %get3A_841 = arith.index_cast %get3A_839 : i32 to index
      %get3A_842 = arith.index_cast %get3A_840 : i32 to index
      %get3A_843 = arith.constant 16 : index
      %get3A_844 = tpu.vector_load %arg18[%get3A_841, %get3A_842, %get3A_843] {strides = array<i32>} : memref<2x16x32xf32, #tpu.memory_space<vmem>>, vector<16xf32>,
      %mul3A_845 = arith.mulf %get3A_838, %get3A_844 : vector<16xf32>
      %add3A_846 = arith.addf %mul3A_832, %mul3A_845 : vector<16xf32>
      %get3A_847 = arith.constant 0 : i32
      %get3A_848 = arith.constant 5 : i32
      %get3A_849 = arith.index_cast %get3A_847 : i32 to index
      %get3A_850 = arith.index_cast %get3A_848 : i32 to index
      %get3A_851 = arith.constant 0 : index
      %get3A_852 = tpu.vector_load %arg17[%get3A_849, %get3A_850, %get3A_851] {strides = array<i32>} : memref<2x16x32xf32, #tpu.memory_space<vmem>>, vector<16xf32>,
      %get3A_853 = arith.constant 0 : i32
      %get3A_854 = arith.constant 5 : i32
      %get3A_855 = arith.index_cast %get3A_853 : i32 to index
      %get3A_856 = arith.index_cast %get3A_854 : i32 to index
      %get3A_857 = arith.constant 0 : index
      %get3A_858 = tpu.vector_load %arg18[%get3A_855, %get3A_856, %get3A_857] {strides = array<i32>} : memref<2x16x32xf32, #tpu.memory_space<vmem>>, vector<16xf32>,
      %mul3A_859 = arith.mulf %get3A_852, %get3A_858 : vector<16xf32>
      %get3A_860 = arith.constant 0 : i32
      %get3A_861 = arith.constant 5 : i32
      %get3A_862 = arith.index_cast %get3A_860 : i32 to index
      %get3A_863 = arith.index_cast %get3A_861 : i32 to index
      %get3A_864 = arith.constant 16 : index
      %get3A_865 = tpu.vector_load %arg17[%get3A_862, %get3A_863, %get3A_864] {strides = array<i32>} : memref<2x16x32xf32, #tpu.memory_space<vmem>>, vector<16xf32>,
      %get3A_866 = arith.constant 0 : i32
      %get3A_867 = arith.constant 5 : i32
      %get3A_868 = arith.index_cast %get3A_866 : i32 to index
      %get3A_869 = arith.index_cast %get3A_867 : i32 to index
      %get3A_870 = arith.constant 16 : index
      %get3A_871 = tpu.vector_load %arg18[%get3A_868, %get3A_869, %get3A_870] {strides = array<i32>} : memref<2x16x32xf32, #tpu.memory_space<vmem>>, vector<16xf32>,
      %mul3A_872 = arith.mulf %get3A_865, %get3A_871 : vector<16xf32>
      %add3A_873 = arith.addf %mul3A_859, %mul3A_872 : vector<16xf32>
      %get3A_874 = arith.constant 0 : i32
      %get3A_875 = arith.constant 13 : i32
      %get3A_876 = arith.index_cast %get3A_874 : i32 to index
      %get3A_877 = arith.index_cast %get3A_875 : i32 to index
      %get3A_878 = arith.constant 0 : index
      %get3A_879 = tpu.vector_load %arg17[%get3A_876, %get3A_877, %get3A_878] {strides = array<i32>} : memref<2x16x32xf32, #tpu.memory_space<vmem>>, vector<16xf32>,
      %get3A_880 = arith.constant 0 : i32
      %get3A_881 = arith.constant 13 : i32
      %get3A_882 = arith.index_cast %get3A_880 : i32 to index
      %get3A_883 = arith.index_cast %get3A_881 : i32 to index
      %get3A_884 = arith.constant 0 : index
      %get3A_885 = tpu.vector_load %arg18[%get3A_882, %get3A_883, %get3A_884] {strides = array<i32>} : memref<2x16x32xf32, #tpu.memory_space<vmem>>, vector<16xf32>,
      %mul3A_886 = arith.mulf %get3A_879, %get3A_885 : vector<16xf32>
      %get3A_887 = arith.constant 0 : i32
      %get3A_888 = arith.constant 13 : i32
      %get3A_889 = arith.index_cast %get3A_887 : i32 to index
      %get3A_890 = arith.index_cast %get3A_888 : i32 to index
      %get3A_891 = arith.constant 16 : index
      %get3A_892 = tpu.vector_load %arg17[%get3A_889, %get3A_890, %get3A_891] {strides = array<i32>} : memref<2x16x32xf32, #tpu.memory_space<vmem>>, vector<16xf32>,
      %get3A_893 = arith.constant 0 : i32
      %get3A_894 = arith.constant 13 : i32
      %get3A_895 = arith.index_cast %get3A_893 : i32 to index
      %get3A_896 = arith.index_cast %get3A_894 : i32 to index
      %get3A_897 = arith.constant 16 : index
      %get3A_898 = tpu.vector_load %arg18[%get3A_895, %get3A_896, %get3A_897] {strides = array<i32>} : memref<2x16x32xf32, #tpu.memory_space<vmem>>, vector<16xf32>,
      %mul3A_899 = arith.mulf %get3A_892, %get3A_898 : vector<16xf32>
      %add3A_900 = arith.addf %mul3A_886, %mul3A_899 : vector<16xf32>
      %get3A_901 = arith.constant 0 : i32
      %get3A_902 = arith.constant 3 : i32
      %get3A_903 = arith.index_cast %get3A_901 : i32 to index
      %get3A_904 = arith.index_cast %get3A_902 : i32 to index
      %get3A_905 = arith.constant 0 : index
      %get3A_906 = tpu.vector_load %arg17[%get3A_903, %get3A_904, %get3A_905] {strides = array<i32>} : memref<2x16x32xf32, #tpu.memory_space<vmem>>, vector<16xf32>,
      %get3A_907 = arith.constant 0 : i32
      %get3A_908 = arith.constant 3 : i32
      %get3A_909 = arith.index_cast %get3A_907 : i32 to index
      %get3A_910 = arith.index_cast %get3A_908 : i32 to index
      %get3A_911 = arith.constant 0 : index
      %get3A_912 = tpu.vector_load %arg18[%get3A_909, %get3A_910, %get3A_911] {strides = array<i32>} : memref<2x16x32xf32, #tpu.memory_space<vmem>>, vector<16xf32>,
      %mul3A_913 = arith.mulf %get3A_906, %get3A_912 : vector<16xf32>
      %get3A_914 = arith.constant 0 : i32
      %get3A_915 = arith.constant 3 : i32
      %get3A_916 = arith.index_cast %get3A_914 : i32 to index
      %get3A_917 = arith.index_cast %get3A_915 : i32 to index
      %get3A_918 = arith.constant 16 : index
      %get3A_919 = tpu.vector_load %arg17[%get3A_916, %get3A_917, %get3A_918] {strides = array<i32>} : memref<2x16x32xf32, #tpu.memory_space<vmem>>, vector<16xf32>,
      %get3A_920 = arith.constant 0 : i32
      %get3A_921 = arith.constant 3 : i32
      %get3A_922 = arith.index_cast %get3A_920 : i32 to index
      %get3A_923 = arith.index_cast %get3A_921 : i32 to index
      %get3A_924 = arith.constant 16 : index
      %get3A_925 = tpu.vector_load %arg18[%get3A_922, %get3A_923, %get3A_924] {strides = array<i32>} : memref<2x16x32xf32, #tpu.memory_space<vmem>>, vector<16xf32>,
      %mul3A_926 = arith.mulf %get3A_919, %get3A_925 : vector<16xf32>
      %add3A_927 = arith.addf %mul3A_913, %mul3A_926 : vector<16xf32>
      %get3A_928 = arith.constant 0 : i32
      %get3A_929 = arith.constant 11 : i32
      %get3A_930 = arith.index_cast %get3A_928 : i32 to index
      %get3A_931 = arith.index_cast %get3A_929 : i32 to index
      %get3A_932 = arith.constant 0 : index
      %get3A_933 = tpu.vector_load %arg17[%get3A_930, %get3A_931, %get3A_932] {strides = array<i32>} : memref<2x16x32xf32, #tpu.memory_space<vmem>>, vector<16xf32>,
      %get3A_934 = arith.constant 0 : i32
      %get3A_935 = arith.constant 11 : i32
      %get3A_936 = arith.index_cast %get3A_934 : i32 to index
      %get3A_937 = arith.index_cast %get3A_935 : i32 to index
      %get3A_938 = arith.constant 0 : index
      %get3A_939 = tpu.vector_load %arg18[%get3A_936, %get3A_937, %get3A_938] {strides = array<i32>} : memref<2x16x32xf32, #tpu.memory_space<vmem>>, vector<16xf32>,
      %mul3A_940 = arith.mulf %get3A_933, %get3A_939 : vector<16xf32>
      %get3A_941 = arith.constant 0 : i32
      %get3A_942 = arith.constant 11 : i32
      %get3A_943 = arith.index_cast %get3A_941 : i32 to index
      %get3A_944 = arith.index_cast %get3A_942 : i32 to index
      %get3A_945 = arith.constant 16 : index
      %get3A_946 = tpu.vector_load %arg17[%get3A_943, %get3A_944, %get3A_945] {strides = array<i32>} : memref<2x16x32xf32, #tpu.memory_space<vmem>>, vector<16xf32>,
      %get3A_947 = arith.constant 0 : i32
      %get3A_948 = arith.constant 11 : i32
      %get3A_949 = arith.index_cast %get3A_947 : i32 to index
      %get3A_950 = arith.index_cast %get3A_948 : i32 to index
      %get3A_951 = arith.constant 16 : index
      %get3A_952 = tpu.vector_load %arg18[%get3A_949, %get3A_950, %get3A_951] {strides = array<i32>} : memref<2x16x32xf32, #tpu.memory_space<vmem>>, vector<16xf32>,
      %mul3A_953 = arith.mulf %get3A_946, %get3A_952 : vector<16xf32>
      %add3A_954 = arith.addf %mul3A_940, %mul3A_953 : vector<16xf32>
      %get3A_955 = arith.constant 0 : i32
      %get3A_956 = arith.constant 7 : i32
      %get3A_957 = arith.index_cast %get3A_955 : i32 to index
      %get3A_958 = arith.index_cast %get3A_956 : i32 to index
      %get3A_959 = arith.constant 0 : index
      %get3A_960 = tpu.vector_load %arg17[%get3A_957, %get3A_958, %get3A_959] {strides = array<i32>} : memref<2x16x32xf32, #tpu.memory_space<vmem>>, vector<16xf32>,
      %get3A_961 = arith.constant 0 : i32
      %get3A_962 = arith.constant 7 : i32
      %get3A_963 = arith.index_cast %get3A_961 : i32 to index
      %get3A_964 = arith.index_cast %get3A_962 : i32 to index
      %get3A_965 = arith.constant 0 : index
      %get3A_966 = tpu.vector_load %arg18[%get3A_963, %get3A_964, %get3A_965] {strides = array<i32>} : memref<2x16x32xf32, #tpu.memory_space<vmem>>, vector<16xf32>,
      %mul3A_967 = arith.mulf %get3A_960, %get3A_966 : vector<16xf32>
      %get3A_968 = arith.constant 0 : i32
      %get3A_969 = arith.constant 7 : i32
      %get3A_970 = arith.index_cast %get3A_968 : i32 to index
      %get3A_971 = arith.index_cast %get3A_969 : i32 to index
      %get3A_972 = arith.constant 16 : index
      %get3A_973 = tpu.vector_load %arg17[%get3A_970, %get3A_971, %get3A_972] {strides = array<i32>} : memref<2x16x32xf32, #tpu.memory_space<vmem>>, vector<16xf32>,
      %get3A_974 = arith.constant 0 : i32
      %get3A_975 = arith.constant 7 : i32
      %get3A_976 = arith.index_cast %get3A_974 : i32 to index
      %get3A_977 = arith.index_cast %get3A_975 : i32 to index
      %get3A_978 = arith.constant 16 : index
      %get3A_979 = tpu.vector_load %arg18[%get3A_976, %get3A_977, %get3A_978] {strides = array<i32>} : memref<2x16x32xf32, #tpu.memory_space<vmem>>, vector<16xf32>,
      %mul3A_980 = arith.mulf %get3A_973, %get3A_979 : vector<16xf32>
      %add3A_981 = arith.addf %mul3A_967, %mul3A_980 : vector<16xf32>
      %get3A_982 = arith.constant 0 : i32
      %get3A_983 = arith.constant 15 : i32
      %get3A_984 = arith.index_cast %get3A_982 : i32 to index
      %get3A_985 = arith.index_cast %get3A_983 : i32 to index
      %get3A_986 = arith.constant 0 : index
      %get3A_987 = tpu.vector_load %arg17[%get3A_984, %get3A_985, %get3A_986] {strides = array<i32>} : memref<2x16x32xf32, #tpu.memory_space<vmem>>, vector<16xf32>,
      %get3A_988 = arith.constant 0 : i32
      %get3A_989 = arith.constant 15 : i32
      %get3A_990 = arith.index_cast %get3A_988 : i32 to index
      %get3A_991 = arith.index_cast %get3A_989 : i32 to index
      %get3A_992 = arith.constant 0 : index
      %get3A_993 = tpu.vector_load %arg18[%get3A_990, %get3A_991, %get3A_992] {strides = array<i32>} : memref<2x16x32xf32, #tpu.memory_space<vmem>>, vector<16xf32>,
      %mul3A_994 = arith.mulf %get3A_987, %get3A_993 : vector<16xf32>
      %get3A_995 = arith.constant 0 : i32
      %get3A_996 = arith.constant 15 : i32
      %get3A_997 = arith.index_cast %get3A_995 : i32 to index
      %get3A_998 = arith.index_cast %get3A_996 : i32 to index
      %get3A_999 = arith.constant 16 : index
      %get3A_1000 = tpu.vector_load %arg17[%get3A_997, %get3A_998, %get3A_999] {strides = array<i32>} : memref<2x16x32xf32, #tpu.memory_space<vmem>>, vector<16xf32>,
      %get3A_1001 = arith.constant 0 : i32
      %get3A_1002 = arith.constant 15 : i32
      %get3A_1003 = arith.index_cast %get3A_1001 : i32 to index
      %get3A_1004 = arith.index_cast %get3A_1002 : i32 to index
      %get3A_1005 = arith.constant 16 : index
      %get3A_1006 = tpu.vector_load %arg18[%get3A_1003, %get3A_1004, %get3A_1005] {strides = array<i32>} : memref<2x16x32xf32, #tpu.memory_space<vmem>>, vector<16xf32>,
      %mul3A_1007 = arith.mulf %get3A_1000, %get3A_1006 : vector<16xf32>
      %add3A_1008 = arith.addf %mul3A_994, %mul3A_1007 : vector<16xf32>
      %reshape3A = vector.shape_cast %xor3A_43 : vector<16xi32> to vector<16x1xi32>
      %gather3A = vector.shape_cast %reshape3A : vector<16x1xi32> to vector<16xi32>
      %gather3A_1009 = tpu.dynamic_gather %add3A_603[%gather3A] in [0] : vector<16xf32>, vector<16xi32> -> vector<16xf32>
      %add3A_1010 = arith.addf %add3A_603, %gather3A_1009 : vector<16xf32>
      %reshape3A_1011 = vector.shape_cast %xor3A_43 : vector<16xi32> to vector<16x1xi32>
      %gather3A_1012 = vector.shape_cast %reshape3A_1011 : vector<16x1xi32> to vector<16xi32>
      %gather3A_1013 = tpu.dynamic_gather %add3A_630[%gather3A_1012] in [0] : vector<16xf32>, vector<16xi32> -> vector<16xf32>
      %add3A_1014 = arith.addf %add3A_630, %gather3A_1013 : vector<16xf32>
      %reshape3A_1015 = vector.shape_cast %add3A_90 : vector<16xi32> to vector<16x1xi32>
      %gather3A_1016 = vector.shape_cast %reshape3A_1015 : vector<16x1xi32> to vector<16xi32>
      %gather3A_1017 = tpu.dynamic_gather %add3A_1010[%gather3A_1016] in [0] : vector<16xf32>, vector<16xi32> -> vector<16xf32>
      %reshape3A_1018 = vector.shape_cast %add3A_90 : vector<16xi32> to vector<16x1xi32>
      %gather3A_1019 = vector.shape_cast %reshape3A_1018 : vector<16x1xi32> to vector<16xi32>
      %gather3A_1020 = tpu.dynamic_gather %add3A_1014[%gather3A_1019] in [0] : vector<16xf32>, vector<16xi32> -> vector<16xf32>
      %sub3A_1021 = arith.subf %gather3A_1017, %gather3A_1020 : vector<16xf32>
      %mul3A_1022 = arith.mulf %sub3A_1021, %convert_element_type3A : vector<16xf32>
      %add3A_1023 = arith.addf %gather3A_1020, %mul3A_1022 : vector<16xf32>
      %reshape3A_1024 = vector.shape_cast %xor3A_43 : vector<16xi32> to vector<16x1xi32>
      %gather3A_1025 = vector.shape_cast %reshape3A_1024 : vector<16x1xi32> to vector<16xi32>
      %gather3A_1026 = tpu.dynamic_gather %add3A_657[%gather3A_1025] in [0] : vector<16xf32>, vector<16xi32> -> vector<16xf32>
      %add3A_1027 = arith.addf %add3A_657, %gather3A_1026 : vector<16xf32>
      %reshape3A_1028 = vector.shape_cast %xor3A_43 : vector<16xi32> to vector<16x1xi32>
      %gather3A_1029 = vector.shape_cast %reshape3A_1028 : vector<16x1xi32> to vector<16xi32>
      %gather3A_1030 = tpu.dynamic_gather %add3A_684[%gather3A_1029] in [0] : vector<16xf32>, vector<16xi32> -> vector<16xf32>
      %add3A_1031 = arith.addf %add3A_684, %gather3A_1030 : vector<16xf32>
      %reshape3A_1032 = vector.shape_cast %add3A_90 : vector<16xi32> to vector<16x1xi32>
      %gather3A_1033 = vector.shape_cast %reshape3A_1032 : vector<16x1xi32> to vector<16xi32>
      %gather3A_1034 = tpu.dynamic_gather %add3A_1027[%gather3A_1033] in [0] : vector<16xf32>, vector<16xi32> -> vector<16xf32>
      %reshape3A_1035 = vector.shape_cast %add3A_90 : vector<16xi32> to vector<16x1xi32>
      %gather3A_1036 = vector.shape_cast %reshape3A_1035 : vector<16x1xi32> to vector<16xi32>
      %gather3A_1037 = tpu.dynamic_gather %add3A_1031[%gather3A_1036] in [0] : vector<16xf32>, vector<16xi32> -> vector<16xf32>
      %sub3A_1038 = arith.subf %gather3A_1034, %gather3A_1037 : vector<16xf32>
      %mul3A_1039 = arith.mulf %sub3A_1038, %convert_element_type3A : vector<16xf32>
      %add3A_1040 = arith.addf %gather3A_1037, %mul3A_1039 : vector<16xf32>
      %reshape3A_1041 = vector.shape_cast %xor3A_43 : vector<16xi32> to vector<16x1xi32>
      %gather3A_1042 = vector.shape_cast %reshape3A_1041 : vector<16x1xi32> to vector<16xi32>
      %gather3A_1043 = tpu.dynamic_gather %add3A_711[%gather3A_1042] in [0] : vector<16xf32>, vector<16xi32> -> vector<16xf32>
      %add3A_1044 = arith.addf %add3A_711, %gather3A_1043 : vector<16xf32>
      %reshape3A_1045 = vector.shape_cast %xor3A_43 : vector<16xi32> to vector<16x1xi32>
      %gather3A_1046 = vector.shape_cast %reshape3A_1045 : vector<16x1xi32> to vector<16xi32>
      %gather3A_1047 = tpu.dynamic_gather %add3A_738[%gather3A_1046] in [0] : vector<16xf32>, vector<16xi32> -> vector<16xf32>
      %add3A_1048 = arith.addf %add3A_738, %gather3A_1047 : vector<16xf32>
      %reshape3A_1049 = vector.shape_cast %add3A_90 : vector<16xi32> to vector<16x1xi32>
      %gather3A_1050 = vector.shape_cast %reshape3A_1049 : vector<16x1xi32> to vector<16xi32>
      %gather3A_1051 = tpu.dynamic_gather %add3A_1044[%gather3A_1050] in [0] : vector<16xf32>, vector<16xi32> -> vector<16xf32>
      %reshape3A_1052 = vector.shape_cast %add3A_90 : vector<16xi32> to vector<16x1xi32>
      %gather3A_1053 = vector.shape_cast %reshape3A_1052 : vector<16x1xi32> to vector<16xi32>
      %gather3A_1054 = tpu.dynamic_gather %add3A_1048[%gather3A_1053] in [0] : vector<16xf32>, vector<16xi32> -> vector<16xf32>
      %sub3A_1055 = arith.subf %gather3A_1051, %gather3A_1054 : vector<16xf32>
      %mul3A_1056 = arith.mulf %sub3A_1055, %convert_element_type3A : vector<16xf32>
      %add3A_1057 = arith.addf %gather3A_1054, %mul3A_1056 : vector<16xf32>
      %reshape3A_1058 = vector.shape_cast %xor3A_43 : vector<16xi32> to vector<16x1xi32>
      %gather3A_1059 = vector.shape_cast %reshape3A_1058 : vector<16x1xi32> to vector<16xi32>
      %gather3A_1060 = tpu.dynamic_gather %add3A_765[%gather3A_1059] in [0] : vector<16xf32>, vector<16xi32> -> vector<16xf32>
      %add3A_1061 = arith.addf %add3A_765, %gather3A_1060 : vector<16xf32>
      %reshape3A_1062 = vector.shape_cast %xor3A_43 : vector<16xi32> to vector<16x1xi32>
      %gather3A_1063 = vector.shape_cast %reshape3A_1062 : vector<16x1xi32> to vector<16xi32>
      %gather3A_1064 = tpu.dynamic_gather %add3A_792[%gather3A_1063] in [0] : vector<16xf32>, vector<16xi32> -> vector<16xf32>
      %add3A_1065 = arith.addf %add3A_792, %gather3A_1064 : vector<16xf32>
      %reshape3A_1066 = vector.shape_cast %add3A_90 : vector<16xi32> to vector<16x1xi32>
      %gather3A_1067 = vector.shape_cast %reshape3A_1066 : vector<16x1xi32> to vector<16xi32>
      %gather3A_1068 = tpu.dynamic_gather %add3A_1061[%gather3A_1067] in [0] : vector<16xf32>, vector<16xi32> -> vector<16xf32>
      %reshape3A_1069 = vector.shape_cast %add3A_90 : vector<16xi32> to vector<16x1xi32>
      %gather3A_1070 = vector.shape_cast %reshape3A_1069 : vector<16x1xi32> to vector<16xi32>
      %gather3A_1071 = tpu.dynamic_gather %add3A_1065[%gather3A_1070] in [0] : vector<16xf32>, vector<16xi32> -> vector<16xf32>
      %sub3A_1072 = arith.subf %gather3A_1068, %gather3A_1071 : vector<16xf32>
      %mul3A_1073 = arith.mulf %sub3A_1072, %convert_element_type3A : vector<16xf32>
      %add3A_1074 = arith.addf %gather3A_1071, %mul3A_1073 : vector<16xf32>
      %reshape3A_1075 = vector.shape_cast %xor3A_43 : vector<16xi32> to vector<16x1xi32>
      %gather3A_1076 = vector.shape_cast %reshape3A_1075 : vector<16x1xi32> to vector<16xi32>
      %gather3A_1077 = tpu.dynamic_gather %add3A_819[%gather3A_1076] in [0] : vector<16xf32>, vector<16xi32> -> vector<16xf32>
      %add3A_1078 = arith.addf %add3A_819, %gather3A_1077 : vector<16xf32>
      %reshape3A_1079 = vector.shape_cast %xor3A_43 : vector<16xi32> to vector<16x1xi32>
      %gather3A_1080 = vector.shape_cast %reshape3A_1079 : vector<16x1xi32> to vector<16xi32>
      %gather3A_1081 = tpu.dynamic_gather %add3A_846[%gather3A_1080] in [0] : vector<16xf32>, vector<16xi32> -> vector<16xf32>
      %add3A_1082 = arith.addf %add3A_846, %gather3A_1081 : vector<16xf32>
      %reshape3A_1083 = vector.shape_cast %add3A_90 : vector<16xi32> to vector<16x1xi32>
      %gather3A_1084 = vector.shape_cast %reshape3A_1083 : vector<16x1xi32> to vector<16xi32>
      %gather3A_1085 = tpu.dynamic_gather %add3A_1078[%gather3A_1084] in [0] : vector<16xf32>, vector<16xi32> -> vector<16xf32>
      %reshape3A_1086 = vector.shape_cast %add3A_90 : vector<16xi32> to vector<16x1xi32>
      %gather3A_1087 = vector.shape_cast %reshape3A_1086 : vector<16x1xi32> to vector<16xi32>
      %gather3A_1088 = tpu.dynamic_gather %add3A_1082[%gather3A_1087] in [0] : vector<16xf32>, vector<16xi32> -> vector<16xf32>
      %sub3A_1089 = arith.subf %gather3A_1085, %gather3A_1088 : vector<16xf32>
      %mul3A_1090 = arith.mulf %sub3A_1089, %convert_element_type3A : vector<16xf32>
      %add3A_1091 = arith.addf %gather3A_1088, %mul3A_1090 : vector<16xf32>
      %reshape3A_1092 = vector.shape_cast %xor3A_43 : vector<16xi32> to vector<16x1xi32>
      %gather3A_1093 = vector.shape_cast %reshape3A_1092 : vector<16x1xi32> to vector<16xi32>
      %gather3A_1094 = tpu.dynamic_gather %add3A_873[%gather3A_1093] in [0] : vector<16xf32>, vector<16xi32> -> vector<16xf32>
      %add3A_1095 = arith.addf %add3A_873, %gather3A_1094 : vector<16xf32>
      %reshape3A_1096 = vector.shape_cast %xor3A_43 : vector<16xi32> to vector<16x1xi32>
      %gather3A_1097 = vector.shape_cast %reshape3A_1096 : vector<16x1xi32> to vector<16xi32>
      %gather3A_1098 = tpu.dynamic_gather %add3A_900[%gather3A_1097] in [0] : vector<16xf32>, vector<16xi32> -> vector<16xf32>
      %add3A_1099 = arith.addf %add3A_900, %gather3A_1098 : vector<16xf32>
      %reshape3A_1100 = vector.shape_cast %add3A_90 : vector<16xi32> to vector<16x1xi32>
      %gather3A_1101 = vector.shape_cast %reshape3A_1100 : vector<16x1xi32> to vector<16xi32>
      %gather3A_1102 = tpu.dynamic_gather %add3A_1095[%gather3A_1101] in [0] : vector<16xf32>, vector<16xi32> -> vector<16xf32>
      %reshape3A_1103 = vector.shape_cast %add3A_90 : vector<16xi32> to vector<16x1xi32>
      %gather3A_1104 = vector.shape_cast %reshape3A_1103 : vector<16x1xi32> to vector<16xi32>
      %gather3A_1105 = tpu.dynamic_gather %add3A_1099[%gather3A_1104] in [0] : vector<16xf32>, vector<16xi32> -> vector<16xf32>
      %sub3A_1106 = arith.subf %gather3A_1102, %gather3A_1105 : vector<16xf32>
      %mul3A_1107 = arith.mulf %sub3A_1106, %convert_element_type3A : vector<16xf32>
      %add3A_1108 = arith.addf %gather3A_1105, %mul3A_1107 : vector<16xf32>
      %reshape3A_1109 = vector.shape_cast %xor3A_43 : vector<16xi32> to vector<16x1xi32>
      %gather3A_1110 = vector.shape_cast %reshape3A_1109 : vector<16x1xi32> to vector<16xi32>
      %gather3A_1111 = tpu.dynamic_gather %add3A_927[%gather3A_1110] in [0] : vector<16xf32>, vector<16xi32> -> vector<16xf32>
      %add3A_1112 = arith.addf %add3A_927, %gather3A_1111 : vector<16xf32>
      %reshape3A_1113 = vector.shape_cast %xor3A_43 : vector<16xi32> to vector<16x1xi32>
      %gather3A_1114 = vector.shape_cast %reshape3A_1113 : vector<16x1xi32> to vector<16xi32>
      %gather3A_1115 = tpu.dynamic_gather %add3A_954[%gather3A_1114] in [0] : vector<16xf32>, vector<16xi32> -> vector<16xf32>
      %add3A_1116 = arith.addf %add3A_954, %gather3A_1115 : vector<16xf32>
      %reshape3A_1117 = vector.shape_cast %add3A_90 : vector<16xi32> to vector<16x1xi32>
      %gather3A_1118 = vector.shape_cast %reshape3A_1117 : vector<16x1xi32> to vector<16xi32>
      %gather3A_1119 = tpu.dynamic_gather %add3A_1112[%gather3A_1118] in [0] : vector<16xf32>, vector<16xi32> -> vector<16xf32>
      %reshape3A_1120 = vector.shape_cast %add3A_90 : vector<16xi32> to vector<16x1xi32>
      %gather3A_1121 = vector.shape_cast %reshape3A_1120 : vector<16x1xi32> to vector<16xi32>
      %gather3A_1122 = tpu.dynamic_gather %add3A_1116[%gather3A_1121] in [0] : vector<16xf32>, vector<16xi32> -> vector<16xf32>
      %sub3A_1123 = arith.subf %gather3A_1119, %gather3A_1122 : vector<16xf32>
      %mul3A_1124 = arith.mulf %sub3A_1123, %convert_element_type3A : vector<16xf32>
      %add3A_1125 = arith.addf %gather3A_1122, %mul3A_1124 : vector<16xf32>
      %reshape3A_1126 = vector.shape_cast %xor3A_43 : vector<16xi32> to vector<16x1xi32>
      %gather3A_1127 = vector.shape_cast %reshape3A_1126 : vector<16x1xi32> to vector<16xi32>
      %gather3A_1128 = tpu.dynamic_gather %add3A_981[%gather3A_1127] in [0] : vector<16xf32>, vector<16xi32> -> vector<16xf32>
      %add3A_1129 = arith.addf %add3A_981, %gather3A_1128 : vector<16xf32>
      %reshape3A_1130 = vector.shape_cast %xor3A_43 : vector<16xi32> to vector<16x1xi32>
      %gather3A_1131 = vector.shape_cast %reshape3A_1130 : vector<16x1xi32> to vector<16xi32>
      %gather3A_1132 = tpu.dynamic_gather %add3A_1008[%gather3A_1131] in [0] : vector<16xf32>, vector<16xi32> -> vector<16xf32>
      %add3A_1133 = arith.addf %add3A_1008, %gather3A_1132 : vector<16xf32>
      %reshape3A_1134 = vector.shape_cast %add3A_90 : vector<16xi32> to vector<16x1xi32>
      %gather3A_1135 = vector.shape_cast %reshape3A_1134 : vector<16x1xi32> to vector<16xi32>
      %gather3A_1136 = tpu.dynamic_gather %add3A_1129[%gather3A_1135] in [0] : vector<16xf32>, vector<16xi32> -> vector<16xf32>
      %reshape3A_1137 = vector.shape_cast %add3A_90 : vector<16xi32> to vector<16x1xi32>
      %gather3A_1138 = vector.shape_cast %reshape3A_1137 : vector<16x1xi32> to vector<16xi32>
      %gather3A_1139 = tpu.dynamic_gather %add3A_1133[%gather3A_1138] in [0] : vector<16xf32>, vector<16xi32> -> vector<16xf32>
      %sub3A_1140 = arith.subf %gather3A_1136, %gather3A_1139 : vector<16xf32>
      %mul3A_1141 = arith.mulf %sub3A_1140, %convert_element_type3A : vector<16xf32>
      %add3A_1142 = arith.addf %gather3A_1139, %mul3A_1141 : vector<16xf32>
      %reshape3A_1143 = vector.shape_cast %xor3A_149 : vector<16xi32> to vector<16x1xi32>
      %gather3A_1144 = vector.shape_cast %reshape3A_1143 : vector<16x1xi32> to vector<16xi32>
      %gather3A_1145 = tpu.dynamic_gather %add3A_1023[%gather3A_1144] in [0] : vector<16xf32>, vector<16xi32> -> vector<16xf32>
      %add3A_1146 = arith.addf %add3A_1023, %gather3A_1145 : vector<16xf32>
      %reshape3A_1147 = vector.shape_cast %xor3A_149 : vector<16xi32> to vector<16x1xi32>
      %gather3A_1148 = vector.shape_cast %reshape3A_1147 : vector<16x1xi32> to vector<16xi32>
      %gather3A_1149 = tpu.dynamic_gather %add3A_1040[%gather3A_1148] in [0] : vector<16xf32>, vector<16xi32> -> vector<16xf32>
      %add3A_1150 = arith.addf %add3A_1040, %gather3A_1149 : vector<16xf32>
      %reshape3A_1151 = vector.shape_cast %add3A_206 : vector<16xi32> to vector<16x1xi32>
      %gather3A_1152 = vector.shape_cast %reshape3A_1151 : vector<16x1xi32> to vector<16xi32>
      %gather3A_1153 = tpu.dynamic_gather %add3A_1146[%gather3A_1152] in [0] : vector<16xf32>, vector<16xi32> -> vector<16xf32>
      %reshape3A_1154 = vector.shape_cast %add3A_206 : vector<16xi32> to vector<16x1xi32>
      %gather3A_1155 = vector.shape_cast %reshape3A_1154 : vector<16x1xi32> to vector<16xi32>
      %gather3A_1156 = tpu.dynamic_gather %add3A_1150[%gather3A_1155] in [0] : vector<16xf32>, vector<16xi32> -> vector<16xf32>
      %sub3A_1157 = arith.subf %gather3A_1153, %gather3A_1156 : vector<16xf32>
      %mul3A_1158 = arith.mulf %sub3A_1157, %convert_element_type3A_263 : vector<16xf32>
      %add3A_1159 = arith.addf %gather3A_1156, %mul3A_1158 : vector<16xf32>
      %reshape3A_1160 = vector.shape_cast %xor3A_149 : vector<16xi32> to vector<16x1xi32>
      %gather3A_1161 = vector.shape_cast %reshape3A_1160 : vector<16x1xi32> to vector<16xi32>
      %gather3A_1162 = tpu.dynamic_gather %add3A_1057[%gather3A_1161] in [0] : vector<16xf32>, vector<16xi32> -> vector<16xf32>
      %add3A_1163 = arith.addf %add3A_1057, %gather3A_1162 : vector<16xf32>
      %reshape3A_1164 = vector.shape_cast %xor3A_149 : vector<16xi32> to vector<16x1xi32>
      %gather3A_1165 = vector.shape_cast %reshape3A_1164 : vector<16x1xi32> to vector<16xi32>
      %gather3A_1166 = tpu.dynamic_gather %add3A_1074[%gather3A_1165] in [0] : vector<16xf32>, vector<16xi32> -> vector<16xf32>
      %add3A_1167 = arith.addf %add3A_1074, %gather3A_1166 : vector<16xf32>
      %reshape3A_1168 = vector.shape_cast %add3A_206 : vector<16xi32> to vector<16x1xi32>
      %gather3A_1169 = vector.shape_cast %reshape3A_1168 : vector<16x1xi32> to vector<16xi32>
      %gather3A_1170 = tpu.dynamic_gather %add3A_1163[%gather3A_1169] in [0] : vector<16xf32>, vector<16xi32> -> vector<16xf32>
      %reshape3A_1171 = vector.shape_cast %add3A_206 : vector<16xi32> to vector<16x1xi32>
      %gather3A_1172 = vector.shape_cast %reshape3A_1171 : vector<16x1xi32> to vector<16xi32>
      %gather3A_1173 = tpu.dynamic_gather %add3A_1167[%gather3A_1172] in [0] : vector<16xf32>, vector<16xi32> -> vector<16xf32>
      %sub3A_1174 = arith.subf %gather3A_1170, %gather3A_1173 : vector<16xf32>
      %mul3A_1175 = arith.mulf %sub3A_1174, %convert_element_type3A_263 : vector<16xf32>
      %add3A_1176 = arith.addf %gather3A_1173, %mul3A_1175 : vector<16xf32>
      %reshape3A_1177 = vector.shape_cast %xor3A_149 : vector<16xi32> to vector<16x1xi32>
      %gather3A_1178 = vector.shape_cast %reshape3A_1177 : vector<16x1xi32> to vector<16xi32>
      %gather3A_1179 = tpu.dynamic_gather %add3A_1091[%gather3A_1178] in [0] : vector<16xf32>, vector<16xi32> -> vector<16xf32>
      %add3A_1180 = arith.addf %add3A_1091, %gather3A_1179 : vector<16xf32>
      %reshape3A_1181 = vector.shape_cast %xor3A_149 : vector<16xi32> to vector<16x1xi32>
      %gather3A_1182 = vector.shape_cast %reshape3A_1181 : vector<16x1xi32> to vector<16xi32>
      %gather3A_1183 = tpu.dynamic_gather %add3A_1108[%gather3A_1182] in [0] : vector<16xf32>, vector<16xi32> -> vector<16xf32>
      %add3A_1184 = arith.addf %add3A_1108, %gather3A_1183 : vector<16xf32>
      %reshape3A_1185 = vector.shape_cast %add3A_206 : vector<16xi32> to vector<16x1xi32>
      %gather3A_1186 = vector.shape_cast %reshape3A_1185 : vector<16x1xi32> to vector<16xi32>
      %gather3A_1187 = tpu.dynamic_gather %add3A_1180[%gather3A_1186] in [0] : vector<16xf32>, vector<16xi32> -> vector<16xf32>
      %reshape3A_1188 = vector.shape_cast %add3A_206 : vector<16xi32> to vector<16x1xi32>
      %gather3A_1189 = vector.shape_cast %reshape3A_1188 : vector<16x1xi32> to vector<16xi32>
      %gather3A_1190 = tpu.dynamic_gather %add3A_1184[%gather3A_1189] in [0] : vector<16xf32>, vector<16xi32> -> vector<16xf32>
      %sub3A_1191 = arith.subf %gather3A_1187, %gather3A_1190 : vector<16xf32>
      %mul3A_1192 = arith.mulf %sub3A_1191, %convert_element_type3A_263 : vector<16xf32>
      %add3A_1193 = arith.addf %gather3A_1190, %mul3A_1192 : vector<16xf32>
      %reshape3A_1194 = vector.shape_cast %xor3A_149 : vector<16xi32> to vector<16x1xi32>
      %gather3A_1195 = vector.shape_cast %reshape3A_1194 : vector<16x1xi32> to vector<16xi32>
      %gather3A_1196 = tpu.dynamic_gather %add3A_1125[%gather3A_1195] in [0] : vector<16xf32>, vector<16xi32> -> vector<16xf32>
      %add3A_1197 = arith.addf %add3A_1125, %gather3A_1196 : vector<16xf32>
      %reshape3A_1198 = vector.shape_cast %xor3A_149 : vector<16xi32> to vector<16x1xi32>
      %gather3A_1199 = vector.shape_cast %reshape3A_1198 : vector<16x1xi32> to vector<16xi32>
      %gather3A_1200 = tpu.dynamic_gather %add3A_1142[%gather3A_1199] in [0] : vector<16xf32>, vector<16xi32> -> vector<16xf32>
      %add3A_1201 = arith.addf %add3A_1142, %gather3A_1200 : vector<16xf32>
      %reshape3A_1202 = vector.shape_cast %add3A_206 : vector<16xi32> to vector<16x1xi32>
      %gather3A_1203 = vector.shape_cast %reshape3A_1202 : vector<16x1xi32> to vector<16xi32>
      %gather3A_1204 = tpu.dynamic_gather %add3A_1197[%gather3A_1203] in [0] : vector<16xf32>, vector<16xi32> -> vector<16xf32>
      %reshape3A_1205 = vector.shape_cast %add3A_206 : vector<16xi32> to vector<16x1xi32>
      %gather3A_1206 = vector.shape_cast %reshape3A_1205 : vector<16x1xi32> to vector<16xi32>
      %gather3A_1207 = tpu.dynamic_gather %add3A_1201[%gather3A_1206] in [0] : vector<16xf32>, vector<16xi32> -> vector<16xf32>
      %sub3A_1208 = arith.subf %gather3A_1204, %gather3A_1207 : vector<16xf32>
      %mul3A_1209 = arith.mulf %sub3A_1208, %convert_element_type3A_263 : vector<16xf32>
      %add3A_1210 = arith.addf %gather3A_1207, %mul3A_1209 : vector<16xf32>
      %reshape3A_1211 = vector.shape_cast %xor3A_266 : vector<16xi32> to vector<16x1xi32>
      %gather3A_1212 = vector.shape_cast %reshape3A_1211 : vector<16x1xi32> to vector<16xi32>
      %gather3A_1213 = tpu.dynamic_gather %add3A_1159[%gather3A_1212] in [0] : vector<16xf32>, vector<16xi32> -> vector<16xf32>
      %add3A_1214 = arith.addf %add3A_1159, %gather3A_1213 : vector<16xf32>
      %reshape3A_1215 = vector.shape_cast %xor3A_266 : vector<16xi32> to vector<16x1xi32>
      %gather3A_1216 = vector.shape_cast %reshape3A_1215 : vector<16x1xi32> to vector<16xi32>
      %gather3A_1217 = tpu.dynamic_gather %add3A_1176[%gather3A_1216] in [0] : vector<16xf32>, vector<16xi32> -> vector<16xf32>
      %add3A_1218 = arith.addf %add3A_1176, %gather3A_1217 : vector<16xf32>
      %reshape3A_1219 = vector.shape_cast %add3A_323 : vector<16xi32> to vector<16x1xi32>
      %gather3A_1220 = vector.shape_cast %reshape3A_1219 : vector<16x1xi32> to vector<16xi32>
      %gather3A_1221 = tpu.dynamic_gather %add3A_1214[%gather3A_1220] in [0] : vector<16xf32>, vector<16xi32> -> vector<16xf32>
      %reshape3A_1222 = vector.shape_cast %add3A_323 : vector<16xi32> to vector<16x1xi32>
      %gather3A_1223 = vector.shape_cast %reshape3A_1222 : vector<16x1xi32> to vector<16xi32>
      %gather3A_1224 = tpu.dynamic_gather %add3A_1218[%gather3A_1223] in [0] : vector<16xf32>, vector<16xi32> -> vector<16xf32>
      %sub3A_1225 = arith.subf %gather3A_1221, %gather3A_1224 : vector<16xf32>
      %mul3A_1226 = arith.mulf %sub3A_1225, %convert_element_type3A_380 : vector<16xf32>
      %add3A_1227 = arith.addf %gather3A_1224, %mul3A_1226 : vector<16xf32>
      %reshape3A_1228 = vector.shape_cast %xor3A_266 : vector<16xi32> to vector<16x1xi32>
      %gather3A_1229 = vector.shape_cast %reshape3A_1228 : vector<16x1xi32> to vector<16xi32>
      %gather3A_1230 = tpu.dynamic_gather %add3A_1193[%gather3A_1229] in [0] : vector<16xf32>, vector<16xi32> -> vector<16xf32>
      %add3A_1231 = arith.addf %add3A_1193, %gather3A_1230 : vector<16xf32>
      %reshape3A_1232 = vector.shape_cast %xor3A_266 : vector<16xi32> to vector<16x1xi32>
      %gather3A_1233 = vector.shape_cast %reshape3A_1232 : vector<16x1xi32> to vector<16xi32>
      %gather3A_1234 = tpu.dynamic_gather %add3A_1210[%gather3A_1233] in [0] : vector<16xf32>, vector<16xi32> -> vector<16xf32>
      %add3A_1235 = arith.addf %add3A_1210, %gather3A_1234 : vector<16xf32>
      %reshape3A_1236 = vector.shape_cast %add3A_323 : vector<16xi32> to vector<16x1xi32>
      %gather3A_1237 = vector.shape_cast %reshape3A_1236 : vector<16x1xi32> to vector<16xi32>
      %gather3A_1238 = tpu.dynamic_gather %add3A_1231[%gather3A_1237] in [0] : vector<16xf32>, vector<16xi32> -> vector<16xf32>
      %reshape3A_1239 = vector.shape_cast %add3A_323 : vector<16xi32> to vector<16x1xi32>
      %gather3A_1240 = vector.shape_cast %reshape3A_1239 : vector<16x1xi32> to vector<16xi32>
      %gather3A_1241 = tpu.dynamic_gather %add3A_1235[%gather3A_1240] in [0] : vector<16xf32>, vector<16xi32> -> vector<16xf32>
      %sub3A_1242 = arith.subf %gather3A_1238, %gather3A_1241 : vector<16xf32>
      %mul3A_1243 = arith.mulf %sub3A_1242, %convert_element_type3A_380 : vector<16xf32>
      %add3A_1244 = arith.addf %gather3A_1241, %mul3A_1243 : vector<16xf32>
      %reshape3A_1245 = vector.shape_cast %xor3A_383 : vector<16xi32> to vector<16x1xi32>
      %gather3A_1246 = vector.shape_cast %reshape3A_1245 : vector<16x1xi32> to vector<16xi32>
      %gather3A_1247 = tpu.dynamic_gather %add3A_1227[%gather3A_1246] in [0] : vector<16xf32>, vector<16xi32> -> vector<16xf32>
      %add3A_1248 = arith.addf %add3A_1227, %gather3A_1247 : vector<16xf32>
      %reshape3A_1249 = vector.shape_cast %xor3A_383 : vector<16xi32> to vector<16x1xi32>
      %gather3A_1250 = vector.shape_cast %reshape3A_1249 : vector<16x1xi32> to vector<16xi32>
      %gather3A_1251 = tpu.dynamic_gather %add3A_1244[%gather3A_1250] in [0] : vector<16xf32>, vector<16xi32> -> vector<16xf32>
      %add3A_1252 = arith.addf %add3A_1244, %gather3A_1251 : vector<16xf32>
      %reshape3A_1253 = vector.shape_cast %add3A_440 : vector<16xi32> to vector<16x1xi32>
      %gather3A_1254 = vector.shape_cast %reshape3A_1253 : vector<16x1xi32> to vector<16xi32>
      %gather3A_1255 = tpu.dynamic_gather %add3A_1248[%gather3A_1254] in [0] : vector<16xf32>, vector<16xi32> -> vector<16xf32>
      %reshape3A_1256 = vector.shape_cast %add3A_440 : vector<16xi32> to vector<16x1xi32>
      %gather3A_1257 = vector.shape_cast %reshape3A_1256 : vector<16x1xi32> to vector<16xi32>
      %gather3A_1258 = tpu.dynamic_gather %add3A_1252[%gather3A_1257] in [0] : vector<16xf32>, vector<16xi32> -> vector<16xf32>
      %sub3A_1259 = arith.subf %gather3A_1255, %gather3A_1258 : vector<16xf32>
      %mul3A_1260 = arith.mulf %sub3A_1259, %convert_element_type3A_497 : vector<16xf32>
      %add3A_1261 = arith.addf %gather3A_1258, %mul3A_1260 : vector<16xf32>
      %get3A_1262 = arith.index_cast %mul3A_572 : i32 to index
      %get3A_1263 = tpu.vector_load %arg15[%get3A_1262] {strides = array<i32>} : memref<512xf32, #tpu.memory_space<vmem>>, vector<16xf32>,
      %add3A_1264 = arith.addf %get3A_41, %get3A_1263 : vector<16xf32>
      %get3A_1265 = arith.index_cast %mul3A_572 : i32 to index
      %get3A_1266 = tpu.vector_load %arg16[%get3A_1265] {strides = array<i32>} : memref<512xf32, #tpu.memory_space<vmem>>, vector<16xf32>,
      %add3A_1267 = arith.addf %add3A_1264, %get3A_1266 : vector<16xf32>
      %add3A_1268 = arith.addf %add3A_1267, %add3A_1261 : vector<16xf32>
      %get3A_1269 = arith.index_cast %mul3A_572 : i32 to index
      %get3A_1270 = tpu.vector_load %arg13[%get3A_1269] {strides = array<i32>} : memref<512xf32, #tpu.memory_space<vmem>>, vector<16xf32>,
      %sub3A_1271 = arith.subf %add3A_1268, %get3A_1270 : vector<16xf32>
      %mul3A_1272 = arith.mulf %sub3A_1271, %sub3A_1271 : vector<16xf32>
      %add3A_1273 = arith.addf %scan3A_514, %mul3A_1272 : vector<16xf32>
      %add3A_1274 = arith.constant 2 : i32
      %add3A_1275 = arith.addi %mul3A_516, %add3A_1274 : i32
      %lt3A_1276 = arith.constant 32 : i32
      %lt3A_1277 = arith.cmpi slt, %add3A_1275, %lt3A_1276 : i32
      %convert_element_type3A_1278 = arith.extui %lt3A_1277 : i1 to i32
      %cond3A_1279 = arith.constant 0 : i32
      %cond3A_1280 = arith.cmpi ne, %convert_element_type3A_1278, %cond3A_1279 : i32
      scf.if %cond3A_1280 {
        %add3A_2018 = arith.constant 2 : i32
        %add3A_2019 = arith.addi %mul3A_516, %add3A_2018 : i32
        %mul3A_2020 = arith.constant 16 : i32
        %mul3A_2021 = arith.muli %add3A_2019, %mul3A_2020 : i32
        %get3A_2022 = arith.index_cast %mul3A_2021 : i32 to index
        %get3A_2023 = tpu.vector_load %arg11[%get3A_2022] {strides = array<i32>} : memref<512xi32, #tpu.memory_space<vmem>>, vector<16xi32>,
        %get3A_2024 = arith.index_cast %mul3A_2021 : i32 to index
        %get3A_2025 = tpu.vector_load %arg12[%get3A_2024] {strides = array<i32>} : memref<512xi32, #tpu.memory_space<vmem>>, vector<16xi32>,
        %dma_start3A_2026 = arith.constant 0 : i32
        %dma_start3A_2027 = arith.constant 0 : i32
        %dma_start3A_2028 = arith.constant 0 : i32
        %dma_start3A_2029 = tpu.memref_slice %arg17[%dma_start3A_2026, %dma_start3A_2027, %dma_start3A_2028] : memref<2x16x32xf32, #tpu.memory_space<vmem>> -> memref<1x16x32xf32, #tpu.memory_space<vmem>>
        %dma_start3A_2030 = tpu.memref_squeeze %dma_start3A_2029 : memref<1x16x32xf32, #tpu.memory_space<vmem>> -> memref<16x32xf32, #tpu.memory_space<vmem>>
        %dma_start3A_2031 = arith.constant 0 : i32
        %dma_start3A_2032 = arith.constant 0 : i32
        %dma_start3A_2033 = tpu.memref_slice %arg8[%dma_start3A_2031, %dma_start3A_2032] : memref<1000000x32xf32, #tpu.memory_space<hbm>> -> memref<1000000x32xf32, #tpu.memory_space<hbm>>
        tpu.enqueue_indirect_dma source(%dma_start3A_2033 : memref<1000000x32xf32, #tpu.memory_space<hbm>>) target(%dma_start3A_2030 : memref<16x32xf32, #tpu.memory_space<vmem>>) offsets(%get3A_2023 : vector<16xi32>) semaphore(%arg23 : memref<!tpu.dma_semaphore, #tpu.memory_space<semaphore_mem>>)
        %dma_start3A_2034 = arith.constant 0 : i32
        %dma_start3A_2035 = arith.constant 0 : i32
        %dma_start3A_2036 = arith.constant 0 : i32
        %dma_start3A_2037 = tpu.memref_slice %arg18[%dma_start3A_2034, %dma_start3A_2035, %dma_start3A_2036] : memref<2x16x32xf32, #tpu.memory_space<vmem>> -> memref<1x16x32xf32, #tpu.memory_space<vmem>>
        %dma_start3A_2038 = tpu.memref_squeeze %dma_start3A_2037 : memref<1x16x32xf32, #tpu.memory_space<vmem>> -> memref<16x32xf32, #tpu.memory_space<vmem>>
        %dma_start3A_2039 = arith.constant 0 : i32
        %dma_start3A_2040 = arith.constant 0 : i32
        %dma_start3A_2041 = tpu.memref_slice %arg9[%dma_start3A_2039, %dma_start3A_2040] : memref<1000000x32xf32, #tpu.memory_space<hbm>> -> memref<1000000x32xf32, #tpu.memory_space<hbm>>
        tpu.enqueue_indirect_dma source(%dma_start3A_2041 : memref<1000000x32xf32, #tpu.memory_space<hbm>>) target(%dma_start3A_2038 : memref<16x32xf32, #tpu.memory_space<vmem>>) offsets(%get3A_2025 : vector<16xi32>) semaphore(%arg23 : memref<!tpu.dma_semaphore, #tpu.memory_space<semaphore_mem>>)
      } else {
      }
      %dma_wait3A_1281 = arith.constant 1 : i32
      %dma_wait3A_1282 = arith.constant 0 : i32
      %dma_wait3A_1283 = arith.constant 0 : i32
      %dma_wait3A_1284 = tpu.memref_slice %arg17[%dma_wait3A_1281, %dma_wait3A_1282, %dma_wait3A_1283] : memref<2x16x32xf32, #tpu.memory_space<vmem>> -> memref<1x16x32xf32, #tpu.memory_space<vmem>>
      %dma_wait3A_1285 = tpu.memref_squeeze %dma_wait3A_1284 : memref<1x16x32xf32, #tpu.memory_space<vmem>> -> memref<16x32xf32, #tpu.memory_space<vmem>>
      %dma_wait3A_1286 = arith.constant 0 : i32
      %dma_wait3A_1287 = arith.constant 0 : i32
      %dma_wait3A_1288 = tpu.memref_slice %arg8[%dma_wait3A_1286, %dma_wait3A_1287] : memref<1000000x32xf32, #tpu.memory_space<hbm>> -> memref<16x32xf32, #tpu.memory_space<hbm>>
      %dma_wait3A_1289 = arith.constant 0 : i32
      %dma_wait3A_1290 = arith.constant 0 : i32
      %dma_wait3A_1291 = tpu.memref_slice %arg17[%dma_wait3A_1281, %dma_wait3A_1289, %dma_wait3A_1290] : memref<2x16x32xf32, #tpu.memory_space<vmem>> -> memref<1x16x32xf32, #tpu.memory_space<vmem>>
      %dma_wait3A_1292 = tpu.memref_squeeze %dma_wait3A_1291 : memref<1x16x32xf32, #tpu.memory_space<vmem>> -> memref<16x32xf32, #tpu.memory_space<vmem>>
      %dma_wait3A_1293 = arith.constant 0 : i32
      %dma_wait3A_1294 = arith.constant 0 : i32
      %dma_wait3A_1295 = tpu.memref_slice %arg8[%dma_wait3A_1293, %dma_wait3A_1294] : memref<1000000x32xf32, #tpu.memory_space<hbm>> -> memref<16x32xf32, #tpu.memory_space<hbm>>
      tpu.wait_dma2 semaphore(%arg24 : memref<!tpu.dma_semaphore, #tpu.memory_space<semaphore_mem>>) src(%dma_wait3A_1295 : memref<16x32xf32, #tpu.memory_space<hbm>>) dst(%dma_wait3A_1292 : memref<16x32xf32, #tpu.memory_space<vmem>>)
      %dma_wait3A_1296 = arith.constant 1 : i32
      %dma_wait3A_1297 = arith.constant 0 : i32
      %dma_wait3A_1298 = arith.constant 0 : i32
      %dma_wait3A_1299 = tpu.memref_slice %arg18[%dma_wait3A_1296, %dma_wait3A_1297, %dma_wait3A_1298] : memref<2x16x32xf32, #tpu.memory_space<vmem>> -> memref<1x16x32xf32, #tpu.memory_space<vmem>>
      %dma_wait3A_1300 = tpu.memref_squeeze %dma_wait3A_1299 : memref<1x16x32xf32, #tpu.memory_space<vmem>> -> memref<16x32xf32, #tpu.memory_space<vmem>>
      %dma_wait3A_1301 = arith.constant 0 : i32
      %dma_wait3A_1302 = arith.constant 0 : i32
      %dma_wait3A_1303 = tpu.memref_slice %arg9[%dma_wait3A_1301, %dma_wait3A_1302] : memref<1000000x32xf32, #tpu.memory_space<hbm>> -> memref<16x32xf32, #tpu.memory_space<hbm>>
      %dma_wait3A_1304 = arith.constant 0 : i32
      %dma_wait3A_1305 = arith.constant 0 : i32
      %dma_wait3A_1306 = tpu.memref_slice %arg18[%dma_wait3A_1296, %dma_wait3A_1304, %dma_wait3A_1305] : memref<2x16x32xf32, #tpu.memory_space<vmem>> -> memref<1x16x32xf32, #tpu.memory_space<vmem>>
      %dma_wait3A_1307 = tpu.memref_squeeze %dma_wait3A_1306 : memref<1x16x32xf32, #tpu.memory_space<vmem>> -> memref<16x32xf32, #tpu.memory_space<vmem>>
      %dma_wait3A_1308 = arith.constant 0 : i32
      %dma_wait3A_1309 = arith.constant 0 : i32
      %dma_wait3A_1310 = tpu.memref_slice %arg9[%dma_wait3A_1308, %dma_wait3A_1309] : memref<1000000x32xf32, #tpu.memory_space<hbm>> -> memref<16x32xf32, #tpu.memory_space<hbm>>
      tpu.wait_dma2 semaphore(%arg24 : memref<!tpu.dma_semaphore, #tpu.memory_space<semaphore_mem>>) src(%dma_wait3A_1310 : memref<16x32xf32, #tpu.memory_space<hbm>>) dst(%dma_wait3A_1307 : memref<16x32xf32, #tpu.memory_space<vmem>>)
      %add3A_1311 = arith.constant 1 : i32
      %add3A_1312 = arith.addi %mul3A_516, %add3A_1311 : i32
      %mul3A_1313 = arith.constant 16 : i32
      %mul3A_1314 = arith.muli %add3A_1312, %mul3A_1313 : i32
      %get3A_1315 = arith.index_cast %mul3A_1314 : i32 to index
      %get3A_1316 = tpu.vector_load %arg11[%get3A_1315] {strides = array<i32>} : memref<512xi32, #tpu.memory_space<vmem>>, vector<16xi32>,
      %get3A_1317 = arith.index_cast %mul3A_1314 : i32 to index
      %get3A_1318 = tpu.vector_load %arg12[%get3A_1317] {strides = array<i32>} : memref<512xi32, #tpu.memory_space<vmem>>, vector<16xi32>,
      %get3A_1319 = arith.constant 1 : i32
      %get3A_1320 = arith.constant 0 : i32
      %get3A_1321 = arith.index_cast %get3A_1319 : i32 to index
      %get3A_1322 = arith.index_cast %get3A_1320 : i32 to index
      %get3A_1323 = arith.constant 0 : index
      %get3A_1324 = tpu.vector_load %arg17[%get3A_1321, %get3A_1322, %get3A_1323] {strides = array<i32>} : memref<2x16x32xf32, #tpu.memory_space<vmem>>, vector<16xf32>,
      %get3A_1325 = arith.constant 1 : i32
      %get3A_1326 = arith.constant 0 : i32
      %get3A_1327 = arith.index_cast %get3A_1325 : i32 to index
      %get3A_1328 = arith.index_cast %get3A_1326 : i32 to index
      %get3A_1329 = arith.constant 0 : index
      %get3A_1330 = tpu.vector_load %arg18[%get3A_1327, %get3A_1328, %get3A_1329] {strides = array<i32>} : memref<2x16x32xf32, #tpu.memory_space<vmem>>, vector<16xf32>,
      %mul3A_1331 = arith.mulf %get3A_1324, %get3A_1330 : vector<16xf32>
      %get3A_1332 = arith.constant 1 : i32
      %get3A_1333 = arith.constant 0 : i32
      %get3A_1334 = arith.index_cast %get3A_1332 : i32 to index
      %get3A_1335 = arith.index_cast %get3A_1333 : i32 to index
      %get3A_1336 = arith.constant 16 : index
      %get3A_1337 = tpu.vector_load %arg17[%get3A_1334, %get3A_1335, %get3A_1336] {strides = array<i32>} : memref<2x16x32xf32, #tpu.memory_space<vmem>>, vector<16xf32>,
      %get3A_1338 = arith.constant 1 : i32
      %get3A_1339 = arith.constant 0 : i32
      %get3A_1340 = arith.index_cast %get3A_1338 : i32 to index
      %get3A_1341 = arith.index_cast %get3A_1339 : i32 to index
      %get3A_1342 = arith.constant 16 : index
      %get3A_1343 = tpu.vector_load %arg18[%get3A_1340, %get3A_1341, %get3A_1342] {strides = array<i32>} : memref<2x16x32xf32, #tpu.memory_space<vmem>>, vector<16xf32>,
      %mul3A_1344 = arith.mulf %get3A_1337, %get3A_1343 : vector<16xf32>
      %add3A_1345 = arith.addf %mul3A_1331, %mul3A_1344 : vector<16xf32>
      %get3A_1346 = arith.constant 1 : i32
      %get3A_1347 = arith.constant 8 : i32
      %get3A_1348 = arith.index_cast %get3A_1346 : i32 to index
      %get3A_1349 = arith.index_cast %get3A_1347 : i32 to index
      %get3A_1350 = arith.constant 0 : index
      %get3A_1351 = tpu.vector_load %arg17[%get3A_1348, %get3A_1349, %get3A_1350] {strides = array<i32>} : memref<2x16x32xf32, #tpu.memory_space<vmem>>, vector<16xf32>,
      %get3A_1352 = arith.constant 1 : i32
      %get3A_1353 = arith.constant 8 : i32
      %get3A_1354 = arith.index_cast %get3A_1352 : i32 to index
      %get3A_1355 = arith.index_cast %get3A_1353 : i32 to index
      %get3A_1356 = arith.constant 0 : index
      %get3A_1357 = tpu.vector_load %arg18[%get3A_1354, %get3A_1355, %get3A_1356] {strides = array<i32>} : memref<2x16x32xf32, #tpu.memory_space<vmem>>, vector<16xf32>,
      %mul3A_1358 = arith.mulf %get3A_1351, %get3A_1357 : vector<16xf32>
      %get3A_1359 = arith.constant 1 : i32
      %get3A_1360 = arith.constant 8 : i32
      %get3A_1361 = arith.index_cast %get3A_1359 : i32 to index
      %get3A_1362 = arith.index_cast %get3A_1360 : i32 to index
      %get3A_1363 = arith.constant 16 : index
      %get3A_1364 = tpu.vector_load %arg17[%get3A_1361, %get3A_1362, %get3A_1363] {strides = array<i32>} : memref<2x16x32xf32, #tpu.memory_space<vmem>>, vector<16xf32>,
      %get3A_1365 = arith.constant 1 : i32
      %get3A_1366 = arith.constant 8 : i32
      %get3A_1367 = arith.index_cast %get3A_1365 : i32 to index
      %get3A_1368 = arith.index_cast %get3A_1366 : i32 to index
      %get3A_1369 = arith.constant 16 : index
      %get3A_1370 = tpu.vector_load %arg18[%get3A_1367, %get3A_1368, %get3A_1369] {strides = array<i32>} : memref<2x16x32xf32, #tpu.memory_space<vmem>>, vector<16xf32>,
      %mul3A_1371 = arith.mulf %get3A_1364, %get3A_1370 : vector<16xf32>
      %add3A_1372 = arith.addf %mul3A_1358, %mul3A_1371 : vector<16xf32>
      %get3A_1373 = arith.constant 1 : i32
      %get3A_1374 = arith.constant 4 : i32
      %get3A_1375 = arith.index_cast %get3A_1373 : i32 to index
      %get3A_1376 = arith.index_cast %get3A_1374 : i32 to index
      %get3A_1377 = arith.constant 0 : index
      %get3A_1378 = tpu.vector_load %arg17[%get3A_1375, %get3A_1376, %get3A_1377] {strides = array<i32>} : memref<2x16x32xf32, #tpu.memory_space<vmem>>, vector<16xf32>,
      %get3A_1379 = arith.constant 1 : i32
      %get3A_1380 = arith.constant 4 : i32
      %get3A_1381 = arith.index_cast %get3A_1379 : i32 to index
      %get3A_1382 = arith.index_cast %get3A_1380 : i32 to index
      %get3A_1383 = arith.constant 0 : index
      %get3A_1384 = tpu.vector_load %arg18[%get3A_1381, %get3A_1382, %get3A_1383] {strides = array<i32>} : memref<2x16x32xf32, #tpu.memory_space<vmem>>, vector<16xf32>,
      %mul3A_1385 = arith.mulf %get3A_1378, %get3A_1384 : vector<16xf32>
      %get3A_1386 = arith.constant 1 : i32
      %get3A_1387 = arith.constant 4 : i32
      %get3A_1388 = arith.index_cast %get3A_1386 : i32 to index
      %get3A_1389 = arith.index_cast %get3A_1387 : i32 to index
      %get3A_1390 = arith.constant 16 : index
      %get3A_1391 = tpu.vector_load %arg17[%get3A_1388, %get3A_1389, %get3A_1390] {strides = array<i32>} : memref<2x16x32xf32, #tpu.memory_space<vmem>>, vector<16xf32>,
      %get3A_1392 = arith.constant 1 : i32
      %get3A_1393 = arith.constant 4 : i32
      %get3A_1394 = arith.index_cast %get3A_1392 : i32 to index
      %get3A_1395 = arith.index_cast %get3A_1393 : i32 to index
      %get3A_1396 = arith.constant 16 : index
      %get3A_1397 = tpu.vector_load %arg18[%get3A_1394, %get3A_1395, %get3A_1396] {strides = array<i32>} : memref<2x16x32xf32, #tpu.memory_space<vmem>>, vector<16xf32>,
      %mul3A_1398 = arith.mulf %get3A_1391, %get3A_1397 : vector<16xf32>
      %add3A_1399 = arith.addf %mul3A_1385, %mul3A_1398 : vector<16xf32>
      %get3A_1400 = arith.constant 1 : i32
      %get3A_1401 = arith.constant 12 : i32
      %get3A_1402 = arith.index_cast %get3A_1400 : i32 to index
      %get3A_1403 = arith.index_cast %get3A_1401 : i32 to index
      %get3A_1404 = arith.constant 0 : index
      %get3A_1405 = tpu.vector_load %arg17[%get3A_1402, %get3A_1403, %get3A_1404] {strides = array<i32>} : memref<2x16x32xf32, #tpu.memory_space<vmem>>, vector<16xf32>,
      %get3A_1406 = arith.constant 1 : i32
      %get3A_1407 = arith.constant 12 : i32
      %get3A_1408 = arith.index_cast %get3A_1406 : i32 to index
      %get3A_1409 = arith.index_cast %get3A_1407 : i32 to index
      %get3A_1410 = arith.constant 0 : index
      %get3A_1411 = tpu.vector_load %arg18[%get3A_1408, %get3A_1409, %get3A_1410] {strides = array<i32>} : memref<2x16x32xf32, #tpu.memory_space<vmem>>, vector<16xf32>,
      %mul3A_1412 = arith.mulf %get3A_1405, %get3A_1411 : vector<16xf32>
      %get3A_1413 = arith.constant 1 : i32
      %get3A_1414 = arith.constant 12 : i32
      %get3A_1415 = arith.index_cast %get3A_1413 : i32 to index
      %get3A_1416 = arith.index_cast %get3A_1414 : i32 to index
      %get3A_1417 = arith.constant 16 : index
      %get3A_1418 = tpu.vector_load %arg17[%get3A_1415, %get3A_1416, %get3A_1417] {strides = array<i32>} : memref<2x16x32xf32, #tpu.memory_space<vmem>>, vector<16xf32>,
      %get3A_1419 = arith.constant 1 : i32
      %get3A_1420 = arith.constant 12 : i32
      %get3A_1421 = arith.index_cast %get3A_1419 : i32 to index
      %get3A_1422 = arith.index_cast %get3A_1420 : i32 to index
      %get3A_1423 = arith.constant 16 : index
      %get3A_1424 = tpu.vector_load %arg18[%get3A_1421, %get3A_1422, %get3A_1423] {strides = array<i32>} : memref<2x16x32xf32, #tpu.memory_space<vmem>>, vector<16xf32>,
      %mul3A_1425 = arith.mulf %get3A_1418, %get3A_1424 : vector<16xf32>
      %add3A_1426 = arith.addf %mul3A_1412, %mul3A_1425 : vector<16xf32>
      %get3A_1427 = arith.constant 1 : i32
      %get3A_1428 = arith.constant 2 : i32
      %get3A_1429 = arith.index_cast %get3A_1427 : i32 to index
      %get3A_1430 = arith.index_cast %get3A_1428 : i32 to index
      %get3A_1431 = arith.constant 0 : index
      %get3A_1432 = tpu.vector_load %arg17[%get3A_1429, %get3A_1430, %get3A_1431] {strides = array<i32>} : memref<2x16x32xf32, #tpu.memory_space<vmem>>, vector<16xf32>,
      %get3A_1433 = arith.constant 1 : i32
      %get3A_1434 = arith.constant 2 : i32
      %get3A_1435 = arith.index_cast %get3A_1433 : i32 to index
      %get3A_1436 = arith.index_cast %get3A_1434 : i32 to index
      %get3A_1437 = arith.constant 0 : index
      %get3A_1438 = tpu.vector_load %arg18[%get3A_1435, %get3A_1436, %get3A_1437] {strides = array<i32>} : memref<2x16x32xf32, #tpu.memory_space<vmem>>, vector<16xf32>,
      %mul3A_1439 = arith.mulf %get3A_1432, %get3A_1438 : vector<16xf32>
      %get3A_1440 = arith.constant 1 : i32
      %get3A_1441 = arith.constant 2 : i32
      %get3A_1442 = arith.index_cast %get3A_1440 : i32 to index
      %get3A_1443 = arith.index_cast %get3A_1441 : i32 to index
      %get3A_1444 = arith.constant 16 : index
      %get3A_1445 = tpu.vector_load %arg17[%get3A_1442, %get3A_1443, %get3A_1444] {strides = array<i32>} : memref<2x16x32xf32, #tpu.memory_space<vmem>>, vector<16xf32>,
      %get3A_1446 = arith.constant 1 : i32
      %get3A_1447 = arith.constant 2 : i32
      %get3A_1448 = arith.index_cast %get3A_1446 : i32 to index
      %get3A_1449 = arith.index_cast %get3A_1447 : i32 to index
      %get3A_1450 = arith.constant 16 : index
      %get3A_1451 = tpu.vector_load %arg18[%get3A_1448, %get3A_1449, %get3A_1450] {strides = array<i32>} : memref<2x16x32xf32, #tpu.memory_space<vmem>>, vector<16xf32>,
      %mul3A_1452 = arith.mulf %get3A_1445, %get3A_1451 : vector<16xf32>
      %add3A_1453 = arith.addf %mul3A_1439, %mul3A_1452 : vector<16xf32>
      %get3A_1454 = arith.constant 1 : i32
      %get3A_1455 = arith.constant 10 : i32
      %get3A_1456 = arith.index_cast %get3A_1454 : i32 to index
      %get3A_1457 = arith.index_cast %get3A_1455 : i32 to index
      %get3A_1458 = arith.constant 0 : index
      %get3A_1459 = tpu.vector_load %arg17[%get3A_1456, %get3A_1457, %get3A_1458] {strides = array<i32>} : memref<2x16x32xf32, #tpu.memory_space<vmem>>, vector<16xf32>,
      %get3A_1460 = arith.constant 1 : i32
      %get3A_1461 = arith.constant 10 : i32
      %get3A_1462 = arith.index_cast %get3A_1460 : i32 to index
      %get3A_1463 = arith.index_cast %get3A_1461 : i32 to index
      %get3A_1464 = arith.constant 0 : index
      %get3A_1465 = tpu.vector_load %arg18[%get3A_1462, %get3A_1463, %get3A_1464] {strides = array<i32>} : memref<2x16x32xf32, #tpu.memory_space<vmem>>, vector<16xf32>,
      %mul3A_1466 = arith.mulf %get3A_1459, %get3A_1465 : vector<16xf32>
      %get3A_1467 = arith.constant 1 : i32
      %get3A_1468 = arith.constant 10 : i32
      %get3A_1469 = arith.index_cast %get3A_1467 : i32 to index
      %get3A_1470 = arith.index_cast %get3A_1468 : i32 to index
      %get3A_1471 = arith.constant 16 : index
      %get3A_1472 = tpu.vector_load %arg17[%get3A_1469, %get3A_1470, %get3A_1471] {strides = array<i32>} : memref<2x16x32xf32, #tpu.memory_space<vmem>>, vector<16xf32>,
      %get3A_1473 = arith.constant 1 : i32
      %get3A_1474 = arith.constant 10 : i32
      %get3A_1475 = arith.index_cast %get3A_1473 : i32 to index
      %get3A_1476 = arith.index_cast %get3A_1474 : i32 to index
      %get3A_1477 = arith.constant 16 : index
      %get3A_1478 = tpu.vector_load %arg18[%get3A_1475, %get3A_1476, %get3A_1477] {strides = array<i32>} : memref<2x16x32xf32, #tpu.memory_space<vmem>>, vector<16xf32>,
      %mul3A_1479 = arith.mulf %get3A_1472, %get3A_1478 : vector<16xf32>
      %add3A_1480 = arith.addf %mul3A_1466, %mul3A_1479 : vector<16xf32>
      %get3A_1481 = arith.constant 1 : i32
      %get3A_1482 = arith.constant 6 : i32
      %get3A_1483 = arith.index_cast %get3A_1481 : i32 to index
      %get3A_1484 = arith.index_cast %get3A_1482 : i32 to index
      %get3A_1485 = arith.constant 0 : index
      %get3A_1486 = tpu.vector_load %arg17[%get3A_1483, %get3A_1484, %get3A_1485] {strides = array<i32>} : memref<2x16x32xf32, #tpu.memory_space<vmem>>, vector<16xf32>,
      %get3A_1487 = arith.constant 1 : i32
      %get3A_1488 = arith.constant 6 : i32
      %get3A_1489 = arith.index_cast %get3A_1487 : i32 to index
      %get3A_1490 = arith.index_cast %get3A_1488 : i32 to index
      %get3A_1491 = arith.constant 0 : index
      %get3A_1492 = tpu.vector_load %arg18[%get3A_1489, %get3A_1490, %get3A_1491] {strides = array<i32>} : memref<2x16x32xf32, #tpu.memory_space<vmem>>, vector<16xf32>,
      %mul3A_1493 = arith.mulf %get3A_1486, %get3A_1492 : vector<16xf32>
      %get3A_1494 = arith.constant 1 : i32
      %get3A_1495 = arith.constant 6 : i32
      %get3A_1496 = arith.index_cast %get3A_1494 : i32 to index
      %get3A_1497 = arith.index_cast %get3A_1495 : i32 to index
      %get3A_1498 = arith.constant 16 : index
      %get3A_1499 = tpu.vector_load %arg17[%get3A_1496, %get3A_1497, %get3A_1498] {strides = array<i32>} : memref<2x16x32xf32, #tpu.memory_space<vmem>>, vector<16xf32>,
      %get3A_1500 = arith.constant 1 : i32
      %get3A_1501 = arith.constant 6 : i32
      %get3A_1502 = arith.index_cast %get3A_1500 : i32 to index
      %get3A_1503 = arith.index_cast %get3A_1501 : i32 to index
      %get3A_1504 = arith.constant 16 : index
      %get3A_1505 = tpu.vector_load %arg18[%get3A_1502, %get3A_1503, %get3A_1504] {strides = array<i32>} : memref<2x16x32xf32, #tpu.memory_space<vmem>>, vector<16xf32>,
      %mul3A_1506 = arith.mulf %get3A_1499, %get3A_1505 : vector<16xf32>
      %add3A_1507 = arith.addf %mul3A_1493, %mul3A_1506 : vector<16xf32>
      %get3A_1508 = arith.constant 1 : i32
      %get3A_1509 = arith.constant 14 : i32
      %get3A_1510 = arith.index_cast %get3A_1508 : i32 to index
      %get3A_1511 = arith.index_cast %get3A_1509 : i32 to index
      %get3A_1512 = arith.constant 0 : index
      %get3A_1513 = tpu.vector_load %arg17[%get3A_1510, %get3A_1511, %get3A_1512] {strides = array<i32>} : memref<2x16x32xf32, #tpu.memory_space<vmem>>, vector<16xf32>,
      %get3A_1514 = arith.constant 1 : i32
      %get3A_1515 = arith.constant 14 : i32
      %get3A_1516 = arith.index_cast %get3A_1514 : i32 to index
      %get3A_1517 = arith.index_cast %get3A_1515 : i32 to index
      %get3A_1518 = arith.constant 0 : index
      %get3A_1519 = tpu.vector_load %arg18[%get3A_1516, %get3A_1517, %get3A_1518] {strides = array<i32>} : memref<2x16x32xf32, #tpu.memory_space<vmem>>, vector<16xf32>,
      %mul3A_1520 = arith.mulf %get3A_1513, %get3A_1519 : vector<16xf32>
      %get3A_1521 = arith.constant 1 : i32
      %get3A_1522 = arith.constant 14 : i32
      %get3A_1523 = arith.index_cast %get3A_1521 : i32 to index
      %get3A_1524 = arith.index_cast %get3A_1522 : i32 to index
      %get3A_1525 = arith.constant 16 : index
      %get3A_1526 = tpu.vector_load %arg17[%get3A_1523, %get3A_1524, %get3A_1525] {strides = array<i32>} : memref<2x16x32xf32, #tpu.memory_space<vmem>>, vector<16xf32>,
      %get3A_1527 = arith.constant 1 : i32
      %get3A_1528 = arith.constant 14 : i32
      %get3A_1529 = arith.index_cast %get3A_1527 : i32 to index
      %get3A_1530 = arith.index_cast %get3A_1528 : i32 to index
      %get3A_1531 = arith.constant 16 : index
      %get3A_1532 = tpu.vector_load %arg18[%get3A_1529, %get3A_1530, %get3A_1531] {strides = array<i32>} : memref<2x16x32xf32, #tpu.memory_space<vmem>>, vector<16xf32>,
      %mul3A_1533 = arith.mulf %get3A_1526, %get3A_1532 : vector<16xf32>
      %add3A_1534 = arith.addf %mul3A_1520, %mul3A_1533 : vector<16xf32>
      %get3A_1535 = arith.constant 1 : i32
      %get3A_1536 = arith.constant 1 : i32
      %get3A_1537 = arith.index_cast %get3A_1535 : i32 to index
      %get3A_1538 = arith.index_cast %get3A_1536 : i32 to index
      %get3A_1539 = arith.constant 0 : index
      %get3A_1540 = tpu.vector_load %arg17[%get3A_1537, %get3A_1538, %get3A_1539] {strides = array<i32>} : memref<2x16x32xf32, #tpu.memory_space<vmem>>, vector<16xf32>,
      %get3A_1541 = arith.constant 1 : i32
      %get3A_1542 = arith.constant 1 : i32
      %get3A_1543 = arith.index_cast %get3A_1541 : i32 to index
      %get3A_1544 = arith.index_cast %get3A_1542 : i32 to index
      %get3A_1545 = arith.constant 0 : index
      %get3A_1546 = tpu.vector_load %arg18[%get3A_1543, %get3A_1544, %get3A_1545] {strides = array<i32>} : memref<2x16x32xf32, #tpu.memory_space<vmem>>, vector<16xf32>,
      %mul3A_1547 = arith.mulf %get3A_1540, %get3A_1546 : vector<16xf32>
      %get3A_1548 = arith.constant 1 : i32
      %get3A_1549 = arith.constant 1 : i32
      %get3A_1550 = arith.index_cast %get3A_1548 : i32 to index
      %get3A_1551 = arith.index_cast %get3A_1549 : i32 to index
      %get3A_1552 = arith.constant 16 : index
      %get3A_1553 = tpu.vector_load %arg17[%get3A_1550, %get3A_1551, %get3A_1552] {strides = array<i32>} : memref<2x16x32xf32, #tpu.memory_space<vmem>>, vector<16xf32>,
      %get3A_1554 = arith.constant 1 : i32
      %get3A_1555 = arith.constant 1 : i32
      %get3A_1556 = arith.index_cast %get3A_1554 : i32 to index
      %get3A_1557 = arith.index_cast %get3A_1555 : i32 to index
      %get3A_1558 = arith.constant 16 : index
      %get3A_1559 = tpu.vector_load %arg18[%get3A_1556, %get3A_1557, %get3A_1558] {strides = array<i32>} : memref<2x16x32xf32, #tpu.memory_space<vmem>>, vector<16xf32>,
      %mul3A_1560 = arith.mulf %get3A_1553, %get3A_1559 : vector<16xf32>
      %add3A_1561 = arith.addf %mul3A_1547, %mul3A_1560 : vector<16xf32>
      %get3A_1562 = arith.constant 1 : i32
      %get3A_1563 = arith.constant 9 : i32
      %get3A_1564 = arith.index_cast %get3A_1562 : i32 to index
      %get3A_1565 = arith.index_cast %get3A_1563 : i32 to index
      %get3A_1566 = arith.constant 0 : index
      %get3A_1567 = tpu.vector_load %arg17[%get3A_1564, %get3A_1565, %get3A_1566] {strides = array<i32>} : memref<2x16x32xf32, #tpu.memory_space<vmem>>, vector<16xf32>,
      %get3A_1568 = arith.constant 1 : i32
      %get3A_1569 = arith.constant 9 : i32
      %get3A_1570 = arith.index_cast %get3A_1568 : i32 to index
      %get3A_1571 = arith.index_cast %get3A_1569 : i32 to index
      %get3A_1572 = arith.constant 0 : index
      %get3A_1573 = tpu.vector_load %arg18[%get3A_1570, %get3A_1571, %get3A_1572] {strides = array<i32>} : memref<2x16x32xf32, #tpu.memory_space<vmem>>, vector<16xf32>,
      %mul3A_1574 = arith.mulf %get3A_1567, %get3A_1573 : vector<16xf32>
      %get3A_1575 = arith.constant 1 : i32
      %get3A_1576 = arith.constant 9 : i32
      %get3A_1577 = arith.index_cast %get3A_1575 : i32 to index
      %get3A_1578 = arith.index_cast %get3A_1576 : i32 to index
      %get3A_1579 = arith.constant 16 : index
      %get3A_1580 = tpu.vector_load %arg17[%get3A_1577, %get3A_1578, %get3A_1579] {strides = array<i32>} : memref<2x16x32xf32, #tpu.memory_space<vmem>>, vector<16xf32>,
      %get3A_1581 = arith.constant 1 : i32
      %get3A_1582 = arith.constant 9 : i32
      %get3A_1583 = arith.index_cast %get3A_1581 : i32 to index
      %get3A_1584 = arith.index_cast %get3A_1582 : i32 to index
      %get3A_1585 = arith.constant 16 : index
      %get3A_1586 = tpu.vector_load %arg18[%get3A_1583, %get3A_1584, %get3A_1585] {strides = array<i32>} : memref<2x16x32xf32, #tpu.memory_space<vmem>>, vector<16xf32>,
      %mul3A_1587 = arith.mulf %get3A_1580, %get3A_1586 : vector<16xf32>
      %add3A_1588 = arith.addf %mul3A_1574, %mul3A_1587 : vector<16xf32>
      %get3A_1589 = arith.constant 1 : i32
      %get3A_1590 = arith.constant 5 : i32
      %get3A_1591 = arith.index_cast %get3A_1589 : i32 to index
      %get3A_1592 = arith.index_cast %get3A_1590 : i32 to index
      %get3A_1593 = arith.constant 0 : index
      %get3A_1594 = tpu.vector_load %arg17[%get3A_1591, %get3A_1592, %get3A_1593] {strides = array<i32>} : memref<2x16x32xf32, #tpu.memory_space<vmem>>, vector<16xf32>,
      %get3A_1595 = arith.constant 1 : i32
      %get3A_1596 = arith.constant 5 : i32
      %get3A_1597 = arith.index_cast %get3A_1595 : i32 to index
      %get3A_1598 = arith.index_cast %get3A_1596 : i32 to index
      %get3A_1599 = arith.constant 0 : index
      %get3A_1600 = tpu.vector_load %arg18[%get3A_1597, %get3A_1598, %get3A_1599] {strides = array<i32>} : memref<2x16x32xf32, #tpu.memory_space<vmem>>, vector<16xf32>,
      %mul3A_1601 = arith.mulf %get3A_1594, %get3A_1600 : vector<16xf32>
      %get3A_1602 = arith.constant 1 : i32
      %get3A_1603 = arith.constant 5 : i32
      %get3A_1604 = arith.index_cast %get3A_1602 : i32 to index
      %get3A_1605 = arith.index_cast %get3A_1603 : i32 to index
      %get3A_1606 = arith.constant 16 : index
      %get3A_1607 = tpu.vector_load %arg17[%get3A_1604, %get3A_1605, %get3A_1606] {strides = array<i32>} : memref<2x16x32xf32, #tpu.memory_space<vmem>>, vector<16xf32>,
      %get3A_1608 = arith.constant 1 : i32
      %get3A_1609 = arith.constant 5 : i32
      %get3A_1610 = arith.index_cast %get3A_1608 : i32 to index
      %get3A_1611 = arith.index_cast %get3A_1609 : i32 to index
      %get3A_1612 = arith.constant 16 : index
      %get3A_1613 = tpu.vector_load %arg18[%get3A_1610, %get3A_1611, %get3A_1612] {strides = array<i32>} : memref<2x16x32xf32, #tpu.memory_space<vmem>>, vector<16xf32>,
      %mul3A_1614 = arith.mulf %get3A_1607, %get3A_1613 : vector<16xf32>
      %add3A_1615 = arith.addf %mul3A_1601, %mul3A_1614 : vector<16xf32>
      %get3A_1616 = arith.constant 1 : i32
      %get3A_1617 = arith.constant 13 : i32
      %get3A_1618 = arith.index_cast %get3A_1616 : i32 to index
      %get3A_1619 = arith.index_cast %get3A_1617 : i32 to index
      %get3A_1620 = arith.constant 0 : index
      %get3A_1621 = tpu.vector_load %arg17[%get3A_1618, %get3A_1619, %get3A_1620] {strides = array<i32>} : memref<2x16x32xf32, #tpu.memory_space<vmem>>, vector<16xf32>,
      %get3A_1622 = arith.constant 1 : i32
      %get3A_1623 = arith.constant 13 : i32
      %get3A_1624 = arith.index_cast %get3A_1622 : i32 to index
      %get3A_1625 = arith.index_cast %get3A_1623 : i32 to index
      %get3A_1626 = arith.constant 0 : index
      %get3A_1627 = tpu.vector_load %arg18[%get3A_1624, %get3A_1625, %get3A_1626] {strides = array<i32>} : memref<2x16x32xf32, #tpu.memory_space<vmem>>, vector<16xf32>,
      %mul3A_1628 = arith.mulf %get3A_1621, %get3A_1627 : vector<16xf32>
      %get3A_1629 = arith.constant 1 : i32
      %get3A_1630 = arith.constant 13 : i32
      %get3A_1631 = arith.index_cast %get3A_1629 : i32 to index
      %get3A_1632 = arith.index_cast %get3A_1630 : i32 to index
      %get3A_1633 = arith.constant 16 : index
      %get3A_1634 = tpu.vector_load %arg17[%get3A_1631, %get3A_1632, %get3A_1633] {strides = array<i32>} : memref<2x16x32xf32, #tpu.memory_space<vmem>>, vector<16xf32>,
      %get3A_1635 = arith.constant 1 : i32
      %get3A_1636 = arith.constant 13 : i32
      %get3A_1637 = arith.index_cast %get3A_1635 : i32 to index
      %get3A_1638 = arith.index_cast %get3A_1636 : i32 to index
      %get3A_1639 = arith.constant 16 : index
      %get3A_1640 = tpu.vector_load %arg18[%get3A_1637, %get3A_1638, %get3A_1639] {strides = array<i32>} : memref<2x16x32xf32, #tpu.memory_space<vmem>>, vector<16xf32>,
      %mul3A_1641 = arith.mulf %get3A_1634, %get3A_1640 : vector<16xf32>
      %add3A_1642 = arith.addf %mul3A_1628, %mul3A_1641 : vector<16xf32>
      %get3A_1643 = arith.constant 1 : i32
      %get3A_1644 = arith.constant 3 : i32
      %get3A_1645 = arith.index_cast %get3A_1643 : i32 to index
      %get3A_1646 = arith.index_cast %get3A_1644 : i32 to index
      %get3A_1647 = arith.constant 0 : index
      %get3A_1648 = tpu.vector_load %arg17[%get3A_1645, %get3A_1646, %get3A_1647] {strides = array<i32>} : memref<2x16x32xf32, #tpu.memory_space<vmem>>, vector<16xf32>,
      %get3A_1649 = arith.constant 1 : i32
      %get3A_1650 = arith.constant 3 : i32
      %get3A_1651 = arith.index_cast %get3A_1649 : i32 to index
      %get3A_1652 = arith.index_cast %get3A_1650 : i32 to index
      %get3A_1653 = arith.constant 0 : index
      %get3A_1654 = tpu.vector_load %arg18[%get3A_1651, %get3A_1652, %get3A_1653] {strides = array<i32>} : memref<2x16x32xf32, #tpu.memory_space<vmem>>, vector<16xf32>,
      %mul3A_1655 = arith.mulf %get3A_1648, %get3A_1654 : vector<16xf32>
      %get3A_1656 = arith.constant 1 : i32
      %get3A_1657 = arith.constant 3 : i32
      %get3A_1658 = arith.index_cast %get3A_1656 : i32 to index
      %get3A_1659 = arith.index_cast %get3A_1657 : i32 to index
      %get3A_1660 = arith.constant 16 : index
      %get3A_1661 = tpu.vector_load %arg17[%get3A_1658, %get3A_1659, %get3A_1660] {strides = array<i32>} : memref<2x16x32xf32, #tpu.memory_space<vmem>>, vector<16xf32>,
      %get3A_1662 = arith.constant 1 : i32
      %get3A_1663 = arith.constant 3 : i32
      %get3A_1664 = arith.index_cast %get3A_1662 : i32 to index
      %get3A_1665 = arith.index_cast %get3A_1663 : i32 to index
      %get3A_1666 = arith.constant 16 : index
      %get3A_1667 = tpu.vector_load %arg18[%get3A_1664, %get3A_1665, %get3A_1666] {strides = array<i32>} : memref<2x16x32xf32, #tpu.memory_space<vmem>>, vector<16xf32>,
      %mul3A_1668 = arith.mulf %get3A_1661, %get3A_1667 : vector<16xf32>
      %add3A_1669 = arith.addf %mul3A_1655, %mul3A_1668 : vector<16xf32>
      %get3A_1670 = arith.constant 1 : i32
      %get3A_1671 = arith.constant 11 : i32
      %get3A_1672 = arith.index_cast %get3A_1670 : i32 to index
      %get3A_1673 = arith.index_cast %get3A_1671 : i32 to index
      %get3A_1674 = arith.constant 0 : index
      %get3A_1675 = tpu.vector_load %arg17[%get3A_1672, %get3A_1673, %get3A_1674] {strides = array<i32>} : memref<2x16x32xf32, #tpu.memory_space<vmem>>, vector<16xf32>,
      %get3A_1676 = arith.constant 1 : i32
      %get3A_1677 = arith.constant 11 : i32
      %get3A_1678 = arith.index_cast %get3A_1676 : i32 to index
      %get3A_1679 = arith.index_cast %get3A_1677 : i32 to index
      %get3A_1680 = arith.constant 0 : index
      %get3A_1681 = tpu.vector_load %arg18[%get3A_1678, %get3A_1679, %get3A_1680] {strides = array<i32>} : memref<2x16x32xf32, #tpu.memory_space<vmem>>, vector<16xf32>,
      %mul3A_1682 = arith.mulf %get3A_1675, %get3A_1681 : vector<16xf32>
      %get3A_1683 = arith.constant 1 : i32
      %get3A_1684 = arith.constant 11 : i32
      %get3A_1685 = arith.index_cast %get3A_1683 : i32 to index
      %get3A_1686 = arith.index_cast %get3A_1684 : i32 to index
      %get3A_1687 = arith.constant 16 : index
      %get3A_1688 = tpu.vector_load %arg17[%get3A_1685, %get3A_1686, %get3A_1687] {strides = array<i32>} : memref<2x16x32xf32, #tpu.memory_space<vmem>>, vector<16xf32>,
      %get3A_1689 = arith.constant 1 : i32
      %get3A_1690 = arith.constant 11 : i32
      %get3A_1691 = arith.index_cast %get3A_1689 : i32 to index
      %get3A_1692 = arith.index_cast %get3A_1690 : i32 to index
      %get3A_1693 = arith.constant 16 : index
      %get3A_1694 = tpu.vector_load %arg18[%get3A_1691, %get3A_1692, %get3A_1693] {strides = array<i32>} : memref<2x16x32xf32, #tpu.memory_space<vmem>>, vector<16xf32>,
      %mul3A_1695 = arith.mulf %get3A_1688, %get3A_1694 : vector<16xf32>
      %add3A_1696 = arith.addf %mul3A_1682, %mul3A_1695 : vector<16xf32>
      %get3A_1697 = arith.constant 1 : i32
      %get3A_1698 = arith.constant 7 : i32
      %get3A_1699 = arith.index_cast %get3A_1697 : i32 to index
      %get3A_1700 = arith.index_cast %get3A_1698 : i32 to index
      %get3A_1701 = arith.constant 0 : index
      %get3A_1702 = tpu.vector_load %arg17[%get3A_1699, %get3A_1700, %get3A_1701] {strides = array<i32>} : memref<2x16x32xf32, #tpu.memory_space<vmem>>, vector<16xf32>,
      %get3A_1703 = arith.constant 1 : i32
      %get3A_1704 = arith.constant 7 : i32
      %get3A_1705 = arith.index_cast %get3A_1703 : i32 to index
      %get3A_1706 = arith.index_cast %get3A_1704 : i32 to index
      %get3A_1707 = arith.constant 0 : index
      %get3A_1708 = tpu.vector_load %arg18[%get3A_1705, %get3A_1706, %get3A_1707] {strides = array<i32>} : memref<2x16x32xf32, #tpu.memory_space<vmem>>, vector<16xf32>,
      %mul3A_1709 = arith.mulf %get3A_1702, %get3A_1708 : vector<16xf32>
      %get3A_1710 = arith.constant 1 : i32
      %get3A_1711 = arith.constant 7 : i32
      %get3A_1712 = arith.index_cast %get3A_1710 : i32 to index
      %get3A_1713 = arith.index_cast %get3A_1711 : i32 to index
      %get3A_1714 = arith.constant 16 : index
      %get3A_1715 = tpu.vector_load %arg17[%get3A_1712, %get3A_1713, %get3A_1714] {strides = array<i32>} : memref<2x16x32xf32, #tpu.memory_space<vmem>>, vector<16xf32>,
      %get3A_1716 = arith.constant 1 : i32
      %get3A_1717 = arith.constant 7 : i32
      %get3A_1718 = arith.index_cast %get3A_1716 : i32 to index
      %get3A_1719 = arith.index_cast %get3A_1717 : i32 to index
      %get3A_1720 = arith.constant 16 : index
      %get3A_1721 = tpu.vector_load %arg18[%get3A_1718, %get3A_1719, %get3A_1720] {strides = array<i32>} : memref<2x16x32xf32, #tpu.memory_space<vmem>>, vector<16xf32>,
      %mul3A_1722 = arith.mulf %get3A_1715, %get3A_1721 : vector<16xf32>
      %add3A_1723 = arith.addf %mul3A_1709, %mul3A_1722 : vector<16xf32>
      %get3A_1724 = arith.constant 1 : i32
      %get3A_1725 = arith.constant 15 : i32
      %get3A_1726 = arith.index_cast %get3A_1724 : i32 to index
      %get3A_1727 = arith.index_cast %get3A_1725 : i32 to index
      %get3A_1728 = arith.constant 0 : index
      %get3A_1729 = tpu.vector_load %arg17[%get3A_1726, %get3A_1727, %get3A_1728] {strides = array<i32>} : memref<2x16x32xf32, #tpu.memory_space<vmem>>, vector<16xf32>,
      %get3A_1730 = arith.constant 1 : i32
      %get3A_1731 = arith.constant 15 : i32
      %get3A_1732 = arith.index_cast %get3A_1730 : i32 to index
      %get3A_1733 = arith.index_cast %get3A_1731 : i32 to index
      %get3A_1734 = arith.constant 0 : index
      %get3A_1735 = tpu.vector_load %arg18[%get3A_1732, %get3A_1733, %get3A_1734] {strides = array<i32>} : memref<2x16x32xf32, #tpu.memory_space<vmem>>, vector<16xf32>,
      %mul3A_1736 = arith.mulf %get3A_1729, %get3A_1735 : vector<16xf32>
      %get3A_1737 = arith.constant 1 : i32
      %get3A_1738 = arith.constant 15 : i32
      %get3A_1739 = arith.index_cast %get3A_1737 : i32 to index
      %get3A_1740 = arith.index_cast %get3A_1738 : i32 to index
      %get3A_1741 = arith.constant 16 : index
      %get3A_1742 = tpu.vector_load %arg17[%get3A_1739, %get3A_1740, %get3A_1741] {strides = array<i32>} : memref<2x16x32xf32, #tpu.memory_space<vmem>>, vector<16xf32>,
      %get3A_1743 = arith.constant 1 : i32
      %get3A_1744 = arith.constant 15 : i32
      %get3A_1745 = arith.index_cast %get3A_1743 : i32 to index
      %get3A_1746 = arith.index_cast %get3A_1744 : i32 to index
      %get3A_1747 = arith.constant 16 : index
      %get3A_1748 = tpu.vector_load %arg18[%get3A_1745, %get3A_1746, %get3A_1747] {strides = array<i32>} : memref<2x16x32xf32, #tpu.memory_space<vmem>>, vector<16xf32>,
      %mul3A_1749 = arith.mulf %get3A_1742, %get3A_1748 : vector<16xf32>
      %add3A_1750 = arith.addf %mul3A_1736, %mul3A_1749 : vector<16xf32>
      %reshape3A_1751 = vector.shape_cast %xor3A_43 : vector<16xi32> to vector<16x1xi32>
      %gather3A_1752 = vector.shape_cast %reshape3A_1751 : vector<16x1xi32> to vector<16xi32>
      %gather3A_1753 = tpu.dynamic_gather %add3A_1345[%gather3A_1752] in [0] : vector<16xf32>, vector<16xi32> -> vector<16xf32>
      %add3A_1754 = arith.addf %add3A_1345, %gather3A_1753 : vector<16xf32>
      %reshape3A_1755 = vector.shape_cast %xor3A_43 : vector<16xi32> to vector<16x1xi32>
      %gather3A_1756 = vector.shape_cast %reshape3A_1755 : vector<16x1xi32> to vector<16xi32>
      %gather3A_1757 = tpu.dynamic_gather %add3A_1372[%gather3A_1756] in [0] : vector<16xf32>, vector<16xi32> -> vector<16xf32>
      %add3A_1758 = arith.addf %add3A_1372, %gather3A_1757 : vector<16xf32>
      %reshape3A_1759 = vector.shape_cast %add3A_90 : vector<16xi32> to vector<16x1xi32>
      %gather3A_1760 = vector.shape_cast %reshape3A_1759 : vector<16x1xi32> to vector<16xi32>
      %gather3A_1761 = tpu.dynamic_gather %add3A_1754[%gather3A_1760] in [0] : vector<16xf32>, vector<16xi32> -> vector<16xf32>
      %reshape3A_1762 = vector.shape_cast %add3A_90 : vector<16xi32> to vector<16x1xi32>
      %gather3A_1763 = vector.shape_cast %reshape3A_1762 : vector<16x1xi32> to vector<16xi32>
      %gather3A_1764 = tpu.dynamic_gather %add3A_1758[%gather3A_1763] in [0] : vector<16xf32>, vector<16xi32> -> vector<16xf32>
      %sub3A_1765 = arith.subf %gather3A_1761, %gather3A_1764 : vector<16xf32>
      %mul3A_1766 = arith.mulf %sub3A_1765, %convert_element_type3A : vector<16xf32>
      %add3A_1767 = arith.addf %gather3A_1764, %mul3A_1766 : vector<16xf32>
      %reshape3A_1768 = vector.shape_cast %xor3A_43 : vector<16xi32> to vector<16x1xi32>
      %gather3A_1769 = vector.shape_cast %reshape3A_1768 : vector<16x1xi32> to vector<16xi32>
      %gather3A_1770 = tpu.dynamic_gather %add3A_1399[%gather3A_1769] in [0] : vector<16xf32>, vector<16xi32> -> vector<16xf32>
      %add3A_1771 = arith.addf %add3A_1399, %gather3A_1770 : vector<16xf32>
      %reshape3A_1772 = vector.shape_cast %xor3A_43 : vector<16xi32> to vector<16x1xi32>
      %gather3A_1773 = vector.shape_cast %reshape3A_1772 : vector<16x1xi32> to vector<16xi32>
      %gather3A_1774 = tpu.dynamic_gather %add3A_1426[%gather3A_1773] in [0] : vector<16xf32>, vector<16xi32> -> vector<16xf32>
      %add3A_1775 = arith.addf %add3A_1426, %gather3A_1774 : vector<16xf32>
      %reshape3A_1776 = vector.shape_cast %add3A_90 : vector<16xi32> to vector<16x1xi32>
      %gather3A_1777 = vector.shape_cast %reshape3A_1776 : vector<16x1xi32> to vector<16xi32>
      %gather3A_1778 = tpu.dynamic_gather %add3A_1771[%gather3A_1777] in [0] : vector<16xf32>, vector<16xi32> -> vector<16xf32>
      %reshape3A_1779 = vector.shape_cast %add3A_90 : vector<16xi32> to vector<16x1xi32>
      %gather3A_1780 = vector.shape_cast %reshape3A_1779 : vector<16x1xi32> to vector<16xi32>
      %gather3A_1781 = tpu.dynamic_gather %add3A_1775[%gather3A_1780] in [0] : vector<16xf32>, vector<16xi32> -> vector<16xf32>
      %sub3A_1782 = arith.subf %gather3A_1778, %gather3A_1781 : vector<16xf32>
      %mul3A_1783 = arith.mulf %sub3A_1782, %convert_element_type3A : vector<16xf32>
      %add3A_1784 = arith.addf %gather3A_1781, %mul3A_1783 : vector<16xf32>
      %reshape3A_1785 = vector.shape_cast %xor3A_43 : vector<16xi32> to vector<16x1xi32>
      %gather3A_1786 = vector.shape_cast %reshape3A_1785 : vector<16x1xi32> to vector<16xi32>
      %gather3A_1787 = tpu.dynamic_gather %add3A_1453[%gather3A_1786] in [0] : vector<16xf32>, vector<16xi32> -> vector<16xf32>
      %add3A_1788 = arith.addf %add3A_1453, %gather3A_1787 : vector<16xf32>
      %reshape3A_1789 = vector.shape_cast %xor3A_43 : vector<16xi32> to vector<16x1xi32>
      %gather3A_1790 = vector.shape_cast %reshape3A_1789 : vector<16x1xi32> to vector<16xi32>
      %gather3A_1791 = tpu.dynamic_gather %add3A_1480[%gather3A_1790] in [0] : vector<16xf32>, vector<16xi32> -> vector<16xf32>
      %add3A_1792 = arith.addf %add3A_1480, %gather3A_1791 : vector<16xf32>
      %reshape3A_1793 = vector.shape_cast %add3A_90 : vector<16xi32> to vector<16x1xi32>
      %gather3A_1794 = vector.shape_cast %reshape3A_1793 : vector<16x1xi32> to vector<16xi32>
      %gather3A_1795 = tpu.dynamic_gather %add3A_1788[%gather3A_1794] in [0] : vector<16xf32>, vector<16xi32> -> vector<16xf32>
      %reshape3A_1796 = vector.shape_cast %add3A_90 : vector<16xi32> to vector<16x1xi32>
      %gather3A_1797 = vector.shape_cast %reshape3A_1796 : vector<16x1xi32> to vector<16xi32>
      %gather3A_1798 = tpu.dynamic_gather %add3A_1792[%gather3A_1797] in [0] : vector<16xf32>, vector<16xi32> -> vector<16xf32>
      %sub3A_1799 = arith.subf %gather3A_1795, %gather3A_1798 : vector<16xf32>
      %mul3A_1800 = arith.mulf %sub3A_1799, %convert_element_type3A : vector<16xf32>
      %add3A_1801 = arith.addf %gather3A_1798, %mul3A_1800 : vector<16xf32>
      %reshape3A_1802 = vector.shape_cast %xor3A_43 : vector<16xi32> to vector<16x1xi32>
      %gather3A_1803 = vector.shape_cast %reshape3A_1802 : vector<16x1xi32> to vector<16xi32>
      %gather3A_1804 = tpu.dynamic_gather %add3A_1507[%gather3A_1803] in [0] : vector<16xf32>, vector<16xi32> -> vector<16xf32>
      %add3A_1805 = arith.addf %add3A_1507, %gather3A_1804 : vector<16xf32>
      %reshape3A_1806 = vector.shape_cast %xor3A_43 : vector<16xi32> to vector<16x1xi32>
      %gather3A_1807 = vector.shape_cast %reshape3A_1806 : vector<16x1xi32> to vector<16xi32>
      %gather3A_1808 = tpu.dynamic_gather %add3A_1534[%gather3A_1807] in [0] : vector<16xf32>, vector<16xi32> -> vector<16xf32>
      %add3A_1809 = arith.addf %add3A_1534, %gather3A_1808 : vector<16xf32>
      %reshape3A_1810 = vector.shape_cast %add3A_90 : vector<16xi32> to vector<16x1xi32>
      %gather3A_1811 = vector.shape_cast %reshape3A_1810 : vector<16x1xi32> to vector<16xi32>
      %gather3A_1812 = tpu.dynamic_gather %add3A_1805[%gather3A_1811] in [0] : vector<16xf32>, vector<16xi32> -> vector<16xf32>
      %reshape3A_1813 = vector.shape_cast %add3A_90 : vector<16xi32> to vector<16x1xi32>
      %gather3A_1814 = vector.shape_cast %reshape3A_1813 : vector<16x1xi32> to vector<16xi32>
      %gather3A_1815 = tpu.dynamic_gather %add3A_1809[%gather3A_1814] in [0] : vector<16xf32>, vector<16xi32> -> vector<16xf32>
      %sub3A_1816 = arith.subf %gather3A_1812, %gather3A_1815 : vector<16xf32>
      %mul3A_1817 = arith.mulf %sub3A_1816, %convert_element_type3A : vector<16xf32>
      %add3A_1818 = arith.addf %gather3A_1815, %mul3A_1817 : vector<16xf32>
      %reshape3A_1819 = vector.shape_cast %xor3A_43 : vector<16xi32> to vector<16x1xi32>
      %gather3A_1820 = vector.shape_cast %reshape3A_1819 : vector<16x1xi32> to vector<16xi32>
      %gather3A_1821 = tpu.dynamic_gather %add3A_1561[%gather3A_1820] in [0] : vector<16xf32>, vector<16xi32> -> vector<16xf32>
      %add3A_1822 = arith.addf %add3A_1561, %gather3A_1821 : vector<16xf32>
      %reshape3A_1823 = vector.shape_cast %xor3A_43 : vector<16xi32> to vector<16x1xi32>
      %gather3A_1824 = vector.shape_cast %reshape3A_1823 : vector<16x1xi32> to vector<16xi32>
      %gather3A_1825 = tpu.dynamic_gather %add3A_1588[%gather3A_1824] in [0] : vector<16xf32>, vector<16xi32> -> vector<16xf32>
      %add3A_1826 = arith.addf %add3A_1588, %gather3A_1825 : vector<16xf32>
      %reshape3A_1827 = vector.shape_cast %add3A_90 : vector<16xi32> to vector<16x1xi32>
      %gather3A_1828 = vector.shape_cast %reshape3A_1827 : vector<16x1xi32> to vector<16xi32>
      %gather3A_1829 = tpu.dynamic_gather %add3A_1822[%gather3A_1828] in [0] : vector<16xf32>, vector<16xi32> -> vector<16xf32>
      %reshape3A_1830 = vector.shape_cast %add3A_90 : vector<16xi32> to vector<16x1xi32>
      %gather3A_1831 = vector.shape_cast %reshape3A_1830 : vector<16x1xi32> to vector<16xi32>
      %gather3A_1832 = tpu.dynamic_gather %add3A_1826[%gather3A_1831] in [0] : vector<16xf32>, vector<16xi32> -> vector<16xf32>
      %sub3A_1833 = arith.subf %gather3A_1829, %gather3A_1832 : vector<16xf32>
      %mul3A_1834 = arith.mulf %sub3A_1833, %convert_element_type3A : vector<16xf32>
      %add3A_1835 = arith.addf %gather3A_1832, %mul3A_1834 : vector<16xf32>
      %reshape3A_1836 = vector.shape_cast %xor3A_43 : vector<16xi32> to vector<16x1xi32>
      %gather3A_1837 = vector.shape_cast %reshape3A_1836 : vector<16x1xi32> to vector<16xi32>
      %gather3A_1838 = tpu.dynamic_gather %add3A_1615[%gather3A_1837] in [0] : vector<16xf32>, vector<16xi32> -> vector<16xf32>
      %add3A_1839 = arith.addf %add3A_1615, %gather3A_1838 : vector<16xf32>
      %reshape3A_1840 = vector.shape_cast %xor3A_43 : vector<16xi32> to vector<16x1xi32>
      %gather3A_1841 = vector.shape_cast %reshape3A_1840 : vector<16x1xi32> to vector<16xi32>
      %gather3A_1842 = tpu.dynamic_gather %add3A_1642[%gather3A_1841] in [0] : vector<16xf32>, vector<16xi32> -> vector<16xf32>
      %add3A_1843 = arith.addf %add3A_1642, %gather3A_1842 : vector<16xf32>
      %reshape3A_1844 = vector.shape_cast %add3A_90 : vector<16xi32> to vector<16x1xi32>
      %gather3A_1845 = vector.shape_cast %reshape3A_1844 : vector<16x1xi32> to vector<16xi32>
      %gather3A_1846 = tpu.dynamic_gather %add3A_1839[%gather3A_1845] in [0] : vector<16xf32>, vector<16xi32> -> vector<16xf32>
      %reshape3A_1847 = vector.shape_cast %add3A_90 : vector<16xi32> to vector<16x1xi32>
      %gather3A_1848 = vector.shape_cast %reshape3A_1847 : vector<16x1xi32> to vector<16xi32>
      %gather3A_1849 = tpu.dynamic_gather %add3A_1843[%gather3A_1848] in [0] : vector<16xf32>, vector<16xi32> -> vector<16xf32>
      %sub3A_1850 = arith.subf %gather3A_1846, %gather3A_1849 : vector<16xf32>
      %mul3A_1851 = arith.mulf %sub3A_1850, %convert_element_type3A : vector<16xf32>
      %add3A_1852 = arith.addf %gather3A_1849, %mul3A_1851 : vector<16xf32>
      %reshape3A_1853 = vector.shape_cast %xor3A_43 : vector<16xi32> to vector<16x1xi32>
      %gather3A_1854 = vector.shape_cast %reshape3A_1853 : vector<16x1xi32> to vector<16xi32>
      %gather3A_1855 = tpu.dynamic_gather %add3A_1669[%gather3A_1854] in [0] : vector<16xf32>, vector<16xi32> -> vector<16xf32>
      %add3A_1856 = arith.addf %add3A_1669, %gather3A_1855 : vector<16xf32>
      %reshape3A_1857 = vector.shape_cast %xor3A_43 : vector<16xi32> to vector<16x1xi32>
      %gather3A_1858 = vector.shape_cast %reshape3A_1857 : vector<16x1xi32> to vector<16xi32>
      %gather3A_1859 = tpu.dynamic_gather %add3A_1696[%gather3A_1858] in [0] : vector<16xf32>, vector<16xi32> -> vector<16xf32>
      %add3A_1860 = arith.addf %add3A_1696, %gather3A_1859 : vector<16xf32>
      %reshape3A_1861 = vector.shape_cast %add3A_90 : vector<16xi32> to vector<16x1xi32>
      %gather3A_1862 = vector.shape_cast %reshape3A_1861 : vector<16x1xi32> to vector<16xi32>
      %gather3A_1863 = tpu.dynamic_gather %add3A_1856[%gather3A_1862] in [0] : vector<16xf32>, vector<16xi32> -> vector<16xf32>
      %reshape3A_1864 = vector.shape_cast %add3A_90 : vector<16xi32> to vector<16x1xi32>
      %gather3A_1865 = vector.shape_cast %reshape3A_1864 : vector<16x1xi32> to vector<16xi32>
      %gather3A_1866 = tpu.dynamic_gather %add3A_1860[%gather3A_1865] in [0] : vector<16xf32>, vector<16xi32> -> vector<16xf32>
      %sub3A_1867 = arith.subf %gather3A_1863, %gather3A_1866 : vector<16xf32>
      %mul3A_1868 = arith.mulf %sub3A_1867, %convert_element_type3A : vector<16xf32>
      %add3A_1869 = arith.addf %gather3A_1866, %mul3A_1868 : vector<16xf32>
      %reshape3A_1870 = vector.shape_cast %xor3A_43 : vector<16xi32> to vector<16x1xi32>
      %gather3A_1871 = vector.shape_cast %reshape3A_1870 : vector<16x1xi32> to vector<16xi32>
      %gather3A_1872 = tpu.dynamic_gather %add3A_1723[%gather3A_1871] in [0] : vector<16xf32>, vector<16xi32> -> vector<16xf32>
      %add3A_1873 = arith.addf %add3A_1723, %gather3A_1872 : vector<16xf32>
      %reshape3A_1874 = vector.shape_cast %xor3A_43 : vector<16xi32> to vector<16x1xi32>
      %gather3A_1875 = vector.shape_cast %reshape3A_1874 : vector<16x1xi32> to vector<16xi32>
      %gather3A_1876 = tpu.dynamic_gather %add3A_1750[%gather3A_1875] in [0] : vector<16xf32>, vector<16xi32> -> vector<16xf32>
      %add3A_1877 = arith.addf %add3A_1750, %gather3A_1876 : vector<16xf32>
      %reshape3A_1878 = vector.shape_cast %add3A_90 : vector<16xi32> to vector<16x1xi32>
      %gather3A_1879 = vector.shape_cast %reshape3A_1878 : vector<16x1xi32> to vector<16xi32>
      %gather3A_1880 = tpu.dynamic_gather %add3A_1873[%gather3A_1879] in [0] : vector<16xf32>, vector<16xi32> -> vector<16xf32>
      %reshape3A_1881 = vector.shape_cast %add3A_90 : vector<16xi32> to vector<16x1xi32>
      %gather3A_1882 = vector.shape_cast %reshape3A_1881 : vector<16x1xi32> to vector<16xi32>
      %gather3A_1883 = tpu.dynamic_gather %add3A_1877[%gather3A_1882] in [0] : vector<16xf32>, vector<16xi32> -> vector<16xf32>
      %sub3A_1884 = arith.subf %gather3A_1880, %gather3A_1883 : vector<16xf32>
      %mul3A_1885 = arith.mulf %sub3A_1884, %convert_element_type3A : vector<16xf32>
      %add3A_1886 = arith.addf %gather3A_1883, %mul3A_1885 : vector<16xf32>
      %reshape3A_1887 = vector.shape_cast %xor3A_149 : vector<16xi32> to vector<16x1xi32>
      %gather3A_1888 = vector.shape_cast %reshape3A_1887 : vector<16x1xi32> to vector<16xi32>
      %gather3A_1889 = tpu.dynamic_gather %add3A_1767[%gather3A_1888] in [0] : vector<16xf32>, vector<16xi32> -> vector<16xf32>
      %add3A_1890 = arith.addf %add3A_1767, %gather3A_1889 : vector<16xf32>
      %reshape3A_1891 = vector.shape_cast %xor3A_149 : vector<16xi32> to vector<16x1xi32>
      %gather3A_1892 = vector.shape_cast %reshape3A_1891 : vector<16x1xi32> to vector<16xi32>
      %gather3A_1893 = tpu.dynamic_gather %add3A_1784[%gather3A_1892] in [0] : vector<16xf32>, vector<16xi32> -> vector<16xf32>
      %add3A_1894 = arith.addf %add3A_1784, %gather3A_1893 : vector<16xf32>
      %reshape3A_1895 = vector.shape_cast %add3A_206 : vector<16xi32> to vector<16x1xi32>
      %gather3A_1896 = vector.shape_cast %reshape3A_1895 : vector<16x1xi32> to vector<16xi32>
      %gather3A_1897 = tpu.dynamic_gather %add3A_1890[%gather3A_1896] in [0] : vector<16xf32>, vector<16xi32> -> vector<16xf32>
      %reshape3A_1898 = vector.shape_cast %add3A_206 : vector<16xi32> to vector<16x1xi32>
      %gather3A_1899 = vector.shape_cast %reshape3A_1898 : vector<16x1xi32> to vector<16xi32>
      %gather3A_1900 = tpu.dynamic_gather %add3A_1894[%gather3A_1899] in [0] : vector<16xf32>, vector<16xi32> -> vector<16xf32>
      %sub3A_1901 = arith.subf %gather3A_1897, %gather3A_1900 : vector<16xf32>
      %mul3A_1902 = arith.mulf %sub3A_1901, %convert_element_type3A_263 : vector<16xf32>
      %add3A_1903 = arith.addf %gather3A_1900, %mul3A_1902 : vector<16xf32>
      %reshape3A_1904 = vector.shape_cast %xor3A_149 : vector<16xi32> to vector<16x1xi32>
      %gather3A_1905 = vector.shape_cast %reshape3A_1904 : vector<16x1xi32> to vector<16xi32>
      %gather3A_1906 = tpu.dynamic_gather %add3A_1801[%gather3A_1905] in [0] : vector<16xf32>, vector<16xi32> -> vector<16xf32>
      %add3A_1907 = arith.addf %add3A_1801, %gather3A_1906 : vector<16xf32>
      %reshape3A_1908 = vector.shape_cast %xor3A_149 : vector<16xi32> to vector<16x1xi32>
      %gather3A_1909 = vector.shape_cast %reshape3A_1908 : vector<16x1xi32> to vector<16xi32>
      %gather3A_1910 = tpu.dynamic_gather %add3A_1818[%gather3A_1909] in [0] : vector<16xf32>, vector<16xi32> -> vector<16xf32>
      %add3A_1911 = arith.addf %add3A_1818, %gather3A_1910 : vector<16xf32>
      %reshape3A_1912 = vector.shape_cast %add3A_206 : vector<16xi32> to vector<16x1xi32>
      %gather3A_1913 = vector.shape_cast %reshape3A_1912 : vector<16x1xi32> to vector<16xi32>
      %gather3A_1914 = tpu.dynamic_gather %add3A_1907[%gather3A_1913] in [0] : vector<16xf32>, vector<16xi32> -> vector<16xf32>
      %reshape3A_1915 = vector.shape_cast %add3A_206 : vector<16xi32> to vector<16x1xi32>
      %gather3A_1916 = vector.shape_cast %reshape3A_1915 : vector<16x1xi32> to vector<16xi32>
      %gather3A_1917 = tpu.dynamic_gather %add3A_1911[%gather3A_1916] in [0] : vector<16xf32>, vector<16xi32> -> vector<16xf32>
      %sub3A_1918 = arith.subf %gather3A_1914, %gather3A_1917 : vector<16xf32>
      %mul3A_1919 = arith.mulf %sub3A_1918, %convert_element_type3A_263 : vector<16xf32>
      %add3A_1920 = arith.addf %gather3A_1917, %mul3A_1919 : vector<16xf32>
      %reshape3A_1921 = vector.shape_cast %xor3A_149 : vector<16xi32> to vector<16x1xi32>
      %gather3A_1922 = vector.shape_cast %reshape3A_1921 : vector<16x1xi32> to vector<16xi32>
      %gather3A_1923 = tpu.dynamic_gather %add3A_1835[%gather3A_1922] in [0] : vector<16xf32>, vector<16xi32> -> vector<16xf32>
      %add3A_1924 = arith.addf %add3A_1835, %gather3A_1923 : vector<16xf32>
      %reshape3A_1925 = vector.shape_cast %xor3A_149 : vector<16xi32> to vector<16x1xi32>
      %gather3A_1926 = vector.shape_cast %reshape3A_1925 : vector<16x1xi32> to vector<16xi32>
      %gather3A_1927 = tpu.dynamic_gather %add3A_1852[%gather3A_1926] in [0] : vector<16xf32>, vector<16xi32> -> vector<16xf32>
      %add3A_1928 = arith.addf %add3A_1852, %gather3A_1927 : vector<16xf32>
      %reshape3A_1929 = vector.shape_cast %add3A_206 : vector<16xi32> to vector<16x1xi32>
      %gather3A_1930 = vector.shape_cast %reshape3A_1929 : vector<16x1xi32> to vector<16xi32>
      %gather3A_1931 = tpu.dynamic_gather %add3A_1924[%gather3A_1930] in [0] : vector<16xf32>, vector<16xi32> -> vector<16xf32>
      %reshape3A_1932 = vector.shape_cast %add3A_206 : vector<16xi32> to vector<16x1xi32>
      %gather3A_1933 = vector.shape_cast %reshape3A_1932 : vector<16x1xi32> to vector<16xi32>
      %gather3A_1934 = tpu.dynamic_gather %add3A_1928[%gather3A_1933] in [0] : vector<16xf32>, vector<16xi32> -> vector<16xf32>
      %sub3A_1935 = arith.subf %gather3A_1931, %gather3A_1934 : vector<16xf32>
      %mul3A_1936 = arith.mulf %sub3A_1935, %convert_element_type3A_263 : vector<16xf32>
      %add3A_1937 = arith.addf %gather3A_1934, %mul3A_1936 : vector<16xf32>
      %reshape3A_1938 = vector.shape_cast %xor3A_149 : vector<16xi32> to vector<16x1xi32>
      %gather3A_1939 = vector.shape_cast %reshape3A_1938 : vector<16x1xi32> to vector<16xi32>
      %gather3A_1940 = tpu.dynamic_gather %add3A_1869[%gather3A_1939] in [0] : vector<16xf32>, vector<16xi32> -> vector<16xf32>
      %add3A_1941 = arith.addf %add3A_1869, %gather3A_1940 : vector<16xf32>
      %reshape3A_1942 = vector.shape_cast %xor3A_149 : vector<16xi32> to vector<16x1xi32>
      %gather3A_1943 = vector.shape_cast %reshape3A_1942 : vector<16x1xi32> to vector<16xi32>
      %gather3A_1944 = tpu.dynamic_gather %add3A_1886[%gather3A_1943] in [0] : vector<16xf32>, vector<16xi32> -> vector<16xf32>
      %add3A_1945 = arith.addf %add3A_1886, %gather3A_1944 : vector<16xf32>
      %reshape3A_1946 = vector.shape_cast %add3A_206 : vector<16xi32> to vector<16x1xi32>
      %gather3A_1947 = vector.shape_cast %reshape3A_1946 : vector<16x1xi32> to vector<16xi32>
      %gather3A_1948 = tpu.dynamic_gather %add3A_1941[%gather3A_1947] in [0] : vector<16xf32>, vector<16xi32> -> vector<16xf32>
      %reshape3A_1949 = vector.shape_cast %add3A_206 : vector<16xi32> to vector<16x1xi32>
      %gather3A_1950 = vector.shape_cast %reshape3A_1949 : vector<16x1xi32> to vector<16xi32>
      %gather3A_1951 = tpu.dynamic_gather %add3A_1945[%gather3A_1950] in [0] : vector<16xf32>, vector<16xi32> -> vector<16xf32>
      %sub3A_1952 = arith.subf %gather3A_1948, %gather3A_1951 : vector<16xf32>
      %mul3A_1953 = arith.mulf %sub3A_1952, %convert_element_type3A_263 : vector<16xf32>
      %add3A_1954 = arith.addf %gather3A_1951, %mul3A_1953 : vector<16xf32>
      %reshape3A_1955 = vector.shape_cast %xor3A_266 : vector<16xi32> to vector<16x1xi32>
      %gather3A_1956 = vector.shape_cast %reshape3A_1955 : vector<16x1xi32> to vector<16xi32>
      %gather3A_1957 = tpu.dynamic_gather %add3A_1903[%gather3A_1956] in [0] : vector<16xf32>, vector<16xi32> -> vector<16xf32>
      %add3A_1958 = arith.addf %add3A_1903, %gather3A_1957 : vector<16xf32>
      %reshape3A_1959 = vector.shape_cast %xor3A_266 : vector<16xi32> to vector<16x1xi32>
      %gather3A_1960 = vector.shape_cast %reshape3A_1959 : vector<16x1xi32> to vector<16xi32>
      %gather3A_1961 = tpu.dynamic_gather %add3A_1920[%gather3A_1960] in [0] : vector<16xf32>, vector<16xi32> -> vector<16xf32>
      %add3A_1962 = arith.addf %add3A_1920, %gather3A_1961 : vector<16xf32>
      %reshape3A_1963 = vector.shape_cast %add3A_323 : vector<16xi32> to vector<16x1xi32>
      %gather3A_1964 = vector.shape_cast %reshape3A_1963 : vector<16x1xi32> to vector<16xi32>
      %gather3A_1965 = tpu.dynamic_gather %add3A_1958[%gather3A_1964] in [0] : vector<16xf32>, vector<16xi32> -> vector<16xf32>
      %reshape3A_1966 = vector.shape_cast %add3A_323 : vector<16xi32> to vector<16x1xi32>
      %gather3A_1967 = vector.shape_cast %reshape3A_1966 : vector<16x1xi32> to vector<16xi32>
      %gather3A_1968 = tpu.dynamic_gather %add3A_1962[%gather3A_1967] in [0] : vector<16xf32>, vector<16xi32> -> vector<16xf32>
      %sub3A_1969 = arith.subf %gather3A_1965, %gather3A_1968 : vector<16xf32>
      %mul3A_1970 = arith.mulf %sub3A_1969, %convert_element_type3A_380 : vector<16xf32>
      %add3A_1971 = arith.addf %gather3A_1968, %mul3A_1970 : vector<16xf32>
      %reshape3A_1972 = vector.shape_cast %xor3A_266 : vector<16xi32> to vector<16x1xi32>
      %gather3A_1973 = vector.shape_cast %reshape3A_1972 : vector<16x1xi32> to vector<16xi32>
      %gather3A_1974 = tpu.dynamic_gather %add3A_1937[%gather3A_1973] in [0] : vector<16xf32>, vector<16xi32> -> vector<16xf32>
      %add3A_1975 = arith.addf %add3A_1937, %gather3A_1974 : vector<16xf32>
      %reshape3A_1976 = vector.shape_cast %xor3A_266 : vector<16xi32> to vector<16x1xi32>
      %gather3A_1977 = vector.shape_cast %reshape3A_1976 : vector<16x1xi32> to vector<16xi32>
      %gather3A_1978 = tpu.dynamic_gather %add3A_1954[%gather3A_1977] in [0] : vector<16xf32>, vector<16xi32> -> vector<16xf32>
      %add3A_1979 = arith.addf %add3A_1954, %gather3A_1978 : vector<16xf32>
      %reshape3A_1980 = vector.shape_cast %add3A_323 : vector<16xi32> to vector<16x1xi32>
      %gather3A_1981 = vector.shape_cast %reshape3A_1980 : vector<16x1xi32> to vector<16xi32>
      %gather3A_1982 = tpu.dynamic_gather %add3A_1975[%gather3A_1981] in [0] : vector<16xf32>, vector<16xi32> -> vector<16xf32>
      %reshape3A_1983 = vector.shape_cast %add3A_323 : vector<16xi32> to vector<16x1xi32>
      %gather3A_1984 = vector.shape_cast %reshape3A_1983 : vector<16x1xi32> to vector<16xi32>
      %gather3A_1985 = tpu.dynamic_gather %add3A_1979[%gather3A_1984] in [0] : vector<16xf32>, vector<16xi32> -> vector<16xf32>
      %sub3A_1986 = arith.subf %gather3A_1982, %gather3A_1985 : vector<16xf32>
      %mul3A_1987 = arith.mulf %sub3A_1986, %convert_element_type3A_380 : vector<16xf32>
      %add3A_1988 = arith.addf %gather3A_1985, %mul3A_1987 : vector<16xf32>
      %reshape3A_1989 = vector.shape_cast %xor3A_383 : vector<16xi32> to vector<16x1xi32>
      %gather3A_1990 = vector.shape_cast %reshape3A_1989 : vector<16x1xi32> to vector<16xi32>
      %gather3A_1991 = tpu.dynamic_gather %add3A_1971[%gather3A_1990] in [0] : vector<16xf32>, vector<16xi32> -> vector<16xf32>
      %add3A_1992 = arith.addf %add3A_1971, %gather3A_1991 : vector<16xf32>
      %reshape3A_1993 = vector.shape_cast %xor3A_383 : vector<16xi32> to vector<16x1xi32>
      %gather3A_1994 = vector.shape_cast %reshape3A_1993 : vector<16x1xi32> to vector<16xi32>
      %gather3A_1995 = tpu.dynamic_gather %add3A_1988[%gather3A_1994] in [0] : vector<16xf32>, vector<16xi32> -> vector<16xf32>
      %add3A_1996 = arith.addf %add3A_1988, %gather3A_1995 : vector<16xf32>
      %reshape3A_1997 = vector.shape_cast %add3A_440 : vector<16xi32> to vector<16x1xi32>
      %gather3A_1998 = vector.shape_cast %reshape3A_1997 : vector<16x1xi32> to vector<16xi32>
      %gather3A_1999 = tpu.dynamic_gather %add3A_1992[%gather3A_1998] in [0] : vector<16xf32>, vector<16xi32> -> vector<16xf32>
      %reshape3A_2000 = vector.shape_cast %add3A_440 : vector<16xi32> to vector<16x1xi32>
      %gather3A_2001 = vector.shape_cast %reshape3A_2000 : vector<16x1xi32> to vector<16xi32>
      %gather3A_2002 = tpu.dynamic_gather %add3A_1996[%gather3A_2001] in [0] : vector<16xf32>, vector<16xi32> -> vector<16xf32>
      %sub3A_2003 = arith.subf %gather3A_1999, %gather3A_2002 : vector<16xf32>
      %mul3A_2004 = arith.mulf %sub3A_2003, %convert_element_type3A_497 : vector<16xf32>
      %add3A_2005 = arith.addf %gather3A_2002, %mul3A_2004 : vector<16xf32>
      %get3A_2006 = arith.index_cast %mul3A_1314 : i32 to index
      %get3A_2007 = tpu.vector_load %arg15[%get3A_2006] {strides = array<i32>} : memref<512xf32, #tpu.memory_space<vmem>>, vector<16xf32>,
      %add3A_2008 = arith.addf %get3A_41, %get3A_2007 : vector<16xf32>
      %get3A_2009 = arith.index_cast %mul3A_1314 : i32 to index
      %get3A_2010 = tpu.vector_load %arg16[%get3A_2009] {strides = array<i32>} : memref<512xf32, #tpu.memory_space<vmem>>, vector<16xf32>,
      %add3A_2011 = arith.addf %add3A_2008, %get3A_2010 : vector<16xf32>
      %add3A_2012 = arith.addf %add3A_2011, %add3A_2005 : vector<16xf32>
      %get3A_2013 = arith.index_cast %mul3A_1314 : i32 to index
      %get3A_2014 = tpu.vector_load %arg13[%get3A_2013] {strides = array<i32>} : memref<512xf32, #tpu.memory_space<vmem>>, vector<16xf32>,
      %sub3A_2015 = arith.subf %add3A_2012, %get3A_2014 : vector<16xf32>
      %mul3A_2016 = arith.mulf %sub3A_2015, %sub3A_2015 : vector<16xf32>
      %add3A_2017 = arith.addf %add3A_1273, %mul3A_2016 : vector<16xf32>
      scf.yield %add3A_2017 : vector<16xf32>
    }
    %scan3A_505 = arith.constant 16 : i32
    %swap3A = arith.constant 0 : index
    %swap3A_506 = tpu.vector_load %arg19[%swap3A] {strides = array<i32>} : memref<16xf32, #tpu.memory_space<vmem>>, vector<16xf32>,
    tpu.vector_store %arg19[%swap3A], %scan3A_504 {strides = array<i32>} : memref<16xf32, #tpu.memory_space<vmem>>, vector<16xf32>,
    %mul3A_507 = arith.constant 16 : i32
    %mul3A_508 = arith.muli %arg1, %mul3A_507 : i32
    "tpu.region"() ({
      %run_scoped3A = tpu.sem_alloc : memref<!tpu.dma_semaphore, #tpu.memory_space<semaphore_mem>>
      %dma_start3A_513 = tpu.memref_slice %arg21[%mul3A_508] : memref<256xf32, #tpu.memory_space<vmem_shared>> -> memref<16xf32, #tpu.memory_space<vmem_shared>>
      %dma_start3A_514 = tpu.memref_slice %arg21[%mul3A_508] : memref<256xf32, #tpu.memory_space<vmem_shared>> -> memref<16xf32, #tpu.memory_space<vmem_shared>>
      tpu.enqueue_dma source(%arg19 : memref<16xf32, #tpu.memory_space<vmem>>) target(%dma_start3A_514 : memref<16xf32, #tpu.memory_space<vmem_shared>>) target_semaphore(%run_scoped3A : memref<!tpu.dma_semaphore, #tpu.memory_space<semaphore_mem>>)
      %dma_wait3A_515 = tpu.memref_slice %arg21[%mul3A_508] : memref<256xf32, #tpu.memory_space<vmem_shared>> -> memref<16xf32, #tpu.memory_space<vmem_shared>>
      %dma_wait3A_516 = tpu.memref_slice %arg21[%mul3A_508] : memref<256xf32, #tpu.memory_space<vmem_shared>> -> memref<16xf32, #tpu.memory_space<vmem_shared>>
      tpu.wait_dma2 semaphore(%run_scoped3A : memref<!tpu.dma_semaphore, #tpu.memory_space<semaphore_mem>>) src(%arg19 : memref<16xf32, #tpu.memory_space<vmem>>) dst(%dma_wait3A_516 : memref<16xf32, #tpu.memory_space<vmem_shared>>)
      tpu.yield
    }) : () -> ()
    %barrier3A = arith.constant 0 : index
    tpu.barrier barrier_id(%barrier3A)
    %eq3A_509 = arith.constant 0 : i32
    %eq3A_510 = arith.cmpi eq, %arg1, %eq3A_509 : i32
    %convert_element_type3A_511 = arith.extui %eq3A_510 : i1 to i32
    %cond3A = arith.constant 0 : i32
    %cond3A_512 = arith.cmpi ne, %convert_element_type3A_511, %cond3A : i32
    scf.if %cond3A_512 {
      "tpu.region"() ({
        %run_scoped3A = tpu.sem_alloc : memref<!tpu.dma_semaphore, #tpu.memory_space<semaphore_mem>>
        tpu.enqueue_dma source(%arg21 : memref<256xf32, #tpu.memory_space<vmem_shared>>) target(%arg20 : memref<256xf32, #tpu.memory_space<vmem>>) target_semaphore(%run_scoped3A : memref<!tpu.dma_semaphore, #tpu.memory_space<semaphore_mem>>)
        tpu.wait_dma2 semaphore(%run_scoped3A : memref<!tpu.dma_semaphore, #tpu.memory_space<semaphore_mem>>) src(%arg21 : memref<256xf32, #tpu.memory_space<vmem_shared>>) dst(%arg20 : memref<256xf32, #tpu.memory_space<vmem>>)
        tpu.yield
      }) : () -> ()
      %get3A_513 = arith.constant 0 : index
      %get3A_514 = tpu.vector_load %arg20[%get3A_513] {strides = array<i32>} : memref<256xf32, #tpu.memory_space<vmem>>, vector<16xf32>,
      %get3A_515 = arith.constant 16 : index
      %get3A_516 = tpu.vector_load %arg20[%get3A_515] {strides = array<i32>} : memref<256xf32, #tpu.memory_space<vmem>>, vector<16xf32>,
      %add3A_517 = arith.addf %get3A_514, %get3A_516 : vector<16xf32>
      %get3A_518 = arith.constant 32 : index
      %get3A_519 = tpu.vector_load %arg20[%get3A_518] {strides = array<i32>} : memref<256xf32, #tpu.memory_space<vmem>>, vector<16xf32>,
      %add3A_520 = arith.addf %add3A_517, %get3A_519 : vector<16xf32>
      %get3A_521 = arith.constant 48 : index
      %get3A_522 = tpu.vector_load %arg20[%get3A_521] {strides = array<i32>} : memref<256xf32, #tpu.memory_space<vmem>>, vector<16xf32>,
      %add3A_523 = arith.addf %add3A_520, %get3A_522 : vector<16xf32>
      %get3A_524 = arith.constant 64 : index
      %get3A_525 = tpu.vector_load %arg20[%get3A_524] {strides = array<i32>} : memref<256xf32, #tpu.memory_space<vmem>>, vector<16xf32>,
      %add3A_526 = arith.addf %add3A_523, %get3A_525 : vector<16xf32>
      %get3A_527 = arith.constant 80 : index
      %get3A_528 = tpu.vector_load %arg20[%get3A_527] {strides = array<i32>} : memref<256xf32, #tpu.memory_space<vmem>>, vector<16xf32>,
      %add3A_529 = arith.addf %add3A_526, %get3A_528 : vector<16xf32>
      %get3A_530 = arith.constant 96 : index
      %get3A_531 = tpu.vector_load %arg20[%get3A_530] {strides = array<i32>} : memref<256xf32, #tpu.memory_space<vmem>>, vector<16xf32>,
      %add3A_532 = arith.addf %add3A_529, %get3A_531 : vector<16xf32>
      %get3A_533 = arith.constant 112 : index
      %get3A_534 = tpu.vector_load %arg20[%get3A_533] {strides = array<i32>} : memref<256xf32, #tpu.memory_space<vmem>>, vector<16xf32>,
      %add3A_535 = arith.addf %add3A_532, %get3A_534 : vector<16xf32>
      %get3A_536 = arith.constant 128 : index
      %get3A_537 = tpu.vector_load %arg20[%get3A_536] {strides = array<i32>} : memref<256xf32, #tpu.memory_space<vmem>>, vector<16xf32>,
      %add3A_538 = arith.addf %add3A_535, %get3A_537 : vector<16xf32>
      %get3A_539 = arith.constant 144 : index
      %get3A_540 = tpu.vector_load %arg20[%get3A_539] {strides = array<i32>} : memref<256xf32, #tpu.memory_space<vmem>>, vector<16xf32>,
      %add3A_541 = arith.addf %add3A_538, %get3A_540 : vector<16xf32>
      %get3A_542 = arith.constant 160 : index
      %get3A_543 = tpu.vector_load %arg20[%get3A_542] {strides = array<i32>} : memref<256xf32, #tpu.memory_space<vmem>>, vector<16xf32>,
      %add3A_544 = arith.addf %add3A_541, %get3A_543 : vector<16xf32>
      %get3A_545 = arith.constant 176 : index
      %get3A_546 = tpu.vector_load %arg20[%get3A_545] {strides = array<i32>} : memref<256xf32, #tpu.memory_space<vmem>>, vector<16xf32>,
      %add3A_547 = arith.addf %add3A_544, %get3A_546 : vector<16xf32>
      %get3A_548 = arith.constant 192 : index
      %get3A_549 = tpu.vector_load %arg20[%get3A_548] {strides = array<i32>} : memref<256xf32, #tpu.memory_space<vmem>>, vector<16xf32>,
      %add3A_550 = arith.addf %add3A_547, %get3A_549 : vector<16xf32>
      %get3A_551 = arith.constant 208 : index
      %get3A_552 = tpu.vector_load %arg20[%get3A_551] {strides = array<i32>} : memref<256xf32, #tpu.memory_space<vmem>>, vector<16xf32>,
      %add3A_553 = arith.addf %add3A_550, %get3A_552 : vector<16xf32>
      %get3A_554 = arith.constant 224 : index
      %get3A_555 = tpu.vector_load %arg20[%get3A_554] {strides = array<i32>} : memref<256xf32, #tpu.memory_space<vmem>>, vector<16xf32>,
      %add3A_556 = arith.addf %add3A_553, %get3A_555 : vector<16xf32>
      %get3A_557 = arith.constant 240 : index
      %get3A_558 = tpu.vector_load %arg20[%get3A_557] {strides = array<i32>} : memref<256xf32, #tpu.memory_space<vmem>>, vector<16xf32>,
      %add3A_559 = arith.addf %add3A_556, %get3A_558 : vector<16xf32>
      %reshape3A = vector.shape_cast %xor3A_43 : vector<16xi32> to vector<16x1xi32>
      %gather3A = vector.shape_cast %reshape3A : vector<16x1xi32> to vector<16xi32>
      %gather3A_560 = tpu.dynamic_gather %add3A_559[%gather3A] in [0] : vector<16xf32>, vector<16xi32> -> vector<16xf32>
      %add3A_561 = arith.addf %add3A_559, %gather3A_560 : vector<16xf32>
      %reshape3A_562 = vector.shape_cast %xor3A_149 : vector<16xi32> to vector<16x1xi32>
      %gather3A_563 = vector.shape_cast %reshape3A_562 : vector<16x1xi32> to vector<16xi32>
      %gather3A_564 = tpu.dynamic_gather %add3A_561[%gather3A_563] in [0] : vector<16xf32>, vector<16xi32> -> vector<16xf32>
      %add3A_565 = arith.addf %add3A_561, %gather3A_564 : vector<16xf32>
      %reshape3A_566 = vector.shape_cast %xor3A_266 : vector<16xi32> to vector<16x1xi32>
      %gather3A_567 = vector.shape_cast %reshape3A_566 : vector<16x1xi32> to vector<16xi32>
      %gather3A_568 = tpu.dynamic_gather %add3A_565[%gather3A_567] in [0] : vector<16xf32>, vector<16xi32> -> vector<16xf32>
      %add3A_569 = arith.addf %add3A_565, %gather3A_568 : vector<16xf32>
      %reshape3A_570 = vector.shape_cast %xor3A_383 : vector<16xi32> to vector<16x1xi32>
      %gather3A_571 = vector.shape_cast %reshape3A_570 : vector<16x1xi32> to vector<16xi32>
      %gather3A_572 = tpu.dynamic_gather %add3A_569[%gather3A_571] in [0] : vector<16xf32>, vector<16xi32> -> vector<16xf32>
      %add3A_573 = arith.addf %add3A_569, %gather3A_572 : vector<16xf32>
      %mul3A_574 = arith.constant 3.05175781E-5 : f32
      %mul3A_575 = vector.broadcast %mul3A_574 : f32 to vector<16xf32>
      %mul3A_576 = arith.mulf %add3A_573, %mul3A_575 : vector<16xf32>
      %swap3A_577 = arith.constant 0 : index
      %swap3A_578 = tpu.vector_load %arg19[%swap3A_577] {strides = array<i32>} : memref<16xf32, #tpu.memory_space<vmem>>, vector<16xf32>,
      tpu.vector_store %arg19[%swap3A_577], %mul3A_576 {strides = array<i32>} : memref<16xf32, #tpu.memory_space<vmem>>, vector<16xf32>,
      %mul3A_579 = arith.constant 16 : i32
      %mul3A_580 = arith.muli %arg0, %mul3A_579 : i32
      "tpu.region"() ({
        %run_scoped3A = tpu.sem_alloc : memref<!tpu.dma_semaphore, #tpu.memory_space<semaphore_mem>>
        %dma_start3A_581 = tpu.memref_slice %arg10[%mul3A_580] : memref<32xf32, #tpu.memory_space<hbm>> -> memref<16xf32, #tpu.memory_space<hbm>>
        %dma_start3A_582 = tpu.memref_slice %arg10[%mul3A_580] : memref<32xf32, #tpu.memory_space<hbm>> -> memref<16xf32, #tpu.memory_space<hbm>>
        tpu.enqueue_dma source(%arg19 : memref<16xf32, #tpu.memory_space<vmem>>) target(%dma_start3A_582 : memref<16xf32, #tpu.memory_space<hbm>>) target_semaphore(%run_scoped3A : memref<!tpu.dma_semaphore, #tpu.memory_space<semaphore_mem>>)
        %dma_wait3A_583 = tpu.memref_slice %arg10[%mul3A_580] : memref<32xf32, #tpu.memory_space<hbm>> -> memref<16xf32, #tpu.memory_space<hbm>>
        %dma_wait3A_584 = tpu.memref_slice %arg10[%mul3A_580] : memref<32xf32, #tpu.memory_space<hbm>> -> memref<16xf32, #tpu.memory_space<hbm>>
        tpu.wait_dma2 semaphore(%run_scoped3A : memref<!tpu.dma_semaphore, #tpu.memory_space<semaphore_mem>>) src(%arg19 : memref<16xf32, #tpu.memory_space<vmem>>) dst(%dma_wait3A_584 : memref<16xf32, #tpu.memory_space<hbm>>)
        tpu.yield
      }) : () -> ()
    } else {
    }
    return
  }
}

</mosaic_0001>

<sc_bundles>
// kernel: kernel.3.cloned.1.call-start
scs
__scs_entry_jumppad:
0x0: {  	(pc) =	sbr.rel $0x88, $3  }
0x1: {  	(tag) =	ssettag $0x0;
	lr =	simm.s32 $0x1  }
0x2: {  	[smem:$0x3F99] =	sst lr;
	_ =	strace $0xD0000000  }
0x3: {  	_ = 	snop  }
0x4: {  	_ = 	snop  }
0x5: {  	_ = 	snop  }
0x6: {  	_ = 	snop  }
0x7: {  	_ = 	snop  }
__scs_overlays_trampoline_lowered:
0x8: {  	[smem:$0x3FA8] =	sst s0  }
0x9: {  	[smem:$0x3FA9] =	sst s1  }
0xa: {  	[smem:$0x3FAA] =	sst s2  }
0xb: {  	[smem:$0x3FAB] =	sst s3  }
0xc: {  	[smem:$0x3FAC] =	sst s4  }
0xd: {  	[smem:$0x3FAD] =	sst s5  }
0xe: {  	[smem:$0x3FAE] =	sst s6  }
0xf: {  	[smem:$0x3FAF] =	sst s7  }
0x10: {  	[smem:$0x3FB0] =	sst s8  }
0x11: {  	[smem:$0x3FB1] =	sst s9;
	s0 =	simm.s32 @!p0 $0x0  }
0x12: {  	s1 =	sld [smem:$0x3F97];
	s0 =	simm.s32 @p0 $0x1  }
0x13: {  	[smem:$0x3FB2] =	sst s0;
	s0 =	simm.s32 @!p1 $0x0  }
0x14: {  	s2 =	sld [smem:$0x3F96];
	s0 =	simm.s32 @p1 $0x1  }
0x15: {  	[smem:$0x3FB3] =	sst s0;
	s0 =	simm.s32 @!p2 $0x0  }
0x16: {  	s3 =	sld [smem:$0x3FDB];
	s0 =	simm.s32 @p2 $0x1  }
0x17: {  	s4 =	simm.s32 $0x1BF5;
	[smem:$0x3FB5] =	sst s0  }
0x18: {  	s0 =	sld [smem:$0x3F98];
	_ =	swait.ge [sflag:s4], $0x0  }
0x19: {  	s7 =	sld [smem:$0x3F99]  }
0x1a: {  	s8 =	sadd.s32 $0xFFFFE003, lr  }
0x1b: {  	s9 =	sadd.s32 $0xFFFFFEF7, lr;
	s5 =	simm.s32 $0xFFFFFFFF;
	p2 =	slt.u32 s8, $0xFFFFF086  }
0x1c: {  	p1 =	slt.u32 s9, $0xF7A;
	s5 =	simm.s32 @!p2 $0x0  }
0x1d: {  	s5 =	simm.s32 @p1 $0x1;
	p0 =	seq.s32 s7, s2  }
0x1e: {  	s7 =	smul.u32 @!p0 $0xF7A, s2;
	p2 =	seq.s32 @!p0 s5, $0x0  }
0x1f: {  	s9 =	smul.u32 $0xF7A, s1;
	s8 =	simm.s32 @!p0 $0x1BF5;
	p2 =	por !p2, p0  }
0x20: {  	[sflag:s8] =	ssyncset.s32 @!p0 $0xFFFFF086;
	s6 =	sadd.s32 @!p0 s3, s7;
	s7 =	simm.s32 @!p0 $0x108  }
0x21: {  	s3 =	sadd.s32 s3, s9;
	s6 =	sadd.s32 @!p0 $0x88, s6;
	s7 =	simm.s32 @p2 $0x1082  }
0x22: {  	[simem:s7], [sflag:s8] =	dma.local @!p0 [hbm:s6], $0xF7A  }
0x23: {  	s9 =	sor.u32 $0xD0000000, s2;
	s6 =	simm.s32 $0x108;
	_ =	swait.ge @!p0 [sflag:s8], $0x0  }
0x24: {  	s3 =	sadd.s32 $0x88, s3;
	s6 =	simm.s32 @!p1 $0x1082;
	[sflag:s4] =	ssyncset.s32 $0xFFFFF086  }
0x25: {  	[simem:s6], [sflag:s4] =	dma.local [hbm:s3], $0xF7A  }
0x26: {  	[smem:$0x3F99] =	sst s1;
	(tag) =	ssettag s2;
	_ =	strace s9  }
0x27: {  	s1 =	sld [smem:$0x3FA9]  }
0x28: {  	s2 =	sld [smem:$0x3FAA]  }
0x29: {  	s4 =	sld [smem:$0x3FAC]  }
0x2a: {  	p0 =	seq.s32 s5, $0x0;
	s5 =	sld [smem:$0x3FAD]  }
0x2b: {  	s6 =	sld [smem:$0x3FAE]  }
0x2c: {  	s7 =	sld [smem:$0x3FAF]  }
0x2d: {  	s3 =	simm.s32 $0x108;
	s8 =	sld [smem:$0x3FB0]  }
0x2e: {  	s3 =	simm.s32 @!p0 $0x1082;
	s9 =	sld [smem:$0x3FB1]  }
0x2f: {  	lr =	sadd.s32 s0, s3;
	s0 =	sld [smem:$0x3FA8]  }
0x30: {  	s3 =	sld [smem:$0x3FAB]  }
0x31: {  	[smem:$0x3FB4] =	sst s10  }
0x32: {  	s10 =	sld [smem:$0x3FB2];
	_ =	sdelay $0x3  }
0x33: {  	p0 =	seq.s32 s10, $0x1;
	s10 =	sld [smem:$0x3FB4];
	_ =	sdelay $0x3  }
0x34: {  	[smem:$0x3FB4] =	sst s10  }
0x35: {  	s10 =	sld [smem:$0x3FB3];
	_ =	sdelay $0x3  }
0x36: {  	p1 =	seq.s32 s10, $0x1;
	s10 =	sld [smem:$0x3FB4];
	_ =	sdelay $0x3  }
0x37: {  	[smem:$0x3FB4] =	sst s10  }
0x38: {  	s10 =	sld [smem:$0x3FB5]  }
0x39: {  	_ = 	snop;
	(pc) =	sbr.ind lr, $3  }
0x3a: {  	_ = 	snop  }
0x3b: {  	_ = 	snop  }
0x3c: {  	p2 =	seq.s32 s10, $0x1;
	s10 =	sld [smem:$0x3FB4]  }
0x3d: {  	_ =	shalt  }
0x3e: {  	_ =	shalt  }
0x3f: {  	_ =	shalt  }
0x40: {  	_ =	shalt  }
0x41: {  	_ =	shalt  }
0x42: {  	_ =	shalt  }
0x43: {  	_ =	shalt  }
0x44: {  	_ =	shalt  }
0x45: {  	_ =	shalt  }
0x46: {  	_ =	shalt  }
0x47: {  	_ =	shalt  }
0x48: {  	_ =	shalt  }
0x49: {  	_ =	shalt  }
0x4a: {  	_ =	shalt  }
0x4b: {  	_ =	shalt  }
0x4c: {  	_ =	shalt  }
0x4d: {  	_ =	shalt  }
0x4e: {  	_ =	shalt  }
0x4f: {  	_ =	shalt  }
0x50: {  	_ =	shalt  }
0x51: {  	_ =	shalt  }
0x52: {  	_ =	shalt  }
0x53: {  	_ =	shalt  }
0x54: {  	_ =	shalt  }
0x55: {  	_ =	shalt  }
0x56: {  	_ =	shalt  }
0x57: {  	_ =	shalt  }
0x58: {  	_ =	shalt  }
0x59: {  	_ =	shalt  }
0x5a: {  	_ =	shalt  }
0x5b: {  	_ =	shalt  }
0x5c: {  	_ =	shalt  }
0x5d: {  	_ =	shalt  }
0x5e: {  	_ =	shalt  }
0x5f: {  	_ =	shalt  }
0x60: {  	_ =	shalt  }
0x61: {  	_ =	shalt  }
0x62: {  	_ =	shalt  }
0x63: {  	_ =	shalt  }
0x64: {  	_ =	shalt  }
0x65: {  	_ =	shalt  }
0x66: {  	_ =	shalt  }
0x67: {  	_ =	shalt  }
0x68: {  	_ =	shalt  }
0x69: {  	_ =	shalt  }
0x6a: {  	_ =	shalt  }
0x6b: {  	_ =	shalt  }
0x6c: {  	_ =	shalt  }
0x6d: {  	_ =	shalt  }
0x6e: {  	_ =	shalt  }
0x6f: {  	_ =	shalt  }
0x70: {  	_ =	shalt  }
0x71: {  	_ =	shalt  }
0x72: {  	_ =	shalt  }
0x73: {  	_ =	shalt  }
0x74: {  	_ =	shalt  }
0x75: {  	_ =	shalt  }
0x76: {  	_ =	shalt  }
0x77: {  	_ =	shalt  }
0x78: {  	_ =	shalt  }
0x79: {  	_ =	shalt  }
0x7a: {  	_ =	shalt  }
0x7b: {  	_ =	shalt  }
0x7c: {  	_ =	shalt  }
0x7d: {  	_ =	shalt  }
0x7e: {  	_ =	shalt  }
0x7f: {  	_ =	shalt  }
0x80: {  	_ =	shalt  }
0x81: {  	_ =	shalt  }
0x82: {  	_ =	shalt  }
0x83: {  	_ =	shalt  }
0x84: {  	_ =	shalt  }
0x85: {  	_ =	shalt  }
0x86: {  	_ =	shalt  }
0x87: {  	_ =	shalt  }
.Lfunc_end0:
.L_simem_size_0:
called_computation_lowered:
.L_overlay_start_0:
0x88: {  	s2 =	sld [smem:$0x3FD9]  }
0x89: {  	s3 =	sld [smem:$0x3FFE];
	_ =	sdelay $0x1  }
0x8a: {  	s1 =	srdreg.scid  }
0x8b: {  	s0 =	sand.u32 $0x1, s1  }
0x8c: {  	s17 =	sshll.u32 s0, $0xA;
	s2 =	sadd.s32 s3, s2  }
0x8d: {  	s2 =	sadd.s32 s2, s17  }
0x8e: {  	[smem:$0x3FC0] =	sst s2  }
0x8f: {  	_ = 	snop  }
0x90: {  	s2 =	sld [smem:$0x3FC9]  }
0x91: {  	s18 =	sld [smem:$0x3FC8]  }
0x92: {  	s4 =	sld [smem:$0x3FC7]  }
0x93: {  	s5 =	sld [smem:$0x3FC5]  }
0x94: {  	s6 =	sld [smem:$0x3FC4]  }
0x95: {  	s7 =	sld [smem:$0x3FD0];
	(tm) =	ssettm $0x1  }
0x96: {  	s8 =	sld [smem:$0x3FFB];
	_ =	sdelay $0x3  }
0x97: {  	_ =	strace s8  }
0x98: {  	s8 =	sld [smem:$0x3FFC];
	_ =	sdelay $0x3  }
0x99: {  	_ =	strace s8  }
0x9a: {  	s8 =	sld [smem:$0x3FFD];
	_ =	sdelay $0x3  }
0x9b: {  	_ =	strace s8  }
0x9c: {  	_ =	strace $0x8FFFFFFF  }
0x9d: {  	s19 =	sld [smem:$0x3FDB];
	_ =	sdelay $0x1  }
0x9e: {  	s9 =	simm.s32 $_scs_section_size  }
0x9f: {  	s10 =	simm.s32 $_size__tile_overlayer_lowered;
	s11 =	simm.s32 $_tile_overlayer_lowered  }
0xa0: {  	s22 =	simm.s32 $0x1BFF;
	s21 =	sshll.u32 s11, $0x1;
	s8 =	sadd.s32 s9, s19  }
0xa1: {  	s12 =	simm.s32 $0x0;
	s20 =	sshll.u32 s10, $0x1;
	s10 =	sadd.s32 s21, s8  }
0xa2: {  	[timem:s12], [sflag:s22] =	dma.local [hbm:s10], s20  }
0xa3: {  	_ =	swait.ge [sflag:s22], s20  }
0xa4: {  	s9 =	ssub.s32 $0x0, s20;
	[sflag:s22] =	ssyncset.done $0x0  }
0xa5: {  	[sflag:s22] =	ssyncadd.s32 s9;
	_ =	sdelay $0x1  }
0xa6: {  	s23 =	simm.s32 $0x1B8B  }
0xa7: {  	_ =	swait.ge [sflag:s23], $0x1  }
0xa8: {  	[sflag:s23] =	ssyncset.done $0x0  }
0xa9: {  	s25 =	simm.s32 $0x1B8E;
	s24 =	sld [smem:$0x3FFE];
	[sflag:s23] =	ssyncadd.s32 $0xFFFFFFFF  }
0xaa: {  	s26 =	simm.s32 $execute0_lowered;
	[smem:$0x3FD2] =	sst s25  }
0xab: {  	s10 =	sshll.u32 s26, $0x1;
	_ =	strace $0x80000046;
	[dreg:$0x1] =	wrdreg $0xFFFFFFFF  }
0xac: {  	s28 =	simm.s32 $_size_execute0_lowered;
	s8 =	sadd.s32 s8, s10;
	[dreg:$0x0] =	wrdreg $0x0  }
0xad: {  	s10 =	sshll.u32 s28, $0x1;
	[dreg:$0x2] =	wrdreg s8  }
0xae: {  	[dreg:$0x3] =	wrdreg s10  }
0xaf: {  	[dreg:$0x4] =	wrdreg $0xC0  }
0xb0: {  	_ =	task [dreg:s12], $0x5FFFF  }
0xb1: {  	[dreg:$0x1] =	wrdreg $0xFFFFFFFF  }
0xb2: {  	[dreg:$0x0] =	wrdreg $0x60  }
0xb3: {  	[dreg:$0x2] =	wrdreg s2  }
0xb4: {  	[dreg:$0x3] =	wrdreg s18  }
0xb5: {  	[dreg:$0x4] =	wrdreg s4  }
0xb6: {  	[dreg:$0x5] =	wrdreg s7  }
0xb7: {  	[dreg:$0x6] =	wrdreg s5  }
0xb8: {  	[dreg:$0x7] =	wrdreg s6  }
0xb9: {  	[dreg:$0x8] =	wrdreg s24  }
0xba: {  	[dreg:$0x9] =	wrdreg $0x13200  }
0xbb: {  	[dreg:$0xa] =	wrdreg $0x9  }
0xbc: {  	_ =	task.clear_ibuf [dreg:s12], $0xBFFFF;
	_ =	strace $0x90000046  }
0xbd: {  	s29 =	simm.s32 $0x9;
	_ =	strace $0x80000048  }
0xbe: {  	_ =	swait.ge [sflag:s29], $0x1  }
0xbf: {  	[sflag:s29] =	ssyncadd.s32 $0xFFFFFFFF  }
0xc0: {  	_ =	strace $0x90000048  }
0xc1: {  	_ =	sfence  }
0xc2: {  	s30 =	sld [smem:$0x0];
	_ =	sdelay $0x2  }
0xc3: {  	s31 =	sshll.u32 s1, $0xD;
	s1 =	sshrl.u32 s1, $0x2  }
0xc4: {  	s3 =	sand.u32 $0x4000, s31;
	s1 =	sadd.s32 s1, s30  }
0xc5: {  	s0 =	sor.u32 s3, s0;
	s1 =	sshll.u32 s1, $0x11  }
0xc6: {  	s0 =	sor.u32 s1, s0  }
0xc7: {  	s0 =	sadd.s32 $0x8F2B, s0  }
0xc8: {  	[sflag:s0] =	ssyncadd.remote.s32 $0x1  }
0xc9: {  	_ =	sfence.sel $0xFFFF  }
0xca: {  	[dreg:$0x0] =	wrdreg $0xFFFFFFFF;
	(pc) =	sbr.abs _section_cstart, $3  }
0xcb: {  	[dreg:$0x1] =	wrdreg $0xFFFFFFFF  }
0xcc: {  	_ =	task.clear_ibuf [dreg:s12], $0x2FFFF;
	_ =	strace $0x9FFFFFFF  }
0xcd: {  	(tm) =	ssettm $0x7FFFFFFF  }
tec
execute0_lowered:
.L_overlay_start_1:
0x0: {  	(tag) =	ssettag $0x1  }
0x1: {  	v0 =	vimm.s32 $0xFEDCBA98;
	v1 =	vimm.s32 $0xBA98FEDC  }
0x2: {  	v2 =	vimm.s32 $0x32107654;
	v3 =	vimm.s32 $0x76543210;
	v12 =	vlaneseq.u32  }
0x3: {  	vm1 =	vcmask $0x1F00;
	v10 =	vimm.f32 $0.0e+00;
	v5 =	vimm.s32 $0xB0A0908  }
0x4: {  	v6 =	vimm.s32 $0xDCFE98BA;
	v7 =	vimm.s32 $0x54761032;
	v8 =	vimm.s32 $0x3020100  }
0x5: {  	v13 =	vimm.s32 $0x54541010;
	v56 =	vimm.s32 $0xEFCDAB89;
	v57 =	vimm.s32 $0x67452301  }
0x6: {  	v0 =	vunpack.c.l.s4.s8 v0;
	v1 =	vunpack.c.l.s4.s8 v1;
	v2 =	vunpack.c.l.s4.s8 v2  }
0x7: {  	v3 =	vunpack.c.l.s4.s8 v3;
	v20 =	vsel vm1, $0x3F800000, v10;
	v5 =	vunpack.c.0.s8.s32 v5  }
0x8: {  	s3 =	rddreg [dreg:$0x0];
	v6 =	vunpack.c.l.s4.s8 v6;
	vm1 =	vcmask $0xF00;
	v7 =	vunpack.c.l.s4.s8 v7  }
0x9: {  	s9 =	rddreg [dreg:$0x1];
	v13 =	vunpack.c.l.s4.s8 v13;
	v59 =	vshrl.u32 v12, $0x1;
	v9 =	vsel vm1, $0x3F800000, v10  }
0xa: {  	s10 =	rddreg [dreg:$0x2];
	vm1 =	vcmask $0x2F20;
	v61 =	vmul.u32 $0x2, v59;
	v0 =	vunpack.c.0.s8.s32 v0  }
0xb: {  	s0 =	rddreg [dreg:$0x3];
	v1 =	vunpack.c.0.s8.s32 v1;
	v2 =	vunpack.c.0.s8.s32 v2;
	v3 =	vunpack.c.0.s8.s32 v3  }
0xc: {  	s1 =	rddreg [dreg:$0x4];
	v11 =	vunpack.c.0.s8.s32 v6;
	v7 =	vunpack.c.0.s8.s32 v7;
	v6 =	vimm.s32 $0xDCDC9898  }
0xd: {  	s2 =	rddreg [dreg:$0x5];
	v62 =	vsel vm1, $0x3F800000, v9;
	v53 =	vunpack.c.0.s8.s32 v13;
	vm1 =	vcmask $0x700  }
0xe: {  	s8 =	rddreg [dreg:$0x6];
	v13 =	vunpack.c.l.s4.s8 v56;
	v14 =	vunpack.c.l.s4.s8 v6;
	v54 =	vsel vm1, $0x3F800000, v10  }
0xf: {  	s4 =	rddreg [dreg:$0x7];
	vm1 =	vcmask $0x1710;
	v4 =	vand.u32 $0xF, v0;
	v0 =	vcombine.low v2, v1  }
0x10: {  	s5 =	simm.s32 $0x0;
	s11 =	srdreg.scid;
	s25 =	stileid.u32;
	v55 =	vsel vm1, $0x3F800000, v54;
	vm1 =	vcmask $0x2720;
	v13 =	vunpack.c.0.s8.s32 v13  }
0x11: {  	s16 =	simm.s32 $0x600;
	s17 =	simm.s32 $0x1;
	s18 =	simm.s32 $0x610;
	v1 =	vcombine.low v4, v3;
	v52 =	vunpack.c.0.s8.s32 v14;
	v9 =	vsel vm1, $0x3F800000, v55  }
0x12: {  	s19 =	simm.s32 $0x810;
	s20 =	simm.s32 $0xA10;
	s21 =	simm.s32 $0xE10;
	vm1 =	vcmask $0x3730;
	v14 =	vunpack.c.l.s4.s8 v57;
	v4 =	vand.u32 $0xF, v0  }
0x13: {  	s22 =	simm.s32 $0xC10;
	s23 =	simm.s32 $0x1010;
	s24 =	simm.s32 $0x2;
	[tilespmem:$0x1FF80] =	vst v0;
	v0 =	vcombine.low v7, v11;
	v17 =	vsel vm1, $0x3F800000, v9;
	vm1 =	vcmask $0x300  }
0x14: {  	s26 =	simm.s32 $0x1210;
	s28 =	simm.s32 $0x4;
	[smem:$0x7FF] =	sst s5;
	v11 =	vcombine.low v53, v52;
	v10 =	vsel vm1, $0x3F800000, v10;
	vm1 =	vcmask $0xB08  }
0x15: {  	s30 =	simm.s32 $0x0;
	s6 =	sadd.s32 $0x1313400, s8;
	s7 =	sadd.s32 $0xF42A00, s8;
	v14 =	vunpack.c.0.s8.s32 v14;
	v10 =	vsel vm1, $0x3F800000, v10;
	vm1 =	vcmask $0x1310  }
0x16: {  	s11 =	sand.u32 $0x1, s11;
	s15 =	sshll.u32 s25, $0x6;
	_ =	strace $0x80000047;
	[tilespmem:$0x1FFB0] =	vst v17;
	v63 =	vand.u32 $0xF, v0;
	v10 =	vsel vm1, $0x3F800000, v10;
	vm1 =	vcmask $0x1B18  }
0x17: {  	p0 =	sne.s32 s25, $0x0;
	s25 =	simm.s32 $0x3;
	s12 =	sshll.u32 s11, $0x1;
	[tilespmem:$0x1FFE0] =	vst v61;
	v21 =	vand.u32 $0xF, v11;
	v15 =	vsel vm1, $0x3F800000, v10;
	vm1 =	vcmask $0x2320  }
0x18: {  	s13 =	ssub.s32 $0x2, s11;
	s11 =	sshll.u32 s11, $0xA;
	s31 =	sshrl.u32 s15, $0x2;
	[tilespmem:$0x1FF90] =	vst v0;
	v0 =	vcombine.low v14, v13;
	v15 =	vsel vm1, $0x3F800000, v15;
	vm1 =	vcmask $0x2B28  }
0x19: {  	v8 =	vunpack.c.0.s8.s32 v8;
	s14 =	sshrl.u32 s13, $0x1;
	s12 =	sadd.s32 s12, s8;
	s11 =	sor.u32 s15, s11;
	[tilespmem:$0x1FFC0] =	vst v21;
	v58 =	vsel vm1, $0x3F800000, v15;
	vm1 =	vcmask $0x3330  }
0x1a: {  	s15 =	simm.s32 $0x400;
	s13 =	ssub.s32 s13, s14;
	s8 =	sadd.s32 s3, s11;
	[tilespmem:$0x1FFA0] =	vst v0;
	v60 =	vand.u32 $0xF, v0;
	v15 =	vsel vm1, $0x3F800000, v58;
	vm1 =	vcmask $0x3B38  }
0x1b: {  	s9 =	sadd.s32 s9, s11;
	s10 =	sadd.s32 s10, s11;
	s11 =	sadd.s32 s31, s4;
	[tilespmem:$0x1FFD0] =	vst v60;
	v13 =	vsel vm1, $0x3F800000, v15  }
0x1c: {  	vm0 =	vmmov $0xffff;
	v5 =	vcombine.low v8, v5;
	s12 =	sadd.s32 $0x600, s12;
	s14 =	simm.s32 $0x200;
	v2 =	vand.u32 $0x7, v12;
	s13 =	smax.u32 s13, $0x1;
	[tilespmem:$0x1FFF0] =	vst v13  }
.LBB2_1:
0x1d: {  	[tilespmem:s5], [sflag:$0x1] =	stream.linear.gather [hbm4b:s8+s5], $0x200, $0x38;
	[tilespmem:$0x1330] =	vst v63  }
0x1e: {  	_ = 	snop  }
0x1f: {  	[tilespmem:s14], [sflag:$0x1] =	stream.linear.gather [hbm4b:s9+s5], $0x200, $0x38;
	[tilespmem:$0x1330] =	vst v63  }
0x20: {  	_ = 	snop  }
0x21: {  	[tilespmem:s15], [sflag:$0x1] =	stream.linear.gather [hbm4b:s10+s5], $0x200, $0x38;
	[tilespmem:$0x1330] =	vst v63  }
0x22: {  	_ = 	snop  }
0x23: {  	[tilespmem:s16], [sflag:$0x1] =	stream.linear.gather [hbm4b:s0+s5], $0x10, $0x38;
	[tilespmem:$0x1330] =	vst v63  }
0x24: {  	_ =	swait.ge [sflag:s17], $0x200  }
0x25: {  	[sflag:s17] =	ssyncset.done $0x0  }
0x26: {  	[sflag:s17] =	ssyncadd.s32 $0xFFFFFE00  }
0x27: {  	_ =	swait.ge [sflag:s17], $0x200  }
0x28: {  	[sflag:s17] =	ssyncset.done $0x0  }
0x29: {  	[sflag:s17] =	ssyncadd.s32 $0xFFFFFE00  }
0x2a: {  	_ =	swait.ge [sflag:s17], $0x200  }
0x2b: {  	[sflag:s17] =	ssyncset.done $0x0  }
0x2c: {  	[sflag:s17] =	ssyncadd.s32 $0xFFFFFE00  }
0x2d: {  	_ =	swait.ge [sflag:s17], $0x10  }
0x2e: {  	[sflag:s17] =	ssyncset.done $0x0  }
0x2f: {  	[sflag:s17] =	ssyncadd.s32 $0xFFFFFFF0  }
0x30: {  	[tilespmem:s18], [sflag:$0x1] =	stream.indirect.gather [hbm4b:s1+s14], $0x1, s5, s14, $0xb8;
	[tilespmem:$0x1330] =	vst v63  }
0x31: {  	_ = 	snop  }
0x32: {  	[tilespmem:s19], [sflag:$0x1] =	stream.indirect.gather [hbm4b:s2+s14], $0x1, s14, s14, $0xb8;
	[tilespmem:$0x1330] =	vst v63  }
0x33: {  	v15 =	vld [tilespmem:$0x0];
	_ =	sdelay $0x1  }
0x34: {  	v16 =	vld [tilespmem:$0x200];
	_ =	sdelay $0x5  }
0x35: {  	[tilespmem:s20], [sflag:$0x2] =	stream.indirect_vreg.gather [hbm4b:s6+s5], $0x20, v15, vm0, $0xb8;
	[tilespmem:$0x1330] =	vst v63  }
0x36: {  	_ = 	snop  }
0x37: {  	[tilespmem:s21], [sflag:$0x2] =	stream.indirect_vreg.gather [hbm4b:s7+s5], $0x20, v16, vm0, $0xb8;
	[tilespmem:$0x1330] =	vst v63  }
0x38: {  	_ =	swait.ge [sflag:s17], $0x200  }
0x39: {  	[sflag:s17] =	ssyncset.done $0x0  }
0x3a: {  	[sflag:s17] =	ssyncadd.s32 $0xFFFFFE00  }
0x3b: {  	_ =	swait.ge [sflag:s17], $0x200  }
0x3c: {  	[sflag:s17] =	ssyncset.done $0x0  }
0x3d: {  	[sflag:s17] =	ssyncadd.s32 $0xFFFFFE00  }
0x3e: {  	v0 =	vld [tilespmem:$0x600];
	_ =	sdelay $0x4  }
0x3f: {  	s31 =	simm.s32 $0x0;
	[tilespmem:$0x1FF70] =	vst v0;
	v0 =	vmul.f32 $0.0e+00, v0  }
.LBB2_2:
0x40: {  	s3 =	sshra.s32 s31, $0x2  }
0x41: {  	v17 =	vld [tilespmem:s3+$0x10];
	_ =	sdelay $0x1  }
0x42: {  	v18 =	vld [tilespmem:s3+$0x210];
	_ =	sdelay $0x5  }
0x43: {  	[tilespmem:s22], [sflag:$0x3] =	stream.indirect_vreg.gather [hbm4b:s6+s5], $0x20, v17, vm0, $0xb8;
	[tilespmem:$0x1330] =	vst v63  }
0x44: {  	[tilespmem:$0x1FF60] =	vst v0  }
0x45: {  	[tilespmem:s23], [sflag:$0x3] =	stream.indirect_vreg.gather [hbm4b:s7+s5], $0x20, v18, vm0, $0xb8;
	[tilespmem:$0x1330] =	vst v63  }
0x46: {  	_ =	swait.ge [sflag:s24], $0x200  }
0x47: {  	[sflag:s24] =	ssyncset.done $0x0  }
0x48: {  	[sflag:s24] =	ssyncadd.s32 $0xFFFFFE00  }
0x49: {  	_ =	swait.ge [sflag:s24], $0x200  }
0x4a: {  	[sflag:s24] =	ssyncset.done $0x0  }
0x4b: {  	[sflag:s24] =	ssyncadd.s32 $0xFFFFFE00  }
0x4c: {  	v0 =	vld [tilespmem:$0xA10]  }
0x4d: {  	v22 =	vld [tilespmem:$0xA20]  }
0x4e: {  	v23 =	vld [tilespmem:$0xE20]  }
0x4f: {  	v24 =	vld [tilespmem:$0xB10]  }
0x50: {  	v25 =	vld [tilespmem:$0xF10]  }
0x51: {  	v26 =	vld [tilespmem:$0xB20]  }
0x52: {  	v27 =	vld [tilespmem:$0xF20]  }
0x53: {  	v28 =	vld [tilespmem:$0xA90]  }
0x54: {  	v29 =	vld [tilespmem:$0xE90]  }
0x55: {  	v30 =	vld [tilespmem:$0xAA0]  }
0x56: {  	v31 =	vld [tilespmem:$0xEA0]  }
0x57: {  	v32 =	vld [tilespmem:$0xB90]  }
0x58: {  	v33 =	vld [tilespmem:$0xF90]  }
0x59: {  	v34 =	vld [tilespmem:$0xBA0]  }
0x5a: {  	v35 =	vld [tilespmem:$0xFA0]  }
0x5b: {  	v36 =	vld [tilespmem:$0xA50]  }
0x5c: {  	v37 =	vld [tilespmem:$0xE50]  }
0x5d: {  	v38 =	vld [tilespmem:$0xA60]  }
0x5e: {  	v39 =	vld [tilespmem:$0xE60]  }
0x5f: {  	v40 =	vld [tilespmem:$0xB50]  }
0x60: {  	v41 =	vld [tilespmem:$0xF50]  }
0x61: {  	v42 =	vld [tilespmem:$0xB60]  }
0x62: {  	v43 =	vld [tilespmem:$0xF60]  }
0x63: {  	v44 =	vld [tilespmem:$0xAD0]  }
0x64: {  	v45 =	vld [tilespmem:$0xED0]  }
0x65: {  	[tilespmem:$0x1FE80] =	vst v0;
	v0 =	vld [tilespmem:$0xE10]  }
0x66: {  	v46 =	vld [tilespmem:$0xAE0]  }
0x67: {  	v47 =	vld [tilespmem:$0xEE0]  }
0x68: {  	v48 =	vld [tilespmem:$0xBD0]  }
0x69: {  	v49 =	vld [tilespmem:$0xFD0]  }
0x6a: {  	[tilespmem:$0x1FE90] =	vst v0;
	v0 =	vld [tilespmem:$0xB70]  }
0x6b: {  	v50 =	vld [tilespmem:$0xBE0]  }
0x6c: {  	v51 =	vld [tilespmem:$0xFE0]  }
0x6d: {  	v52 =	vld [tilespmem:$0xA30]  }
0x6e: {  	v53 =	vld [tilespmem:$0xE30]  }
0x6f: {  	[tilespmem:$0x1FEA0] =	vst v0;
	v0 =	vld [tilespmem:$0xF70]  }
0x70: {  	v54 =	vld [tilespmem:$0xA40]  }
0x71: {  	v55 =	vld [tilespmem:$0xE40]  }
0x72: {  	v56 =	vld [tilespmem:$0xB30]  }
0x73: {  	v57 =	vld [tilespmem:$0xF30]  }
0x74: {  	[tilespmem:$0x1FEB0] =	vst v0;
	v0 =	vld [tilespmem:$0xAF0]  }
0x75: {  	v58 =	vld [tilespmem:$0xB40]  }
0x76: {  	v59 =	vld [tilespmem:$0xF40]  }
0x77: {  	v60 =	vld [tilespmem:$0xAB0]  }
0x78: {  	v16 =	vld [tilespmem:$0xC00]  }
0x79: {  	[tilespmem:$0x1FEC0] =	vst v0;
	v0 =	vld [tilespmem:$0xB00]  }
0x7a: {  	v61 =	vld [tilespmem:$0xEB0]  }
0x7b: {  	v8 =	vld [tilespmem:$0xAC0]  }
0x7c: {  	v6 =	vld [tilespmem:$0xEC0]  }
0x7d: {  	[tilespmem:$0x1FF00] =	vst v16;
	v16 =	vld [tilespmem:$0x1000]  }
0x7e: {  	[tilespmem:$0x1FED0] =	vst v0;
	v0 =	vld [tilespmem:$0xF00]  }
0x7f: {  	v10 =	vld [tilespmem:$0xBB0]  }
0x80: {  	v7 =	vld [tilespmem:$0xFB0]  }
0x81: {  	v11 =	vld [tilespmem:$0xBC0]  }
0x82: {  	[tilespmem:$0x1FF10] =	vst v16;
	v16 =	vld [tilespmem:s3+$0x610]  }
0x83: {  	[tilespmem:$0x1FEE0] =	vst v0;
	v0 =	vld [tilespmem:$0xBF0]  }
0x84: {  	v14 =	vld [tilespmem:$0xFC0]  }
0x85: {  	v15 =	vld [tilespmem:$0xA70]  }
0x86: {  	p1 =	seq.s32 s31, $0x780;
	v9 =	vld [tilespmem:$0xE70]  }
0x87: {  	s4 =	sshra.s32 @!p1 s31, $0x2;
	[tilespmem:$0x1FF30] =	vst v16;
	v16 =	vld [tilespmem:s3+$0x810]  }
0x88: {  	[tilespmem:$0x1FEF0] =	vst v0;
	v0 =	vld @!p1 [tilespmem:s4+$0x20]  }
0x89: {  	v19 =	vld [tilespmem:$0xA80]  }
0x8a: {  	v3 =	vld @!p1 [tilespmem:s4+$0x220]  }
0x8b: {  	v12 =	vld [tilespmem:$0xE80]  }
0x8c: {  	[tilespmem:$0x1FF40] =	vst v16;
	v16 =	vld [tilespmem:s3+$0x400]  }
0x8d: {  	v18 =	vld [tilespmem:$0xB80]  }
0x8e: {  	v13 =	vld [tilespmem:$0xF80]  }
0x8f: {  	vm1 =	vmmov @!p1 $0xffff;
	s29 =	simm.s32 @!p1 $0xA10;
	v17 =	vld [tilespmem:$0xEF0];
	s4 =	simm.s32 @!p1 $0x0  }
0x90: {  	v21 =	vld [tilespmem:$0xFF0];
	[tilespmem:s29], [sflag:$0x2] =	stream.indirect_vreg.gather @!p1 [hbm4b:s6+s4], $0x20, v0, vm1, $0xb8  }
0x91: {  	[tilespmem:$0x1FF50] =	vst v16;
	s29 =	simm.s32 @!p1 $0xE10  }
0x92: {  	[tilespmem:s29], [sflag:$0x2] =	stream.indirect_vreg.gather @!p1 [hbm4b:s7+s4], $0x20, v3, vm1, $0xb8;
	[tilespmem:$0x1330] =	vst v63  }
0x93: {  	_ =	swait.ge [sflag:s25], $0x200  }
0x94: {  	[sflag:s25] =	ssyncset.done $0x0  }
0x95: {  	[sflag:s25] =	ssyncadd.s32 $0xFFFFFE00  }
0x96: {  	_ =	swait.ge [sflag:s25], $0x200  }
0x97: {  	v24 =	vmul.f32 v25, v24;
	v25 =	vmul.f32 v27, v26;
	v0 =	vld [tilespmem:$0x1FE80]  }
0x98: {  	v27 =	vmul.f32 v31, v30;
	v30 =	vmul.f32 v37, v36;
	v3 =	vld [tilespmem:$0x1FE90]  }
0x99: {  	v36 =	vmul.f32 v49, v48;
	v53 =	vmul.f32 v53, v52;
	v49 =	vld [tilespmem:$0x1FEA0]  }
0x9a: {  	v55 =	vmul.f32 v55, v54;
	v16 =	vmul.f32 v51, v50;
	v50 =	vld [tilespmem:$0x1FEB0]  }
0x9b: {  	v60 =	vmul.f32 v61, v60;
	v61 =	vmul.f32 v6, v8;
	v52 =	vld [tilespmem:$0x1FEC0]  }
0x9c: {  	v6 =	vmul.f32 v7, v10;
	v7 =	vmul.f32 v14, v11;
	v14 =	vadd.f32 v55, v53;
	v55 =	vld [tilespmem:$0x1FED0]  }
0x9d: {  	v13 =	vmul.f32 v13, v18;
	[sflag:s25] =	ssyncset.done $0x0;
	v18 =	vld [tilespmem:$0x1FEE0]  }
0x9e: {  	v23 =	vmul.f32 v23, v22;
	v57 =	vmul.f32 v57, v56;
	v56 =	vld [tilespmem:$0x1FEF0];
	[sflag:s25] =	ssyncadd.s32 $0xFFFFFE00  }
0x9f: {  	v26 =	vmul.f32 v29, v28;
	v28 =	vmul.f32 v33, v32;
	v22 =	vld [tilespmem:$0x1010]  }
0xa0: {  	v29 =	vmul.f32 v35, v34;
	v31 =	vmul.f32 v39, v38;
	v39 =	vld [tilespmem:$0xC20]  }
0xa1: {  	v25 =	vadd.f32 v25, v24;
	v24 =	vld [tilespmem:$0xD10]  }
0xa2: {  	v32 =	vmul.f32 v41, v40;
	v40 =	vadd.f32 v29, v28;
	v28 =	vld [tilespmem:$0x1120]  }
0xa3: {  	v33 =	vmul.f32 v43, v42;
	v34 =	vmul.f32 v45, v44;
	v29 =	vld [tilespmem:$0xC90]  }
0xa4: {  	v9 =	vmul.f32 v9, v15;
	v12 =	vmul.f32 v12, v19;
	v42 =	vadd.f32 v31, v30;
	v30 =	vld [tilespmem:$0x1090]  }
0xa5: {  	v35 =	vmul.f32 v47, v46;
	v59 =	vmul.f32 v59, v58;
	v31 =	vld [tilespmem:$0xCA0]  }
0xa6: {  	v45 =	vadd.f32 v33, v32;
	v9 =	vadd.f32 v12, v9;
	v58 =	vperm.xlane v40, v1;
	v32 =	vld [tilespmem:$0x10A0]  }
0xa7: {  	v48 =	vadd.f32 v35, v34;
	v19 =	vperm.xlane v25, v1;
	v33 =	vld [tilespmem:$0xD90]  }
0xa8: {  	v43 =	vadd.f32 v59, v57;
	v15 =	vadd.f32 v58, v40;
	v58 =	vperm.xlane v9, v1;
	v34 =	vld [tilespmem:$0x1190]  }
0xa9: {  	v6 =	vadd.f32 v7, v6;
	v59 =	vperm.xlane v45, v1;
	v54 =	vadd.f32 v19, v25;
	v35 =	vld [tilespmem:$0xDA0]  }
0xaa: {  	v19 =	vperm.xlane v42, v1;
	v9 =	vadd.f32 v58, v9;
	v11 =	vadd.f32 v16, v36;
	v36 =	vld [tilespmem:$0x11A0]  }
0xab: {  	v25 =	vadd.f32 v59, v45;
	v7 =	vperm.xlane v54, v2;
	v54 =	vperm.xlane v14, v1;
	v41 =	vld [tilespmem:$0xD50]  }
0xac: {  	v19 =	vadd.f32 v19, v42;
	v15 =	vperm.xlane v15, v2;
	v9 =	vperm.xlane v9, v2;
	v45 =	vld [tilespmem:$0xD60]  }
0xad: {  	v14 =	vadd.f32 v54, v14;
	v42 =	vld [tilespmem:$0xCD0];
	v3 =	vmul.f32 v3, v0;
	v51 =	vmul.f32 v50, v49  }
0xae: {  	v47 =	vld [tilespmem:$0xDE0];
	v53 =	vmul.f32 v17, v52;
	v17 =	vadd.f32 v61, v60;
	v18 =	vmul.f32 v18, v55  }
0xaf: {  	v8 =	vmul.f32 v21, v56;
	v21 =	vld [tilespmem:$0x1FF00];
	v52 =	vperm.xlane v48, v1;
	v3 =	vadd.f32 v23, v3  }
0xb0: {  	v60 =	vld [tilespmem:$0x1FF10];
	v55 =	vperm.xlane v43, v1;
	[tilespmem:$0x1FF20] =	vst v39;
	v39 =	vadd.f32 v27, v26;
	v13 =	vadd.f32 v13, v51  }
0xb1: {  	v50 =	vld [tilespmem:$0x11E0];
	v10 =	vadd.f32 v18, v53;
	v51 =	vperm.xlane v19, v2;
	v18 =	vperm.xlane v25, v2  }
0xb2: {  	v46 =	vld [tilespmem:$0x10D0];
	v53 =	vperm.xlane v11, v1;
	v25 =	vadd.f32 v52, v48;
	v56 =	vperm.xlane v17, v1  }
0xb3: {  	v19 =	vld [tilespmem:$0x1150];
	v43 =	vadd.f32 v55, v43;
	v34 =	vmul.f32 v34, v33;
	v36 =	vmul.f32 v36, v35  }
0xb4: {  	v49 =	vld [tilespmem:$0x1160];
	v38 =	vperm.xlane v3, v1;
	v57 =	vperm.xlane v39, v1;
	v16 =	vsub.f32 v51, v18  }
0xb5: {  	v37 =	vld [tilespmem:$0xC50];
	v11 =	vadd.f32 v53, v11;
	v25 =	vperm.xlane v25, v2;
	v59 =	vperm.xlane v13, v1  }
0xb6: {  	v40 =	vld [tilespmem:$0x1060];
	v61 =	vmul.f32 v60, v21;
	v50 =	vmul.f32 v50, v47;
	v3 =	vadd.f32 v38, v3  }
0xb7: {  	v48 =	vld [tilespmem:$0xDD0];
	v12 =	vadd.f32 v57, v39;
	v16 =	vmul.f32 v20, v16;
	v11 =	vperm.xlane v11, v2  }
0xb8: {  	v51 =	vld [tilespmem:$0x11D0];
	v57 =	vperm.xlane v6, v1;
	v13 =	vadd.f32 v59, v13;
	v19 =	vmul.f32 v19, v41  }
0xb9: {  	v44 =	vld [tilespmem:$0xCE0];
	v8 =	vadd.f32 v61, v8;
	v41 =	vmul.f32 v49, v45;
	v45 =	vmul.f32 v46, v42  }
0xba: {  	v38 =	vld [tilespmem:$0x1050];
	v3 =	vperm.xlane v3, v2;
	v12 =	vperm.xlane v12, v2;
	v25 =	vsub.f32 v25, v11  }
0xbb: {  	v39 =	vld [tilespmem:$0xC60];
	v6 =	vadd.f32 v57, v6;
	v16 =	vadd.f32 v16, v18;
	v18 =	vperm.xlane v10, v1  }
0xbc: {  	v58 =	vld [tilespmem:$0xCB0];
	v13 =	vperm.xlane v13, v2;
	v60 =	vperm.xlane v8, v1;
	v19 =	vadd.f32 v41, v19  }
0xbd: {  	v0 =	vld [tilespmem:$0xC10];
	v49 =	vmul.f32 v51, v48;
	v3 =	vsub.f32 v3, v7;
	v12 =	vsub.f32 v12, v15  }
0xbe: {  	v23 =	vld [tilespmem:$0x1020];
	v25 =	vmul.f32 v20, v25;
	v6 =	vperm.xlane v6, v2;
	v10 =	vadd.f32 v18, v10  }
0xbf: {  	v33 =	vld [tilespmem:$0xD80];
	v61 =	vperm.xlane v16, v4;
	v9 =	vsub.f32 v9, v13;
	v38 =	vmul.f32 v38, v37  }
0xc0: {  	v51 =	vld [tilespmem:$0x1180];
	v8 =	vadd.f32 v60, v8;
	v40 =	vmul.f32 v40, v39;
	v3 =	vmul.f32 v20, v3  }
0xc1: {  	v26 =	vld [tilespmem:$0x1110];
	v12 =	vmul.f32 v20, v12;
	v11 =	vadd.f32 v25, v11;
	v10 =	vperm.xlane v10, v2  }
0xc2: {  	v52 =	vld [tilespmem:$0x1030];
	v16 =	vadd.f32 v61, v16;
	v9 =	vmul.f32 v20, v9;
	v8 =	vperm.xlane v8, v2  }
0xc3: {  	v59 =	vld [tilespmem:$0x10B0];
	v3 =	vadd.f32 v3, v7;
	v7 =	vperm.xlane v14, v2;
	v14 =	vperm.xlane v43, v2  }
0xc4: {  	v43 =	vld [tilespmem:$0x10E0];
	v12 =	vadd.f32 v12, v15;
	v15 =	vadd.f32 v56, v17;
	v60 =	vperm.xlane v11, v4  }
0xc5: {  	v17 =	vld [tilespmem:$0xC30];
	v16 =	vperm.xlane v16, v5;
	v9 =	vadd.f32 v9, v13;
	v48 =	vmul.f32 v51, v33  }
0xc6: {  	v27 =	vld [tilespmem:$0xD20];
	v10 =	vsub.f32 v10, v8;
	v7 =	vsub.f32 v7, v14;
	v18 =	vperm.xlane v3, v4  }
0xc7: {  	v55 =	vld [tilespmem:$0x1040];
	v15 =	vperm.xlane v15, v2;
	v54 =	vperm.xlane v12, v4;
	v11 =	vadd.f32 v60, v11  }
0xc8: {  	v53 =	vld [tilespmem:$0xC40];
	v10 =	vmul.f32 v20, v10;
	v7 =	vmul.f32 v20, v7;
	v3 =	vadd.f32 v18, v3  }
0xc9: {  	v57 =	vld [tilespmem:$0xD30];
	v12 =	vadd.f32 v54, v12;
	v11 =	vperm.xlane v11, v5;
	v46 =	vmul.f32 v43, v44  }
0xca: {  	v56 =	vld [tilespmem:$0x1140];
	v15 =	vsub.f32 v15, v6;
	v17 =	vmul.f32 v52, v17;
	v44 =	vmul.f32 v59, v58  }
0xcb: {  	v18 =	vld [tilespmem:$0x1130];
	v8 =	vadd.f32 v10, v8;
	v59 =	vperm.xlane v19, v1;
	v3 =	vperm.xlane v3, v5  }
0xcc: {  	v54 =	vld [tilespmem:$0xD40];
	v12 =	vperm.xlane v12, v5;
	v7 =	vadd.f32 v7, v14;
	v61 =	vsub.f32 v16, v11  }
0xcd: {  	v41 =	vld [tilespmem:$0xCF0];
	v15 =	vmul.f32 v20, v15;
	v10 =	vperm.xlane v8, v4;
	v19 =	vadd.f32 v59, v19  }
0xce: {  	v13 =	vld [tilespmem:$0xDC0];
	v3 =	vsub.f32 v3, v12;
	v25 =	vmul.f32 v62, v61;
	v14 =	vperm.xlane v7, v4  }
0xcf: {  	v60 =	vld [tilespmem:$0xDB0];
	v21 =	vadd.f32 v10, v8;
	v8 =	vmul.f32 v26, v24;
	v10 =	vmul.f32 v28, v27  }
0xd0: {  	v16 =	vld [tilespmem:$0xCC0];
	v6 =	vadd.f32 v15, v6;
	v24 =	vmul.f32 v32, v31;
	v18 =	vmul.f32 v18, v57  }
0xd1: {  	v15 =	vld [tilespmem:$0x10C0];
	v27 =	vadd.f32 v46, v45;
	v42 =	vmul.f32 v56, v54;
	v19 =	vperm.xlane v19, v2  }
0xd2: {  	v26 =	vld [tilespmem:$0xC80];
	v3 =	vmul.f32 v62, v3;
	v61 =	vperm.xlane v6, v4;
	v25 =	vadd.f32 v25, v11  }
0xd3: {  	v28 =	vld [tilespmem:$0x1080];
	v7 =	vadd.f32 v14, v7;
	v11 =	vperm.xlane v9, v4;
	v14 =	vmul.f32 v22, v0  }
0xd4: {  	v43 =	vld [tilespmem:$0x10F0];
	v8 =	vadd.f32 v10, v8;
	v10 =	vadd.f32 v40, v38;
	v40 =	vmul.f32 v55, v53  }
0xd5: {  	v58 =	vld [tilespmem:$0x1200];
	v46 =	vadd.f32 v42, v18;
	v32 =	vperm.xlane v21, v5;
	v3 =	vadd.f32 v3, v12  }
0xd6: {  	v12 =	vld [tilespmem:$0x11B0];
	v6 =	vadd.f32 v61, v6;
	v7 =	vperm.xlane v7, v5;
	v15 =	vmul.f32 v15, v16  }
0xd7: {  	v22 =	vadd.f32 v11, v9;
	v9 =	vld [tilespmem:$0x1FF20];
	v53 =	vperm.xlane v8, v1;
	v57 =	vperm.xlane v10, v1  }
0xd8: {  	v61 =	vld [tilespmem:$0x11C0];
	v45 =	vadd.f32 v40, v17;
	v0 =	vperm.xlane v3, v63;
	v18 =	vmul.f32 v28, v26  }
0xd9: {  	v55 =	vld [tilespmem:$0xE00];
	v26 =	vperm.xlane v27, v1;
	v6 =	vperm.xlane v6, v5;
	v15 =	vadd.f32 v15, v44  }
0xda: {  	v22 =	vperm.xlane v22, v5;
	v8 =	vadd.f32 v53, v8;
	v0 =	vadd.f32 v0, v3  }
0xdb: {  	v31 =	vld [tilespmem:$0x1170];
	v3 =	vmul.f32 v30, v29;
	v29 =	vadd.f32 v50, v49;
	v50 =	vmul.f32 v43, v41  }
0xdc: {  	v10 =	vadd.f32 v57, v10;
	v30 =	vld [tilespmem:$0xD70];
	v9 =	vmul.f32 v23, v9;
	v12 =	vmul.f32 v12, v60  }
0xdd: {  	v11 =	vld [tilespmem:$0xC70];
	v7 =	vsub.f32 v7, v6;
	v13 =	vmul.f32 v61, v13;
	v8 =	vperm.xlane v8, v2  }
0xde: {  	v23 =	vld [tilespmem:$0x1070];
	v10 =	vperm.xlane v10, v2;
	v60 =	vmul.f32 v58, v55;
	v3 =	vadd.f32 v24, v3  }
0xdf: {  	v28 =	vperm.xlane v29, v1;
	v7 =	vmul.f32 v62, v7;
	v9 =	vadd.f32 v9, v14  }
0xe0: {  	v14 =	vadd.f32 v36, v34;
	v10 =	vsub.f32 v10, v19;
	v54 =	vperm.xlane v3, v1  }
0xe1: {  	v51 =	vld [tilespmem:$0xDF0];
	v6 =	vadd.f32 v7, v6;
	v47 =	vmul.f32 v31, v30;
	v52 =	vperm.xlane v9, v1  }
0xe2: {  	v21 =	vld [tilespmem:$0x1FFC0];
	v56 =	vperm.xlane v14, v1;
	v61 =	vmul.f32 v20, v10;
	v10 =	vadd.f32 v26, v27  }
0xe3: {  	v49 =	vld [tilespmem:$0x1100];
	v30 =	vperm.xlane v15, v1;
	v11 =	vmul.f32 v23, v11;
	v9 =	vadd.f32 v52, v9  }
0xe4: {  	v23 =	vld [tilespmem:$0xD00];
	v3 =	vadd.f32 v54, v3;
	v41 =	vperm.xlane v6, v63;
	v14 =	vadd.f32 v56, v14  }
0xe5: {  	v15 =	vadd.f32 v30, v15;
	v11 =	vadd.f32 v18, v11;
	v18 =	vld [tilespmem:$0x11F0];
	v9 =	vperm.xlane v9, v2  }
0xe6: {  	v3 =	vperm.xlane v3, v2;
	v6 =	vadd.f32 v41, v6;
	v14 =	vperm.xlane v14, v2  }
0xe7: {  	v0 =	vperm.xlane v0, v21;
	v10 =	vperm.xlane v10, v2;
	v9 =	vsub.f32 v9, v8  }
0xe8: {  	v15 =	vperm.xlane v15, v2;
	v6 =	vperm.xlane v6, v21;
	v3 =	vsub.f32 v3, v14  }
0xe9: {  	v33 =	vsub.f32 v22, v32;
	v23 =	vmul.f32 v49, v23;
	v9 =	vmul.f32 v20, v9  }
0xea: {  	v12 =	vadd.f32 v13, v12;
	v18 =	vmul.f32 v18, v51;
	v3 =	vmul.f32 v20, v3  }
0xeb: {  	v13 =	vadd.f32 v23, v50;
	v23 =	vperm.xlane v46, v1;
	v8 =	vadd.f32 v9, v8  }
0xec: {  	v3 =	vadd.f32 v3, v14;
	v9 =	vadd.f32 v61, v19;
	v19 =	vperm.xlane v45, v1  }
0xed: {  	v14 =	vadd.f32 v28, v29;
	v17 =	vadd.f32 v23, v46;
	v23 =	vperm.xlane v11, v1  }
0xee: {  	v18 =	vadd.f32 v60, v18;
	v16 =	vadd.f32 v19, v45;
	v19 =	vperm.xlane v12, v1  }
0xef: {  	v11 =	vadd.f32 v23, v11;
	v23 =	vperm.xlane v13, v1;
	v14 =	vperm.xlane v14, v2  }
0xf0: {  	v24 =	vadd.f32 v48, v47;
	v31 =	vperm.xlane v18, v1;
	v17 =	vperm.xlane v17, v2  }
0xf1: {  	v34 =	vperm.xlane v8, v4;
	v35 =	vperm.xlane v9, v4;
	v12 =	vadd.f32 v19, v12  }
0xf2: {  	v19 =	vperm.xlane v24, v1;
	v13 =	vadd.f32 v23, v13;
	v16 =	vperm.xlane v16, v2  }
0xf3: {  	v18 =	vadd.f32 v31, v18;
	v10 =	vsub.f32 v10, v14;
	v11 =	vperm.xlane v11, v2  }
0xf4: {  	v8 =	vadd.f32 v34, v8;
	v19 =	vadd.f32 v19, v24;
	v12 =	vperm.xlane v12, v2  }
0xf5: {  	v9 =	vadd.f32 v35, v9;
	v13 =	vperm.xlane v13, v2;
	v18 =	vperm.xlane v18, v2  }
0xf6: {  	v16 =	vsub.f32 v16, v17;
	v10 =	vmul.f32 v20, v10;
	v19 =	vperm.xlane v19, v2  }
0xf7: {  	v8 =	vperm.xlane v8, v5;
	v15 =	vsub.f32 v15, v12;
	v13 =	vsub.f32 v13, v18  }
0xf8: {  	v9 =	vperm.xlane v9, v5;
	v16 =	vmul.f32 v20, v16;
	v11 =	vsub.f32 v11, v19  }
0xf9: {  	v10 =	vadd.f32 v10, v14;
	v15 =	vmul.f32 v20, v15;
	v13 =	vmul.f32 v20, v13  }
0xfa: {  	v16 =	vadd.f32 v16, v17;
	v17 =	vmul.f32 v62, v33;
	v11 =	vmul.f32 v20, v11  }
0xfb: {  	v12 =	vadd.f32 v15, v12;
	v13 =	vadd.f32 v13, v18;
	v18 =	vperm.xlane v3, v4  }
0xfc: {  	v14 =	vadd.f32 v17, v32;
	v11 =	vadd.f32 v11, v19;
	v19 =	vperm.xlane v10, v4  }
0xfd: {  	v3 =	vadd.f32 v18, v3;
	v18 =	vperm.xlane v16, v4;
	v36 =	vperm.xlane v12, v4  }
0xfe: {  	v37 =	vperm.xlane v13, v4;
	v44 =	vperm.xlane v14, v63;
	v10 =	vadd.f32 v19, v10  }
0xff: {  	v19 =	vperm.xlane v25, v63;
	v16 =	vadd.f32 v18, v16;
	v18 =	vperm.xlane v11, v4  }
0x100: {  	v12 =	vadd.f32 v36, v12;
	v3 =	vperm.xlane v3, v5;
	v13 =	vadd.f32 v37, v13  }
0x101: {  	v11 =	vadd.f32 v18, v11;
	v10 =	vperm.xlane v10, v5;
	v38 =	vadd.f32 v19, v25  }
0x102: {  	v16 =	vperm.xlane v16, v5;
	v12 =	vperm.xlane v12, v5;
	v8 =	vsub.f32 v8, v3  }
0x103: {  	v39 =	vperm.xlane v13, v5;
	v7 =	vperm.xlane v11, v5;
	v9 =	vsub.f32 v9, v10  }
0x104: {  	v42 =	vld [tilespmem:$0x1FFB0];
	v40 =	vperm.xlane v38, v21;
	v16 =	vsub.f32 v16, v12;
	v8 =	vmul.f32 v62, v8  }
0x105: {  	v47 =	vadd.f32 v44, v14;
	v7 =	vsub.f32 v7, v39;
	v9 =	vmul.f32 v62, v9  }
0x106: {  	v43 =	vmul.f32 v62, v16;
	v3 =	vadd.f32 v8, v3;
	v0 =	vsub.f32 v0, v40  }
0x107: {  	v7 =	vmul.f32 v62, v7;
	v45 =	vadd.f32 v9, v10;
	v10 =	vperm.xlane v47, v21  }
0x108: {  	v52 =	vld [tilespmem:$0x1FFD0];
	v46 =	vadd.f32 v43, v12;
	v48 =	vperm.xlane v3, v63  }
0x109: {  	v0 =	vmul.f32 v42, v0;
	v7 =	vadd.f32 v7, v39;
	v6 =	vsub.f32 v6, v10  }
0x10a: {  	v49 =	vperm.xlane v45, v63;
	v50 =	vperm.xlane v46, v63;
	v3 =	vadd.f32 v48, v3  }
0x10b: {  	v0 =	vadd.f32 v0, v40;
	v51 =	vperm.xlane v7, v63;
	v6 =	vmul.f32 v42, v6  }
0x10c: {  	v8 =	vadd.f32 v49, v45;
	v9 =	vadd.f32 v50, v46;
	v3 =	vperm.xlane v3, v21  }
0x10d: {  	v56 =	vld [tilespmem:$0x1FFE0];
	v54 =	vperm.xlane v0, v52;
	v7 =	vadd.f32 v51, v7;
	v6 =	vadd.f32 v6, v10  }
0x10e: {  	v8 =	vperm.xlane v8, v21;
	v9 =	vperm.xlane v9, v21  }
0x10f: {  	v7 =	vperm.xlane v7, v21;
	v55 =	vperm.xlane v6, v52  }
0x110: {  	v0 =	vadd.f32 v54, v0;
	v3 =	vsub.f32 v3, v8  }
0x111: {  	v9 =	vsub.f32 v9, v7;
	v6 =	vadd.f32 v6, v55  }
0x112: {  	v53 =	vld [tilespmem:$0x1FFF0];
	v0 =	vperm.xlane v0, v56;
	v3 =	vmul.f32 v42, v3  }
0x113: {  	v9 =	vmul.f32 v42, v9;
	v6 =	vperm.xlane v6, v56  }
0x114: {  	v3 =	vadd.f32 v3, v8  }
0x115: {  	v7 =	vadd.f32 v9, v7;
	v0 =	vsub.f32 v0, v6  }
0x116: {  	v59 =	vld [tilespmem:$0x1FF30];
	v8 =	vperm.xlane v3, v52  }
0x117: {  	v58 =	vld [tilespmem:$0x1FF70];
	v9 =	vperm.xlane v7, v52;
	v0 =	vmul.f32 v53, v0  }
0x118: {  	v3 =	vadd.f32 v8, v3  }
0x119: {  	v7 =	vadd.f32 v7, v9;
	v0 =	vadd.f32 v0, v6;
	v6 =	vld [tilespmem:$0x1FF40]  }
0x11a: {  	v57 =	vld [tilespmem:s3+$0x620]  }
0x11b: {  	v3 =	vperm.xlane v3, v56;
	v7 =	vperm.xlane v7, v56  }
0x11c: {  	v60 =	vld [tilespmem:s3+$0x820];
	v9 =	vadd.f32 v59, v58  }
0x11d: {  	v3 =	vsub.f32 v3, v7  }
0x11e: {  	v6 =	vadd.f32 v6, v9  }
0x11f: {  	v8 =	vadd.f32 v57, v58;
	v3 =	vmul.f32 v53, v3  }
0x120: {  	v0 =	vadd.f32 v0, v6;
	v6 =	vld [tilespmem:s3+$0x410]  }
0x121: {  	v61 =	vld [tilespmem:$0x1FF50];
	v3 =	vadd.f32 v3, v7;
	v7 =	vadd.f32 v60, v8;
	_ =	sdelay $0x1  }
0x122: {  	v3 =	vadd.f32 v3, v7;
	_ =	sdelay $0x1  }
0x123: {  	v3 =	vsub.f32 v3, v6;
	v6 =	vld [tilespmem:$0x1FF60]  }
0x124: {  	s31 =	sadd.s32 $0x80, s31;
	v0 =	vsub.f32 v0, v61  }
0x125: {  	p1 =	sne.s32 s31, $0x800  }
.Ltmp0:
0x126: {  	v0 =	vmul.f32 v0, v0;
	(pc) =	sbr.rel @p1 .LBB2_2-.Ltmp0, $3  }
0x127: {  	_ = 	snop  }
0x128: {  	v3 =	vmul.f32 v3, v3;
	v0 =	vadd.f32 v0, v6;
	_ =	sdelay $0x1  }
0x129: {  	v0 =	vadd.f32 v3, v0  }
0x12a: {  	_ = 	snop  }
0x12b: {  	[tilespmem:$0x1210] =	vst v0  }
0x12c: {  	[spmem:s11] =	stream.linear.scatter [tilespmem:s26], [sflag:$0x4], $0x10, $0x38;
	[tilespmem:$0x1330] =	vst v63  }
0x12d: {  	_ =	swait.ge [sflag:s28], $0x10  }
0x12e: {  	[sflag:s28] =	ssyncset.done $0x0  }
0x12f: {  	[sflag:s28] =	ssyncadd.s32 $0xFFFFFFF0  }
0x130: {  	[bflag:$0x0] =	sbarrier.arrive $0xFFFF  }
0x131: {  	s4 =	simm.s32 @!p0 $0x1220;
	s3 =	rddreg @!p0 [dreg:$0x7]  }
0x132: {  	[tilespmem:s4], [sflag:$0x4] =	stream.linear.gather @!p0 [spmem:s3], $0x100, $0x38;
	[tilespmem:$0x1330] =	vst v63  }
0x133: {  	_ =	swait.ge @!p0 [sflag:s28], $0x100  }
0x134: {  	[sflag:s28] =	ssyncset.done @!p0 $0x0  }
0x135: {  	[sflag:s28] =	ssyncadd.s32 @!p0 $0xFFFFFF00  }
0x136: {  	v0 =	vld @!p0 [tilespmem:$0x1220]  }
0x137: {  	v3 =	vld @!p0 [tilespmem:$0x1230];
	_ =	sdelay $0x1  }
0x138: {  	v6 =	vld @!p0 [tilespmem:$0x1240];
	_ =	sdelay $0x1  }
0x139: {  	v7 =	vld @!p0 [tilespmem:$0x1250]  }
0x13a: {  	v0 =	vadd.f32 @!p0 v3, v0  }
0x13b: {  	v3 =	vld @!p0 [tilespmem:$0x1260]  }
0x13c: {  	v0 =	vadd.f32 @!p0 v6, v0  }
0x13d: {  	v6 =	vld @!p0 [tilespmem:$0x1270]  }
0x13e: {  	v0 =	vadd.f32 @!p0 v7, v0  }
0x13f: {  	v7 =	vld @!p0 [tilespmem:$0x1280]  }
0x140: {  	v0 =	vadd.f32 @!p0 v3, v0  }
0x141: {  	v3 =	vld @!p0 [tilespmem:$0x1290]  }
0x142: {  	v0 =	vadd.f32 @!p0 v6, v0  }
0x143: {  	v6 =	vld @!p0 [tilespmem:$0x12A0]  }
0x144: {  	v0 =	vadd.f32 @!p0 v7, v0  }
0x145: {  	v7 =	vld @!p0 [tilespmem:$0x12B0]  }
0x146: {  	v0 =	vadd.f32 @!p0 v3, v0  }
0x147: {  	v3 =	vld @!p0 [tilespmem:$0x12C0]  }
0x148: {  	v0 =	vadd.f32 @!p0 v6, v0  }
0x149: {  	v6 =	vld @!p0 [tilespmem:$0x12D0]  }
0x14a: {  	v0 =	vadd.f32 @!p0 v7, v0  }
0x14b: {  	v7 =	vld @!p0 [tilespmem:$0x12E0]  }
0x14c: {  	v0 =	vadd.f32 @!p0 v3, v0  }
0x14d: {  	v3 =	vld @!p0 [tilespmem:$0x12F0]  }
0x14e: {  	v0 =	vadd.f32 @!p0 v6, v0  }
0x14f: {  	v6 =	vld @!p0 [tilespmem:$0x1300]  }
0x150: {  	v0 =	vadd.f32 @!p0 v7, v0  }
0x151: {  	v7 =	vld @!p0 [tilespmem:$0x1310]  }
0x152: {  	v0 =	vadd.f32 @!p0 v3, v0;
	_ =	sdelay $0x1  }
0x153: {  	v0 =	vadd.f32 @!p0 v6, v0;
	_ =	sdelay $0x1  }
0x154: {  	v0 =	vadd.f32 @!p0 v7, v0;
	_ =	sdelay $0x1  }
0x155: {  	v3 =	vperm.xlane @!p0 v0, v1;
	_ =	sdelay $0x1  }
0x156: {  	v0 =	vadd.f32 @!p0 v3, v0;
	v3 =	vld @!p0 [tilespmem:$0x1FF80];
	_ =	sdelay $0x4  }
0x157: {  	v3 =	vperm.xlane @!p0 v0, v3;
	_ =	sdelay $0x1  }
0x158: {  	v0 =	vadd.f32 @!p0 v3, v0;
	v3 =	vld @!p0 [tilespmem:$0x1FF90];
	_ =	sdelay $0x4  }
0x159: {  	v3 =	vperm.xlane @!p0 v0, v3;
	_ =	sdelay $0x1  }
0x15a: {  	v0 =	vadd.f32 @!p0 v3, v0;
	v3 =	vld @!p0 [tilespmem:$0x1FFA0];
	_ =	sdelay $0x4  }
0x15b: {  	v3 =	vperm.xlane @!p0 v0, v3;
	_ =	sdelay $0x1  }
0x15c: {  	v0 =	vadd.f32 @!p0 v3, v0;
	_ =	sdelay $0x1  }
0x15d: {  	s30 =	sadd.s32 $0x1, s30;
	v0 =	vmul.f32 @!p0 $3.051757810e-05, v0  }
0x15e: {  	p1 =	sne.s32 s30, s13  }
.Ltmp1:
0x15f: {  	[tilespmem:$0x1210] =	vst @!p0 v0;
	(pc) =	sbr.rel @p1 .LBB2_1-.Ltmp1, $4  }
0x160: {  	[hbm4b:s12+s5] =	stream.linear.scatter @!p0 [tilespmem:s26], [sflag:$0x4], $0x10, $0x38;
	[tilespmem:$0x1330] =	vst v63  }
0x161: {  	_ =	swait.ge @!p0 [sflag:s28], $0x10  }
0x162: {  	[sflag:s28] =	ssyncset.done @!p0 $0x0  }
0x163: {  	[sflag:s28] =	ssyncadd.s32 @!p0 $0xFFFFFFF0  }
0x164: {  	_ =	sfence.sel $0x180000  }
0x165: {  	[bflag:$0x0] =	sbarrier.arrive $0xFFFF  }
0x166: {  	_ =	strace $0x90000047  }
0x167: {  	[bflag:$0x2] =	sbarrier.arrive $0xFFFF  }
0x168: {  	s0 =	rddreg [dreg:$0x8]  }
0x169: {  	s0 =	sadd.s32 @!p0 $0x100000, s0  }
0x16a: {  	[sflag:s0] =	ssyncadd.tile.s32 @!p0 $0x1;
	_ =	shalt  }
.Lfunc_end2:
_tile_overlayer_lowered:
.L_overlay_start_2:
0x16b: {  	(tag) =	ssettag $0x2  }
0x16c: {  	s0 =	rddreg [dreg:$0x0];
	s2 =	stileid.u32  }
0x16d: {  	s1 =	rddreg [dreg:$0x1];
	p0 =	sne.s32 s2, $0x0  }
0x16e: {  	s3 =	rddreg [dreg:$0x2];
	[bflag:$0x3] =	sbarrier.arrive $0xFFFF;
	s2 =	simm.s32 @!p0 $0x1C04  }
0x16f: {  	[timem:s3], [sflag:s2] =	dma.local @!p0 [hbm:s0], s1  }
0x170: {  	s0 =	simm.s32 @!p0 $0x4  }
0x171: {  	_ =	swait.ge @!p0 [sflag:s0], s1  }
0x172: {  	s1 =	ssub.s32 @!p0 $0x0, s1;
	[sflag:s0] =	ssyncset.done @!p0 $0x0  }
0x173: {  	[sflag:s0] =	ssyncadd.s32 @!p0 s1  }
0x174: {  	[bflag:$0x3] =	sbarrier.arrive $0xFFFF  }
0x175: {  	_ =	shalt  }

</sc_bundles>
